<compile_context>
chip_gen: v7x
topology: tpu7x:2x2x1
jax: 0.10.2.dev20260603
libtpu: 0.0.44.dev20260713+nightly
codegen_flags: <defaults>
</compile_context>

<pallas_src>
import jax
import jax.numpy as jnp
from jax import lax
from jax.experimental import pallas as pl
from jax.experimental.pallas import tpu as pltpu
from jax.experimental.pallas import tpu_sc as plsc

VOCAB = 1000000
EMBED_DIM = 64
BATCH = 16384

_INFO = plsc.get_sparse_core_info()
_NC = _INFO.num_cores
_NS = _INFO.num_subcores
_DPC = EMBED_DIM // _NC
_PPT = BATCH // _NS
_VMAIN = (VOCAB // 128) * 128
_VTAIL = VOCAB - _VMAIN
_SH = VOCAB + 64
_GCHUNK = 128


def _stage_row(emb_hbm, tail_hbm, d, sh, sem):
    pltpu.async_copy(emb_hbm.at[d, pl.ds(0, _VMAIN)], sh.at[pl.ds(0, _VMAIN)],
                     sem)
    pltpu.async_copy(tail_hbm.at[d, pl.ds(0, 128)],
                     sh.at[pl.ds(_VMAIN, 128)], sem)


def _drain_row(emb_hbm, tail_hbm, d, sh, sem):
    pltpu.make_async_copy(emb_hbm.at[d, pl.ds(0, _VMAIN)],
                          sh.at[pl.ds(0, _VMAIN)], sem).wait()
    pltpu.make_async_copy(tail_hbm.at[d, pl.ds(0, 128)],
                          sh.at[pl.ds(_VMAIN, 128)], sem).wait()


def _sc_body(emb_hbm, tail_hbm, x_hbm, y_hbm, out_hbm,
             xi_v, yi_v, xvals_v, yvals_v, acc_v,
             sh0, sh1, sem0, sem1, gsem_x, gsem_y):
    cid = lax.axis_index("c")
    sid = lax.axis_index("s")
    d0 = cid * _DPC

    pltpu.sync_copy(x_hbm.at[pl.ds(sid * _PPT, _PPT)], xi_v)
    pltpu.sync_copy(y_hbm.at[pl.ds(sid * _PPT, _PPT)], yi_v)

    @pl.when(sid == 0)
    def _():
        _stage_row(emb_hbm, tail_hbm, d0, sh0, sem0)
        _stage_row(emb_hbm, tail_hbm, d0 + 1, sh1, sem1)

    def gather_mac(sh, acc):
        copies = []
        for j in range(_PPT // _GCHUNK):
            s = pl.ds(j * _GCHUNK, _GCHUNK)
            copies.append(pltpu.async_copy(
                sh.at[xi_v.at[s]], xvals_v.at[s], gsem_x))
            copies.append(pltpu.async_copy(
                sh.at[yi_v.at[s]], yvals_v.at[s], gsem_y))
        for cp in copies:
            cp.wait()
        for j in range(_PPT // 16):
            s = pl.ds(j * 16, 16)
            acc = acc + xvals_v[s] * yvals_v[s]
        return acc

    def pair_body(k, acc):
        r0 = 2 * k
        @pl.when(sid == 0)
        def _():
            _drain_row(emb_hbm, tail_hbm, d0 + r0, sh0, sem0)
        plsc.subcore_barrier()
        acc = gather_mac(sh0, acc)
        plsc.subcore_barrier()

        @pl.when((sid == 0) & (k < _DPC // 2 - 1))
        def _():
            _stage_row(emb_hbm, tail_hbm, d0 + r0 + 2, sh0, sem0)

        @pl.when(sid == 0)
        def _():
            _drain_row(emb_hbm, tail_hbm, d0 + r0 + 1, sh1, sem1)
        plsc.subcore_barrier()
        acc = gather_mac(sh1, acc)
        plsc.subcore_barrier()

        @pl.when((sid == 0) & (k < _DPC // 2 - 1))
        def _():
            _stage_row(emb_hbm, tail_hbm, d0 + r0 + 3, sh1, sem1)

        return acc

    acc = lax.fori_loop(0, _DPC // 2, pair_body, jnp.zeros((16,), jnp.float32))
    acc_v[...] = acc
    pltpu.sync_copy(acc_v, out_hbm.at[sid * _NC + cid])


def _tc_body(p_ref, o_ref):
    s = jnp.sum(p_ref[...])
    o_ref[...] = jnp.full((1, 1),
                          jnp.minimum(s, 0.0) - jnp.log1p(jnp.exp(-jnp.abs(s))),
                          jnp.float32)


def kernel(x, y_true, embeddings):
    emb_t = embeddings.T
    tail = jnp.pad(emb_t[:, _VMAIN:], ((0, 0), (0, 128 - _VTAIL)))
    mesh = plsc.VectorSubcoreMesh(core_axis_name="c", subcore_axis_name="s")
    sc = pl.kernel(
        _sc_body,
        mesh=mesh,
        out_type=jax.ShapeDtypeStruct((_NC * _NS, 16), jnp.float32),
        scratch_types=[
            pltpu.VMEM((_PPT,), jnp.int32),
            pltpu.VMEM((_PPT,), jnp.int32),
            pltpu.VMEM((_PPT,), jnp.float32),
            pltpu.VMEM((_PPT,), jnp.float32),
            pltpu.VMEM((16,), jnp.float32),
            pltpu.VMEM_SHARED((_SH,), jnp.float32),
            pltpu.VMEM_SHARED((_SH,), jnp.float32),
            pltpu.SemaphoreType.DMA,
            pltpu.SemaphoreType.DMA,
            pltpu.SemaphoreType.DMA,
            pltpu.SemaphoreType.DMA,
        ],
    )
    partials = sc(emb_t, tail, x, y_true)
    return pl.pallas_call(
        _tc_body,
        out_shape=jax.ShapeDtypeStruct((1, 1), jnp.float32),
    )(partials)

# --- scband reference (transcript-rebuilt; emitter-appended) ---
"""Pipeline reference for scband-skip-gram-12532714570341 (READ-ONLY COPY).

The authoritative reference and input builder live on the scoring server;
editing this copy changes nothing except your own understanding.
"""

import jax, jax.numpy as jnp
import numpy as np

VOCAB = 1000000
EMBED_DIM = 64
BATCH = 16384


def setup_inputs(seed: int = 0) -> dict:
    key = jax.random.key(seed)
    k1, k2, k3 = jax.random.split(key, 3)
    x = jax.random.randint(k1, (BATCH,), 0, VOCAB, dtype=jnp.int64) if jax.config.jax_enable_x64 else jax.random.randint(k1, (BATCH,), 0, VOCAB, dtype=jnp.int32)
    y_true = jax.random.randint(k2, (BATCH,), 0, VOCAB, dtype=jnp.int64) if jax.config.jax_enable_x64 else jax.random.randint(k2, (BATCH,), 0, VOCAB, dtype=jnp.int32)
    embeddings = jax.random.normal(k3, (VOCAB, EMBED_DIM), dtype=jnp.float32)
    return {"x": x, "y_true": y_true, "embeddings": embeddings}


def reference(x, y_true, embeddings):
    # center = self.embeddings(x).view(1, -1)
    center = jnp.take(embeddings, x, axis=0).reshape(1, -1)
    # context = self.embeddings(y_true).view(1, -1)
    context = jnp.take(embeddings, y_true, axis=0).reshape(1, -1)
    # out = torch.matmul(center, torch.t(context))  -> [1, 1]
    out = jnp.matmul(center, context.T)
    # out = F.logsigmoid(out)
    out = jax.nn.log_sigmoid(out)
    return out

if __name__ == "__main__":
    import jax
    _d = setup_inputs()
    print(jax.jit(kernel)(*tuple(_d.values())))

</pallas_src>

<mosaic_0001>
#map = affine_map<(d0, d1) -> (0, 0)>
#map1 = affine_map<(d0, d1) -> (0)>
module attributes {stable_mosaic.version = 14 : i64} {
  func.func @_sc_body(%arg0: i32, %arg1: i32, %arg2: memref<64x1000000xf32, #tpu.memory_space<hbm>>, %arg3: memref<64x128xf32, #tpu.memory_space<hbm>>, %arg4: memref<16384xi32, #tpu.memory_space<hbm>>, %arg5: memref<16384xi32, #tpu.memory_space<hbm>>, %arg6: memref<32x16xf32, #tpu.memory_space<hbm>>, %arg7: memref<1024xi32, #tpu.memory_space<vmem>>, %arg8: memref<1024xi32, #tpu.memory_space<vmem>>, %arg9: memref<1024xf32, #tpu.memory_space<vmem>>, %arg10: memref<1024xf32, #tpu.memory_space<vmem>>, %arg11: memref<16xf32, #tpu.memory_space<vmem>>, %arg12: memref<1000064xf32, #tpu.memory_space<vmem_shared>>, %arg13: memref<1000064xf32, #tpu.memory_space<vmem_shared>>, %arg14: memref<!tpu.dma_semaphore, #tpu.memory_space<semaphore_mem>>, %arg15: memref<!tpu.dma_semaphore, #tpu.memory_space<semaphore_mem>>, %arg16: memref<!tpu.dma_semaphore, #tpu.memory_space<semaphore_mem>>, %arg17: memref<!tpu.dma_semaphore, #tpu.memory_space<semaphore_mem>>) attributes {dimension_semantics = [#tpu.dimension_semantics<core_parallel>, #tpu.dimension_semantics<subcore_parallel>], iteration_bounds = array<i64: 2, 16>, scalar_prefetch = 0 : i64, scratch_operands = 11 : i64, tpu.core_type = #tpu.core_type<sc_vector_subcore>, window_params = [{transform_indices = #map}, {transform_indices = #map}, {transform_indices = #map1}, {transform_indices = #map1}, {transform_indices = #map}]} {
    %mul3A = arith.constant 32 : i32
    %mul3A_0 = arith.muli %arg0, %mul3A : i32
    %mul3A_1 = arith.constant 1024 : i32
    %mul3A_2 = arith.muli %arg1, %mul3A_1 : i32
    "tpu.region"() ({
      %run_scoped3A = tpu.sem_alloc : memref<!tpu.dma_semaphore, #tpu.memory_space<semaphore_mem>>
      %dma_start3A = tpu.memref_slice %arg4[%mul3A_2] : memref<16384xi32, #tpu.memory_space<hbm>> -> memref<1024xi32, #tpu.memory_space<hbm>>
      %dma_start3A_18 = tpu.memref_slice %arg4[%mul3A_2] : memref<16384xi32, #tpu.memory_space<hbm>> -> memref<1024xi32, #tpu.memory_space<hbm>>
      tpu.enqueue_dma source(%dma_start3A_18 : memref<1024xi32, #tpu.memory_space<hbm>>) target(%arg7 : memref<1024xi32, #tpu.memory_space<vmem>>) target_semaphore(%run_scoped3A : memref<!tpu.dma_semaphore, #tpu.memory_space<semaphore_mem>>)
      %dma_wait3A = tpu.memref_slice %arg4[%mul3A_2] : memref<16384xi32, #tpu.memory_space<hbm>> -> memref<1024xi32, #tpu.memory_space<hbm>>
      %dma_wait3A_19 = tpu.memref_slice %arg4[%mul3A_2] : memref<16384xi32, #tpu.memory_space<hbm>> -> memref<1024xi32, #tpu.memory_space<hbm>>
      tpu.wait_dma2 semaphore(%run_scoped3A : memref<!tpu.dma_semaphore, #tpu.memory_space<semaphore_mem>>) src(%dma_wait3A_19 : memref<1024xi32, #tpu.memory_space<hbm>>) dst(%arg7 : memref<1024xi32, #tpu.memory_space<vmem>>)
      tpu.yield
    }) : () -> ()
    %mul3A_3 = arith.constant 1024 : i32
    %mul3A_4 = arith.muli %arg1, %mul3A_3 : i32
    "tpu.region"() ({
      %run_scoped3A = tpu.sem_alloc : memref<!tpu.dma_semaphore, #tpu.memory_space<semaphore_mem>>
      %dma_start3A = tpu.memref_slice %arg5[%mul3A_4] : memref<16384xi32, #tpu.memory_space<hbm>> -> memref<1024xi32, #tpu.memory_space<hbm>>
      %dma_start3A_18 = tpu.memref_slice %arg5[%mul3A_4] : memref<16384xi32, #tpu.memory_space<hbm>> -> memref<1024xi32, #tpu.memory_space<hbm>>
      tpu.enqueue_dma source(%dma_start3A_18 : memref<1024xi32, #tpu.memory_space<hbm>>) target(%arg8 : memref<1024xi32, #tpu.memory_space<vmem>>) target_semaphore(%run_scoped3A : memref<!tpu.dma_semaphore, #tpu.memory_space<semaphore_mem>>)
      %dma_wait3A = tpu.memref_slice %arg5[%mul3A_4] : memref<16384xi32, #tpu.memory_space<hbm>> -> memref<1024xi32, #tpu.memory_space<hbm>>
      %dma_wait3A_19 = tpu.memref_slice %arg5[%mul3A_4] : memref<16384xi32, #tpu.memory_space<hbm>> -> memref<1024xi32, #tpu.memory_space<hbm>>
      tpu.wait_dma2 semaphore(%run_scoped3A : memref<!tpu.dma_semaphore, #tpu.memory_space<semaphore_mem>>) src(%dma_wait3A_19 : memref<1024xi32, #tpu.memory_space<hbm>>) dst(%arg8 : memref<1024xi32, #tpu.memory_space<vmem>>)
      tpu.yield
    }) : () -> ()
    %eq3A = arith.constant 0 : i32
    %eq3A_5 = arith.cmpi eq, %arg1, %eq3A : i32
    %convert_element_type3A = arith.extui %eq3A_5 : i1 to i32
    %cond3A = arith.constant 0 : i32
    %cond3A_6 = arith.cmpi ne, %convert_element_type3A, %cond3A : i32
    scf.if %cond3A_6 {
      %dma_start3A = arith.constant 0 : i32
      %dma_start3A_18 = tpu.memref_slice %arg12[%dma_start3A] : memref<1000064xf32, #tpu.memory_space<vmem_shared>> -> memref<999936xf32, #tpu.memory_space<vmem_shared>>
      %dma_start3A_19 = arith.constant 0 : i32
      %dma_start3A_20 = tpu.memref_slice %arg2[%mul3A_0, %dma_start3A_19] : memref<64x1000000xf32, #tpu.memory_space<hbm>> -> memref<1x999936xf32, #tpu.memory_space<hbm>>
      %dma_start3A_21 = tpu.memref_squeeze %dma_start3A_20 : memref<1x999936xf32, #tpu.memory_space<hbm>> -> memref<999936xf32, #tpu.memory_space<hbm>>
      tpu.enqueue_dma source(%dma_start3A_21 : memref<999936xf32, #tpu.memory_space<hbm>>) target(%dma_start3A_18 : memref<999936xf32, #tpu.memory_space<vmem_shared>>) target_semaphore(%arg14 : memref<!tpu.dma_semaphore, #tpu.memory_space<semaphore_mem>>)
      %dma_start3A_22 = arith.constant 999936 : i32
      %dma_start3A_23 = tpu.memref_slice %arg12[%dma_start3A_22] : memref<1000064xf32, #tpu.memory_space<vmem_shared>> -> memref<128xf32, #tpu.memory_space<vmem_shared>>
      %dma_start3A_24 = arith.constant 0 : i32
      %dma_start3A_25 = tpu.memref_slice %arg3[%mul3A_0, %dma_start3A_24] : memref<64x128xf32, #tpu.memory_space<hbm>> -> memref<1x128xf32, #tpu.memory_space<hbm>>
      %dma_start3A_26 = tpu.memref_squeeze %dma_start3A_25 : memref<1x128xf32, #tpu.memory_space<hbm>> -> memref<128xf32, #tpu.memory_space<hbm>>
      tpu.enqueue_dma source(%dma_start3A_26 : memref<128xf32, #tpu.memory_space<hbm>>) target(%dma_start3A_23 : memref<128xf32, #tpu.memory_space<vmem_shared>>) target_semaphore(%arg14 : memref<!tpu.dma_semaphore, #tpu.memory_space<semaphore_mem>>)
      %add3A_27 = arith.constant 1 : i32
      %add3A_28 = arith.addi %mul3A_0, %add3A_27 : i32
      %dma_start3A_29 = arith.constant 0 : i32
      %dma_start3A_30 = tpu.memref_slice %arg13[%dma_start3A_29] : memref<1000064xf32, #tpu.memory_space<vmem_shared>> -> memref<999936xf32, #tpu.memory_space<vmem_shared>>
      %dma_start3A_31 = arith.constant 0 : i32
      %dma_start3A_32 = tpu.memref_slice %arg2[%add3A_28, %dma_start3A_31] : memref<64x1000000xf32, #tpu.memory_space<hbm>> -> memref<1x999936xf32, #tpu.memory_space<hbm>>
      %dma_start3A_33 = tpu.memref_squeeze %dma_start3A_32 : memref<1x999936xf32, #tpu.memory_space<hbm>> -> memref<999936xf32, #tpu.memory_space<hbm>>
      tpu.enqueue_dma source(%dma_start3A_33 : memref<999936xf32, #tpu.memory_space<hbm>>) target(%dma_start3A_30 : memref<999936xf32, #tpu.memory_space<vmem_shared>>) target_semaphore(%arg15 : memref<!tpu.dma_semaphore, #tpu.memory_space<semaphore_mem>>)
      %dma_start3A_34 = arith.constant 999936 : i32
      %dma_start3A_35 = tpu.memref_slice %arg13[%dma_start3A_34] : memref<1000064xf32, #tpu.memory_space<vmem_shared>> -> memref<128xf32, #tpu.memory_space<vmem_shared>>
      %dma_start3A_36 = arith.constant 0 : i32
      %dma_start3A_37 = tpu.memref_slice %arg3[%add3A_28, %dma_start3A_36] : memref<64x128xf32, #tpu.memory_space<hbm>> -> memref<1x128xf32, #tpu.memory_space<hbm>>
      %dma_start3A_38 = tpu.memref_squeeze %dma_start3A_37 : memref<1x128xf32, #tpu.memory_space<hbm>> -> memref<128xf32, #tpu.memory_space<hbm>>
      tpu.enqueue_dma source(%dma_start3A_38 : memref<128xf32, #tpu.memory_space<hbm>>) target(%dma_start3A_35 : memref<128xf32, #tpu.memory_space<vmem_shared>>) target_semaphore(%arg15 : memref<!tpu.dma_semaphore, #tpu.memory_space<semaphore_mem>>)
    } else {
    }
    %broadcast_in_dim3A = arith.constant 0.000000e+00 : f32
    %broadcast_in_dim3A_7 = vector.broadcast %broadcast_in_dim3A : f32 to vector<16xf32>
    %scan3A = arith.constant 0 : i32
    %scan3A_8 = arith.constant 16 : i32
    %scan3A_9 = arith.addi %scan3A, %scan3A_8 : i32
    %scan3A_10 = arith.constant 1 : i32
    %scan3A_11 = scf.for %scan3A_18 = %scan3A to %scan3A_9 step %scan3A_10 iter_args(%scan3A_19 = %broadcast_in_dim3A_7) -> (vector<16xf32>)  : i32 {
      %mul3A_20 = arith.constant 2 : i32
      %mul3A_21 = arith.muli %mul3A_20, %scan3A_18 : i32
      %eq3A_22 = arith.constant 0 : i32
      %eq3A_23 = arith.cmpi eq, %arg1, %eq3A_22 : i32
      %convert_element_type3A_24 = arith.extui %eq3A_23 : i1 to i32
      %cond3A_25 = arith.constant 0 : i32
      %cond3A_26 = arith.cmpi ne, %convert_element_type3A_24, %cond3A_25 : i32
      scf.if %cond3A_26 {
        %add3A_1454 = arith.addi %mul3A_0, %mul3A_21 : i32
        %dma_wait3A_1455 = arith.constant 0 : i32
        %dma_wait3A_1456 = tpu.memref_slice %arg12[%dma_wait3A_1455] : memref<1000064xf32, #tpu.memory_space<vmem_shared>> -> memref<999936xf32, #tpu.memory_space<vmem_shared>>
        %dma_wait3A_1457 = arith.constant 0 : i32
        %dma_wait3A_1458 = tpu.memref_slice %arg2[%add3A_1454, %dma_wait3A_1457] : memref<64x1000000xf32, #tpu.memory_space<hbm>> -> memref<1x999936xf32, #tpu.memory_space<hbm>>
        %dma_wait3A_1459 = tpu.memref_squeeze %dma_wait3A_1458 : memref<1x999936xf32, #tpu.memory_space<hbm>> -> memref<999936xf32, #tpu.memory_space<hbm>>
        tpu.wait_dma2 semaphore(%arg14 : memref<!tpu.dma_semaphore, #tpu.memory_space<semaphore_mem>>) src(%dma_wait3A_1459 : memref<999936xf32, #tpu.memory_space<hbm>>) dst(%dma_wait3A_1456 : memref<999936xf32, #tpu.memory_space<vmem_shared>>)
        %dma_wait3A_1460 = arith.constant 999936 : i32
        %dma_wait3A_1461 = tpu.memref_slice %arg12[%dma_wait3A_1460] : memref<1000064xf32, #tpu.memory_space<vmem_shared>> -> memref<128xf32, #tpu.memory_space<vmem_shared>>
        %dma_wait3A_1462 = arith.constant 0 : i32
        %dma_wait3A_1463 = tpu.memref_slice %arg3[%add3A_1454, %dma_wait3A_1462] : memref<64x128xf32, #tpu.memory_space<hbm>> -> memref<1x128xf32, #tpu.memory_space<hbm>>
        %dma_wait3A_1464 = tpu.memref_squeeze %dma_wait3A_1463 : memref<1x128xf32, #tpu.memory_space<hbm>> -> memref<128xf32, #tpu.memory_space<hbm>>
        tpu.wait_dma2 semaphore(%arg14 : memref<!tpu.dma_semaphore, #tpu.memory_space<semaphore_mem>>) src(%dma_wait3A_1464 : memref<128xf32, #tpu.memory_space<hbm>>) dst(%dma_wait3A_1461 : memref<128xf32, #tpu.memory_space<vmem_shared>>)
      } else {
      }
      %barrier3A = arith.constant 0 : index
      tpu.barrier barrier_id(%barrier3A)
      %dma_start3A = arith.constant 0 : i32
      %dma_start3A_27 = tpu.memref_slice %arg9[%dma_start3A] : memref<1024xf32, #tpu.memory_space<vmem>> -> memref<128xf32, #tpu.memory_space<vmem>>
      %dma_start3A_28 = arith.constant 0 : i32
      %dma_start3A_29 = tpu.memref_slice %arg7[%dma_start3A_28] : memref<1024xi32, #tpu.memory_space<vmem>> -> memref<128xi32, #tpu.memory_space<vmem>>
      %dma_start3A_30 = arith.constant 0 : i32
      %dma_start3A_31 = tpu.memref_slice %arg12[%dma_start3A_30] : memref<1000064xf32, #tpu.memory_space<vmem_shared>> -> memref<1000064xf32, #tpu.memory_space<vmem_shared>>
      tpu.enqueue_indirect_dma source(%dma_start3A_31 : memref<1000064xf32, #tpu.memory_space<vmem_shared>>) target(%dma_start3A_27 : memref<128xf32, #tpu.memory_space<vmem>>) offsets(%dma_start3A_29 : memref<128xi32, #tpu.memory_space<vmem>>) semaphore(%arg16 : memref<!tpu.dma_semaphore, #tpu.memory_space<semaphore_mem>>)
      %dma_start3A_32 = arith.constant 0 : i32
      %dma_start3A_33 = tpu.memref_slice %arg10[%dma_start3A_32] : memref<1024xf32, #tpu.memory_space<vmem>> -> memref<128xf32, #tpu.memory_space<vmem>>
      %dma_start3A_34 = arith.constant 0 : i32
      %dma_start3A_35 = tpu.memref_slice %arg8[%dma_start3A_34] : memref<1024xi32, #tpu.memory_space<vmem>> -> memref<128xi32, #tpu.memory_space<vmem>>
      %dma_start3A_36 = arith.constant 0 : i32
      %dma_start3A_37 = tpu.memref_slice %arg12[%dma_start3A_36] : memref<1000064xf32, #tpu.memory_space<vmem_shared>> -> memref<1000064xf32, #tpu.memory_space<vmem_shared>>
      tpu.enqueue_indirect_dma source(%dma_start3A_37 : memref<1000064xf32, #tpu.memory_space<vmem_shared>>) target(%dma_start3A_33 : memref<128xf32, #tpu.memory_space<vmem>>) offsets(%dma_start3A_35 : memref<128xi32, #tpu.memory_space<vmem>>) semaphore(%arg17 : memref<!tpu.dma_semaphore, #tpu.memory_space<semaphore_mem>>)
      %dma_start3A_38 = arith.constant 128 : i32
      %dma_start3A_39 = tpu.memref_slice %arg9[%dma_start3A_38] : memref<1024xf32, #tpu.memory_space<vmem>> -> memref<128xf32, #tpu.memory_space<vmem>>
      %dma_start3A_40 = arith.constant 128 : i32
      %dma_start3A_41 = tpu.memref_slice %arg7[%dma_start3A_40] : memref<1024xi32, #tpu.memory_space<vmem>> -> memref<128xi32, #tpu.memory_space<vmem>>
      %dma_start3A_42 = arith.constant 0 : i32
      %dma_start3A_43 = tpu.memref_slice %arg12[%dma_start3A_42] : memref<1000064xf32, #tpu.memory_space<vmem_shared>> -> memref<1000064xf32, #tpu.memory_space<vmem_shared>>
      tpu.enqueue_indirect_dma source(%dma_start3A_43 : memref<1000064xf32, #tpu.memory_space<vmem_shared>>) target(%dma_start3A_39 : memref<128xf32, #tpu.memory_space<vmem>>) offsets(%dma_start3A_41 : memref<128xi32, #tpu.memory_space<vmem>>) semaphore(%arg16 : memref<!tpu.dma_semaphore, #tpu.memory_space<semaphore_mem>>)
      %dma_start3A_44 = arith.constant 128 : i32
      %dma_start3A_45 = tpu.memref_slice %arg10[%dma_start3A_44] : memref<1024xf32, #tpu.memory_space<vmem>> -> memref<128xf32, #tpu.memory_space<vmem>>
      %dma_start3A_46 = arith.constant 128 : i32
      %dma_start3A_47 = tpu.memref_slice %arg8[%dma_start3A_46] : memref<1024xi32, #tpu.memory_space<vmem>> -> memref<128xi32, #tpu.memory_space<vmem>>
      %dma_start3A_48 = arith.constant 0 : i32
      %dma_start3A_49 = tpu.memref_slice %arg12[%dma_start3A_48] : memref<1000064xf32, #tpu.memory_space<vmem_shared>> -> memref<1000064xf32, #tpu.memory_space<vmem_shared>>
      tpu.enqueue_indirect_dma source(%dma_start3A_49 : memref<1000064xf32, #tpu.memory_space<vmem_shared>>) target(%dma_start3A_45 : memref<128xf32, #tpu.memory_space<vmem>>) offsets(%dma_start3A_47 : memref<128xi32, #tpu.memory_space<vmem>>) semaphore(%arg17 : memref<!tpu.dma_semaphore, #tpu.memory_space<semaphore_mem>>)
      %dma_start3A_50 = arith.constant 256 : i32
      %dma_start3A_51 = tpu.memref_slice %arg9[%dma_start3A_50] : memref<1024xf32, #tpu.memory_space<vmem>> -> memref<128xf32, #tpu.memory_space<vmem>>
      %dma_start3A_52 = arith.constant 256 : i32
      %dma_start3A_53 = tpu.memref_slice %arg7[%dma_start3A_52] : memref<1024xi32, #tpu.memory_space<vmem>> -> memref<128xi32, #tpu.memory_space<vmem>>
      %dma_start3A_54 = arith.constant 0 : i32
      %dma_start3A_55 = tpu.memref_slice %arg12[%dma_start3A_54] : memref<1000064xf32, #tpu.memory_space<vmem_shared>> -> memref<1000064xf32, #tpu.memory_space<vmem_shared>>
      tpu.enqueue_indirect_dma source(%dma_start3A_55 : memref<1000064xf32, #tpu.memory_space<vmem_shared>>) target(%dma_start3A_51 : memref<128xf32, #tpu.memory_space<vmem>>) offsets(%dma_start3A_53 : memref<128xi32, #tpu.memory_space<vmem>>) semaphore(%arg16 : memref<!tpu.dma_semaphore, #tpu.memory_space<semaphore_mem>>)
      %dma_start3A_56 = arith.constant 256 : i32
      %dma_start3A_57 = tpu.memref_slice %arg10[%dma_start3A_56] : memref<1024xf32, #tpu.memory_space<vmem>> -> memref<128xf32, #tpu.memory_space<vmem>>
      %dma_start3A_58 = arith.constant 256 : i32
      %dma_start3A_59 = tpu.memref_slice %arg8[%dma_start3A_58] : memref<1024xi32, #tpu.memory_space<vmem>> -> memref<128xi32, #tpu.memory_space<vmem>>
      %dma_start3A_60 = arith.constant 0 : i32
      %dma_start3A_61 = tpu.memref_slice %arg12[%dma_start3A_60] : memref<1000064xf32, #tpu.memory_space<vmem_shared>> -> memref<1000064xf32, #tpu.memory_space<vmem_shared>>
      tpu.enqueue_indirect_dma source(%dma_start3A_61 : memref<1000064xf32, #tpu.memory_space<vmem_shared>>) target(%dma_start3A_57 : memref<128xf32, #tpu.memory_space<vmem>>) offsets(%dma_start3A_59 : memref<128xi32, #tpu.memory_space<vmem>>) semaphore(%arg17 : memref<!tpu.dma_semaphore, #tpu.memory_space<semaphore_mem>>)
      %dma_start3A_62 = arith.constant 384 : i32
      %dma_start3A_63 = tpu.memref_slice %arg9[%dma_start3A_62] : memref<1024xf32, #tpu.memory_space<vmem>> -> memref<128xf32, #tpu.memory_space<vmem>>
      %dma_start3A_64 = arith.constant 384 : i32
      %dma_start3A_65 = tpu.memref_slice %arg7[%dma_start3A_64] : memref<1024xi32, #tpu.memory_space<vmem>> -> memref<128xi32, #tpu.memory_space<vmem>>
      %dma_start3A_66 = arith.constant 0 : i32
      %dma_start3A_67 = tpu.memref_slice %arg12[%dma_start3A_66] : memref<1000064xf32, #tpu.memory_space<vmem_shared>> -> memref<1000064xf32, #tpu.memory_space<vmem_shared>>
      tpu.enqueue_indirect_dma source(%dma_start3A_67 : memref<1000064xf32, #tpu.memory_space<vmem_shared>>) target(%dma_start3A_63 : memref<128xf32, #tpu.memory_space<vmem>>) offsets(%dma_start3A_65 : memref<128xi32, #tpu.memory_space<vmem>>) semaphore(%arg16 : memref<!tpu.dma_semaphore, #tpu.memory_space<semaphore_mem>>)
      %dma_start3A_68 = arith.constant 384 : i32
      %dma_start3A_69 = tpu.memref_slice %arg10[%dma_start3A_68] : memref<1024xf32, #tpu.memory_space<vmem>> -> memref<128xf32, #tpu.memory_space<vmem>>
      %dma_start3A_70 = arith.constant 384 : i32
      %dma_start3A_71 = tpu.memref_slice %arg8[%dma_start3A_70] : memref<1024xi32, #tpu.memory_space<vmem>> -> memref<128xi32, #tpu.memory_space<vmem>>
      %dma_start3A_72 = arith.constant 0 : i32
      %dma_start3A_73 = tpu.memref_slice %arg12[%dma_start3A_72] : memref<1000064xf32, #tpu.memory_space<vmem_shared>> -> memref<1000064xf32, #tpu.memory_space<vmem_shared>>
      tpu.enqueue_indirect_dma source(%dma_start3A_73 : memref<1000064xf32, #tpu.memory_space<vmem_shared>>) target(%dma_start3A_69 : memref<128xf32, #tpu.memory_space<vmem>>) offsets(%dma_start3A_71 : memref<128xi32, #tpu.memory_space<vmem>>) semaphore(%arg17 : memref<!tpu.dma_semaphore, #tpu.memory_space<semaphore_mem>>)
      %dma_start3A_74 = arith.constant 512 : i32
      %dma_start3A_75 = tpu.memref_slice %arg9[%dma_start3A_74] : memref<1024xf32, #tpu.memory_space<vmem>> -> memref<128xf32, #tpu.memory_space<vmem>>
      %dma_start3A_76 = arith.constant 512 : i32
      %dma_start3A_77 = tpu.memref_slice %arg7[%dma_start3A_76] : memref<1024xi32, #tpu.memory_space<vmem>> -> memref<128xi32, #tpu.memory_space<vmem>>
      %dma_start3A_78 = arith.constant 0 : i32
      %dma_start3A_79 = tpu.memref_slice %arg12[%dma_start3A_78] : memref<1000064xf32, #tpu.memory_space<vmem_shared>> -> memref<1000064xf32, #tpu.memory_space<vmem_shared>>
      tpu.enqueue_indirect_dma source(%dma_start3A_79 : memref<1000064xf32, #tpu.memory_space<vmem_shared>>) target(%dma_start3A_75 : memref<128xf32, #tpu.memory_space<vmem>>) offsets(%dma_start3A_77 : memref<128xi32, #tpu.memory_space<vmem>>) semaphore(%arg16 : memref<!tpu.dma_semaphore, #tpu.memory_space<semaphore_mem>>)
      %dma_start3A_80 = arith.constant 512 : i32
      %dma_start3A_81 = tpu.memref_slice %arg10[%dma_start3A_80] : memref<1024xf32, #tpu.memory_space<vmem>> -> memref<128xf32, #tpu.memory_space<vmem>>
      %dma_start3A_82 = arith.constant 512 : i32
      %dma_start3A_83 = tpu.memref_slice %arg8[%dma_start3A_82] : memref<1024xi32, #tpu.memory_space<vmem>> -> memref<128xi32, #tpu.memory_space<vmem>>
      %dma_start3A_84 = arith.constant 0 : i32
      %dma_start3A_85 = tpu.memref_slice %arg12[%dma_start3A_84] : memref<1000064xf32, #tpu.memory_space<vmem_shared>> -> memref<1000064xf32, #tpu.memory_space<vmem_shared>>
      tpu.enqueue_indirect_dma source(%dma_start3A_85 : memref<1000064xf32, #tpu.memory_space<vmem_shared>>) target(%dma_start3A_81 : memref<128xf32, #tpu.memory_space<vmem>>) offsets(%dma_start3A_83 : memref<128xi32, #tpu.memory_space<vmem>>) semaphore(%arg17 : memref<!tpu.dma_semaphore, #tpu.memory_space<semaphore_mem>>)
      %dma_start3A_86 = arith.constant 640 : i32
      %dma_start3A_87 = tpu.memref_slice %arg9[%dma_start3A_86] : memref<1024xf32, #tpu.memory_space<vmem>> -> memref<128xf32, #tpu.memory_space<vmem>>
      %dma_start3A_88 = arith.constant 640 : i32
      %dma_start3A_89 = tpu.memref_slice %arg7[%dma_start3A_88] : memref<1024xi32, #tpu.memory_space<vmem>> -> memref<128xi32, #tpu.memory_space<vmem>>
      %dma_start3A_90 = arith.constant 0 : i32
      %dma_start3A_91 = tpu.memref_slice %arg12[%dma_start3A_90] : memref<1000064xf32, #tpu.memory_space<vmem_shared>> -> memref<1000064xf32, #tpu.memory_space<vmem_shared>>
      tpu.enqueue_indirect_dma source(%dma_start3A_91 : memref<1000064xf32, #tpu.memory_space<vmem_shared>>) target(%dma_start3A_87 : memref<128xf32, #tpu.memory_space<vmem>>) offsets(%dma_start3A_89 : memref<128xi32, #tpu.memory_space<vmem>>) semaphore(%arg16 : memref<!tpu.dma_semaphore, #tpu.memory_space<semaphore_mem>>)
      %dma_start3A_92 = arith.constant 640 : i32
      %dma_start3A_93 = tpu.memref_slice %arg10[%dma_start3A_92] : memref<1024xf32, #tpu.memory_space<vmem>> -> memref<128xf32, #tpu.memory_space<vmem>>
      %dma_start3A_94 = arith.constant 640 : i32
      %dma_start3A_95 = tpu.memref_slice %arg8[%dma_start3A_94] : memref<1024xi32, #tpu.memory_space<vmem>> -> memref<128xi32, #tpu.memory_space<vmem>>
      %dma_start3A_96 = arith.constant 0 : i32
      %dma_start3A_97 = tpu.memref_slice %arg12[%dma_start3A_96] : memref<1000064xf32, #tpu.memory_space<vmem_shared>> -> memref<1000064xf32, #tpu.memory_space<vmem_shared>>
      tpu.enqueue_indirect_dma source(%dma_start3A_97 : memref<1000064xf32, #tpu.memory_space<vmem_shared>>) target(%dma_start3A_93 : memref<128xf32, #tpu.memory_space<vmem>>) offsets(%dma_start3A_95 : memref<128xi32, #tpu.memory_space<vmem>>) semaphore(%arg17 : memref<!tpu.dma_semaphore, #tpu.memory_space<semaphore_mem>>)
      %dma_start3A_98 = arith.constant 768 : i32
      %dma_start3A_99 = tpu.memref_slice %arg9[%dma_start3A_98] : memref<1024xf32, #tpu.memory_space<vmem>> -> memref<128xf32, #tpu.memory_space<vmem>>
      %dma_start3A_100 = arith.constant 768 : i32
      %dma_start3A_101 = tpu.memref_slice %arg7[%dma_start3A_100] : memref<1024xi32, #tpu.memory_space<vmem>> -> memref<128xi32, #tpu.memory_space<vmem>>
      %dma_start3A_102 = arith.constant 0 : i32
      %dma_start3A_103 = tpu.memref_slice %arg12[%dma_start3A_102] : memref<1000064xf32, #tpu.memory_space<vmem_shared>> -> memref<1000064xf32, #tpu.memory_space<vmem_shared>>
      tpu.enqueue_indirect_dma source(%dma_start3A_103 : memref<1000064xf32, #tpu.memory_space<vmem_shared>>) target(%dma_start3A_99 : memref<128xf32, #tpu.memory_space<vmem>>) offsets(%dma_start3A_101 : memref<128xi32, #tpu.memory_space<vmem>>) semaphore(%arg16 : memref<!tpu.dma_semaphore, #tpu.memory_space<semaphore_mem>>)
      %dma_start3A_104 = arith.constant 768 : i32
      %dma_start3A_105 = tpu.memref_slice %arg10[%dma_start3A_104] : memref<1024xf32, #tpu.memory_space<vmem>> -> memref<128xf32, #tpu.memory_space<vmem>>
      %dma_start3A_106 = arith.constant 768 : i32
      %dma_start3A_107 = tpu.memref_slice %arg8[%dma_start3A_106] : memref<1024xi32, #tpu.memory_space<vmem>> -> memref<128xi32, #tpu.memory_space<vmem>>
      %dma_start3A_108 = arith.constant 0 : i32
      %dma_start3A_109 = tpu.memref_slice %arg12[%dma_start3A_108] : memref<1000064xf32, #tpu.memory_space<vmem_shared>> -> memref<1000064xf32, #tpu.memory_space<vmem_shared>>
      tpu.enqueue_indirect_dma source(%dma_start3A_109 : memref<1000064xf32, #tpu.memory_space<vmem_shared>>) target(%dma_start3A_105 : memref<128xf32, #tpu.memory_space<vmem>>) offsets(%dma_start3A_107 : memref<128xi32, #tpu.memory_space<vmem>>) semaphore(%arg17 : memref<!tpu.dma_semaphore, #tpu.memory_space<semaphore_mem>>)
      %dma_start3A_110 = arith.constant 896 : i32
      %dma_start3A_111 = tpu.memref_slice %arg9[%dma_start3A_110] : memref<1024xf32, #tpu.memory_space<vmem>> -> memref<128xf32, #tpu.memory_space<vmem>>
      %dma_start3A_112 = arith.constant 896 : i32
      %dma_start3A_113 = tpu.memref_slice %arg7[%dma_start3A_112] : memref<1024xi32, #tpu.memory_space<vmem>> -> memref<128xi32, #tpu.memory_space<vmem>>
      %dma_start3A_114 = arith.constant 0 : i32
      %dma_start3A_115 = tpu.memref_slice %arg12[%dma_start3A_114] : memref<1000064xf32, #tpu.memory_space<vmem_shared>> -> memref<1000064xf32, #tpu.memory_space<vmem_shared>>
      tpu.enqueue_indirect_dma source(%dma_start3A_115 : memref<1000064xf32, #tpu.memory_space<vmem_shared>>) target(%dma_start3A_111 : memref<128xf32, #tpu.memory_space<vmem>>) offsets(%dma_start3A_113 : memref<128xi32, #tpu.memory_space<vmem>>) semaphore(%arg16 : memref<!tpu.dma_semaphore, #tpu.memory_space<semaphore_mem>>)
      %dma_start3A_116 = arith.constant 896 : i32
      %dma_start3A_117 = tpu.memref_slice %arg10[%dma_start3A_116] : memref<1024xf32, #tpu.memory_space<vmem>> -> memref<128xf32, #tpu.memory_space<vmem>>
      %dma_start3A_118 = arith.constant 896 : i32
      %dma_start3A_119 = tpu.memref_slice %arg8[%dma_start3A_118] : memref<1024xi32, #tpu.memory_space<vmem>> -> memref<128xi32, #tpu.memory_space<vmem>>
      %dma_start3A_120 = arith.constant 0 : i32
      %dma_start3A_121 = tpu.memref_slice %arg12[%dma_start3A_120] : memref<1000064xf32, #tpu.memory_space<vmem_shared>> -> memref<1000064xf32, #tpu.memory_space<vmem_shared>>
      tpu.enqueue_indirect_dma source(%dma_start3A_121 : memref<1000064xf32, #tpu.memory_space<vmem_shared>>) target(%dma_start3A_117 : memref<128xf32, #tpu.memory_space<vmem>>) offsets(%dma_start3A_119 : memref<128xi32, #tpu.memory_space<vmem>>) semaphore(%arg17 : memref<!tpu.dma_semaphore, #tpu.memory_space<semaphore_mem>>)
      %dma_wait3A = arith.constant 0 : i32
      %dma_wait3A_122 = tpu.memref_slice %arg9[%dma_wait3A] : memref<1024xf32, #tpu.memory_space<vmem>> -> memref<128xf32, #tpu.memory_space<vmem>>
      %dma_wait3A_123 = arith.constant 0 : i32
      %dma_wait3A_124 = tpu.memref_slice %arg7[%dma_wait3A_123] : memref<1024xi32, #tpu.memory_space<vmem>> -> memref<128xi32, #tpu.memory_space<vmem>>
      %dma_wait3A_125 = arith.constant 0 : i32
      %dma_wait3A_126 = tpu.memref_slice %arg12[%dma_wait3A_125] : memref<1000064xf32, #tpu.memory_space<vmem_shared>> -> memref<1000064xf32, #tpu.memory_space<vmem_shared>>
      tpu.wait_indirect_dma semaphore(%arg16 : memref<!tpu.dma_semaphore, #tpu.memory_space<semaphore_mem>>) src(%dma_wait3A_126 : memref<1000064xf32, #tpu.memory_space<vmem_shared>>) dst(%dma_wait3A_122 : memref<128xf32, #tpu.memory_space<vmem>>)
      %dma_wait3A_127 = arith.constant 0 : i32
      %dma_wait3A_128 = tpu.memref_slice %arg10[%dma_wait3A_127] : memref<1024xf32, #tpu.memory_space<vmem>> -> memref<128xf32, #tpu.memory_space<vmem>>
      %dma_wait3A_129 = arith.constant 0 : i32
      %dma_wait3A_130 = tpu.memref_slice %arg8[%dma_wait3A_129] : memref<1024xi32, #tpu.memory_space<vmem>> -> memref<128xi32, #tpu.memory_space<vmem>>
      %dma_wait3A_131 = arith.constant 0 : i32
      %dma_wait3A_132 = tpu.memref_slice %arg12[%dma_wait3A_131] : memref<1000064xf32, #tpu.memory_space<vmem_shared>> -> memref<1000064xf32, #tpu.memory_space<vmem_shared>>
      tpu.wait_indirect_dma semaphore(%arg17 : memref<!tpu.dma_semaphore, #tpu.memory_space<semaphore_mem>>) src(%dma_wait3A_132 : memref<1000064xf32, #tpu.memory_space<vmem_shared>>) dst(%dma_wait3A_128 : memref<128xf32, #tpu.memory_space<vmem>>)
      %dma_wait3A_133 = arith.constant 128 : i32
      %dma_wait3A_134 = tpu.memref_slice %arg9[%dma_wait3A_133] : memref<1024xf32, #tpu.memory_space<vmem>> -> memref<128xf32, #tpu.memory_space<vmem>>
      %dma_wait3A_135 = arith.constant 128 : i32
      %dma_wait3A_136 = tpu.memref_slice %arg7[%dma_wait3A_135] : memref<1024xi32, #tpu.memory_space<vmem>> -> memref<128xi32, #tpu.memory_space<vmem>>
      %dma_wait3A_137 = arith.constant 0 : i32
      %dma_wait3A_138 = tpu.memref_slice %arg12[%dma_wait3A_137] : memref<1000064xf32, #tpu.memory_space<vmem_shared>> -> memref<1000064xf32, #tpu.memory_space<vmem_shared>>
      tpu.wait_indirect_dma semaphore(%arg16 : memref<!tpu.dma_semaphore, #tpu.memory_space<semaphore_mem>>) src(%dma_wait3A_138 : memref<1000064xf32, #tpu.memory_space<vmem_shared>>) dst(%dma_wait3A_134 : memref<128xf32, #tpu.memory_space<vmem>>)
      %dma_wait3A_139 = arith.constant 128 : i32
      %dma_wait3A_140 = tpu.memref_slice %arg10[%dma_wait3A_139] : memref<1024xf32, #tpu.memory_space<vmem>> -> memref<128xf32, #tpu.memory_space<vmem>>
      %dma_wait3A_141 = arith.constant 128 : i32
      %dma_wait3A_142 = tpu.memref_slice %arg8[%dma_wait3A_141] : memref<1024xi32, #tpu.memory_space<vmem>> -> memref<128xi32, #tpu.memory_space<vmem>>
      %dma_wait3A_143 = arith.constant 0 : i32
      %dma_wait3A_144 = tpu.memref_slice %arg12[%dma_wait3A_143] : memref<1000064xf32, #tpu.memory_space<vmem_shared>> -> memref<1000064xf32, #tpu.memory_space<vmem_shared>>
      tpu.wait_indirect_dma semaphore(%arg17 : memref<!tpu.dma_semaphore, #tpu.memory_space<semaphore_mem>>) src(%dma_wait3A_144 : memref<1000064xf32, #tpu.memory_space<vmem_shared>>) dst(%dma_wait3A_140 : memref<128xf32, #tpu.memory_space<vmem>>)
      %dma_wait3A_145 = arith.constant 256 : i32
      %dma_wait3A_146 = tpu.memref_slice %arg9[%dma_wait3A_145] : memref<1024xf32, #tpu.memory_space<vmem>> -> memref<128xf32, #tpu.memory_space<vmem>>
      %dma_wait3A_147 = arith.constant 256 : i32
      %dma_wait3A_148 = tpu.memref_slice %arg7[%dma_wait3A_147] : memref<1024xi32, #tpu.memory_space<vmem>> -> memref<128xi32, #tpu.memory_space<vmem>>
      %dma_wait3A_149 = arith.constant 0 : i32
      %dma_wait3A_150 = tpu.memref_slice %arg12[%dma_wait3A_149] : memref<1000064xf32, #tpu.memory_space<vmem_shared>> -> memref<1000064xf32, #tpu.memory_space<vmem_shared>>
      tpu.wait_indirect_dma semaphore(%arg16 : memref<!tpu.dma_semaphore, #tpu.memory_space<semaphore_mem>>) src(%dma_wait3A_150 : memref<1000064xf32, #tpu.memory_space<vmem_shared>>) dst(%dma_wait3A_146 : memref<128xf32, #tpu.memory_space<vmem>>)
      %dma_wait3A_151 = arith.constant 256 : i32
      %dma_wait3A_152 = tpu.memref_slice %arg10[%dma_wait3A_151] : memref<1024xf32, #tpu.memory_space<vmem>> -> memref<128xf32, #tpu.memory_space<vmem>>
      %dma_wait3A_153 = arith.constant 256 : i32
      %dma_wait3A_154 = tpu.memref_slice %arg8[%dma_wait3A_153] : memref<1024xi32, #tpu.memory_space<vmem>> -> memref<128xi32, #tpu.memory_space<vmem>>
      %dma_wait3A_155 = arith.constant 0 : i32
      %dma_wait3A_156 = tpu.memref_slice %arg12[%dma_wait3A_155] : memref<1000064xf32, #tpu.memory_space<vmem_shared>> -> memref<1000064xf32, #tpu.memory_space<vmem_shared>>
      tpu.wait_indirect_dma semaphore(%arg17 : memref<!tpu.dma_semaphore, #tpu.memory_space<semaphore_mem>>) src(%dma_wait3A_156 : memref<1000064xf32, #tpu.memory_space<vmem_shared>>) dst(%dma_wait3A_152 : memref<128xf32, #tpu.memory_space<vmem>>)
      %dma_wait3A_157 = arith.constant 384 : i32
      %dma_wait3A_158 = tpu.memref_slice %arg9[%dma_wait3A_157] : memref<1024xf32, #tpu.memory_space<vmem>> -> memref<128xf32, #tpu.memory_space<vmem>>
      %dma_wait3A_159 = arith.constant 384 : i32
      %dma_wait3A_160 = tpu.memref_slice %arg7[%dma_wait3A_159] : memref<1024xi32, #tpu.memory_space<vmem>> -> memref<128xi32, #tpu.memory_space<vmem>>
      %dma_wait3A_161 = arith.constant 0 : i32
      %dma_wait3A_162 = tpu.memref_slice %arg12[%dma_wait3A_161] : memref<1000064xf32, #tpu.memory_space<vmem_shared>> -> memref<1000064xf32, #tpu.memory_space<vmem_shared>>
      tpu.wait_indirect_dma semaphore(%arg16 : memref<!tpu.dma_semaphore, #tpu.memory_space<semaphore_mem>>) src(%dma_wait3A_162 : memref<1000064xf32, #tpu.memory_space<vmem_shared>>) dst(%dma_wait3A_158 : memref<128xf32, #tpu.memory_space<vmem>>)
      %dma_wait3A_163 = arith.constant 384 : i32
      %dma_wait3A_164 = tpu.memref_slice %arg10[%dma_wait3A_163] : memref<1024xf32, #tpu.memory_space<vmem>> -> memref<128xf32, #tpu.memory_space<vmem>>
      %dma_wait3A_165 = arith.constant 384 : i32
      %dma_wait3A_166 = tpu.memref_slice %arg8[%dma_wait3A_165] : memref<1024xi32, #tpu.memory_space<vmem>> -> memref<128xi32, #tpu.memory_space<vmem>>
      %dma_wait3A_167 = arith.constant 0 : i32
      %dma_wait3A_168 = tpu.memref_slice %arg12[%dma_wait3A_167] : memref<1000064xf32, #tpu.memory_space<vmem_shared>> -> memref<1000064xf32, #tpu.memory_space<vmem_shared>>
      tpu.wait_indirect_dma semaphore(%arg17 : memref<!tpu.dma_semaphore, #tpu.memory_space<semaphore_mem>>) src(%dma_wait3A_168 : memref<1000064xf32, #tpu.memory_space<vmem_shared>>) dst(%dma_wait3A_164 : memref<128xf32, #tpu.memory_space<vmem>>)
      %dma_wait3A_169 = arith.constant 512 : i32
      %dma_wait3A_170 = tpu.memref_slice %arg9[%dma_wait3A_169] : memref<1024xf32, #tpu.memory_space<vmem>> -> memref<128xf32, #tpu.memory_space<vmem>>
      %dma_wait3A_171 = arith.constant 512 : i32
      %dma_wait3A_172 = tpu.memref_slice %arg7[%dma_wait3A_171] : memref<1024xi32, #tpu.memory_space<vmem>> -> memref<128xi32, #tpu.memory_space<vmem>>
      %dma_wait3A_173 = arith.constant 0 : i32
      %dma_wait3A_174 = tpu.memref_slice %arg12[%dma_wait3A_173] : memref<1000064xf32, #tpu.memory_space<vmem_shared>> -> memref<1000064xf32, #tpu.memory_space<vmem_shared>>
      tpu.wait_indirect_dma semaphore(%arg16 : memref<!tpu.dma_semaphore, #tpu.memory_space<semaphore_mem>>) src(%dma_wait3A_174 : memref<1000064xf32, #tpu.memory_space<vmem_shared>>) dst(%dma_wait3A_170 : memref<128xf32, #tpu.memory_space<vmem>>)
      %dma_wait3A_175 = arith.constant 512 : i32
      %dma_wait3A_176 = tpu.memref_slice %arg10[%dma_wait3A_175] : memref<1024xf32, #tpu.memory_space<vmem>> -> memref<128xf32, #tpu.memory_space<vmem>>
      %dma_wait3A_177 = arith.constant 512 : i32
      %dma_wait3A_178 = tpu.memref_slice %arg8[%dma_wait3A_177] : memref<1024xi32, #tpu.memory_space<vmem>> -> memref<128xi32, #tpu.memory_space<vmem>>
      %dma_wait3A_179 = arith.constant 0 : i32
      %dma_wait3A_180 = tpu.memref_slice %arg12[%dma_wait3A_179] : memref<1000064xf32, #tpu.memory_space<vmem_shared>> -> memref<1000064xf32, #tpu.memory_space<vmem_shared>>
      tpu.wait_indirect_dma semaphore(%arg17 : memref<!tpu.dma_semaphore, #tpu.memory_space<semaphore_mem>>) src(%dma_wait3A_180 : memref<1000064xf32, #tpu.memory_space<vmem_shared>>) dst(%dma_wait3A_176 : memref<128xf32, #tpu.memory_space<vmem>>)
      %dma_wait3A_181 = arith.constant 640 : i32
      %dma_wait3A_182 = tpu.memref_slice %arg9[%dma_wait3A_181] : memref<1024xf32, #tpu.memory_space<vmem>> -> memref<128xf32, #tpu.memory_space<vmem>>
      %dma_wait3A_183 = arith.constant 640 : i32
      %dma_wait3A_184 = tpu.memref_slice %arg7[%dma_wait3A_183] : memref<1024xi32, #tpu.memory_space<vmem>> -> memref<128xi32, #tpu.memory_space<vmem>>
      %dma_wait3A_185 = arith.constant 0 : i32
      %dma_wait3A_186 = tpu.memref_slice %arg12[%dma_wait3A_185] : memref<1000064xf32, #tpu.memory_space<vmem_shared>> -> memref<1000064xf32, #tpu.memory_space<vmem_shared>>
      tpu.wait_indirect_dma semaphore(%arg16 : memref<!tpu.dma_semaphore, #tpu.memory_space<semaphore_mem>>) src(%dma_wait3A_186 : memref<1000064xf32, #tpu.memory_space<vmem_shared>>) dst(%dma_wait3A_182 : memref<128xf32, #tpu.memory_space<vmem>>)
      %dma_wait3A_187 = arith.constant 640 : i32
      %dma_wait3A_188 = tpu.memref_slice %arg10[%dma_wait3A_187] : memref<1024xf32, #tpu.memory_space<vmem>> -> memref<128xf32, #tpu.memory_space<vmem>>
      %dma_wait3A_189 = arith.constant 640 : i32
      %dma_wait3A_190 = tpu.memref_slice %arg8[%dma_wait3A_189] : memref<1024xi32, #tpu.memory_space<vmem>> -> memref<128xi32, #tpu.memory_space<vmem>>
      %dma_wait3A_191 = arith.constant 0 : i32
      %dma_wait3A_192 = tpu.memref_slice %arg12[%dma_wait3A_191] : memref<1000064xf32, #tpu.memory_space<vmem_shared>> -> memref<1000064xf32, #tpu.memory_space<vmem_shared>>
      tpu.wait_indirect_dma semaphore(%arg17 : memref<!tpu.dma_semaphore, #tpu.memory_space<semaphore_mem>>) src(%dma_wait3A_192 : memref<1000064xf32, #tpu.memory_space<vmem_shared>>) dst(%dma_wait3A_188 : memref<128xf32, #tpu.memory_space<vmem>>)
      %dma_wait3A_193 = arith.constant 768 : i32
      %dma_wait3A_194 = tpu.memref_slice %arg9[%dma_wait3A_193] : memref<1024xf32, #tpu.memory_space<vmem>> -> memref<128xf32, #tpu.memory_space<vmem>>
      %dma_wait3A_195 = arith.constant 768 : i32
      %dma_wait3A_196 = tpu.memref_slice %arg7[%dma_wait3A_195] : memref<1024xi32, #tpu.memory_space<vmem>> -> memref<128xi32, #tpu.memory_space<vmem>>
      %dma_wait3A_197 = arith.constant 0 : i32
      %dma_wait3A_198 = tpu.memref_slice %arg12[%dma_wait3A_197] : memref<1000064xf32, #tpu.memory_space<vmem_shared>> -> memref<1000064xf32, #tpu.memory_space<vmem_shared>>
      tpu.wait_indirect_dma semaphore(%arg16 : memref<!tpu.dma_semaphore, #tpu.memory_space<semaphore_mem>>) src(%dma_wait3A_198 : memref<1000064xf32, #tpu.memory_space<vmem_shared>>) dst(%dma_wait3A_194 : memref<128xf32, #tpu.memory_space<vmem>>)
      %dma_wait3A_199 = arith.constant 768 : i32
      %dma_wait3A_200 = tpu.memref_slice %arg10[%dma_wait3A_199] : memref<1024xf32, #tpu.memory_space<vmem>> -> memref<128xf32, #tpu.memory_space<vmem>>
      %dma_wait3A_201 = arith.constant 768 : i32
      %dma_wait3A_202 = tpu.memref_slice %arg8[%dma_wait3A_201] : memref<1024xi32, #tpu.memory_space<vmem>> -> memref<128xi32, #tpu.memory_space<vmem>>
      %dma_wait3A_203 = arith.constant 0 : i32
      %dma_wait3A_204 = tpu.memref_slice %arg12[%dma_wait3A_203] : memref<1000064xf32, #tpu.memory_space<vmem_shared>> -> memref<1000064xf32, #tpu.memory_space<vmem_shared>>
      tpu.wait_indirect_dma semaphore(%arg17 : memref<!tpu.dma_semaphore, #tpu.memory_space<semaphore_mem>>) src(%dma_wait3A_204 : memref<1000064xf32, #tpu.memory_space<vmem_shared>>) dst(%dma_wait3A_200 : memref<128xf32, #tpu.memory_space<vmem>>)
      %dma_wait3A_205 = arith.constant 896 : i32
      %dma_wait3A_206 = tpu.memref_slice %arg9[%dma_wait3A_205] : memref<1024xf32, #tpu.memory_space<vmem>> -> memref<128xf32, #tpu.memory_space<vmem>>
      %dma_wait3A_207 = arith.constant 896 : i32
      %dma_wait3A_208 = tpu.memref_slice %arg7[%dma_wait3A_207] : memref<1024xi32, #tpu.memory_space<vmem>> -> memref<128xi32, #tpu.memory_space<vmem>>
      %dma_wait3A_209 = arith.constant 0 : i32
      %dma_wait3A_210 = tpu.memref_slice %arg12[%dma_wait3A_209] : memref<1000064xf32, #tpu.memory_space<vmem_shared>> -> memref<1000064xf32, #tpu.memory_space<vmem_shared>>
      tpu.wait_indirect_dma semaphore(%arg16 : memref<!tpu.dma_semaphore, #tpu.memory_space<semaphore_mem>>) src(%dma_wait3A_210 : memref<1000064xf32, #tpu.memory_space<vmem_shared>>) dst(%dma_wait3A_206 : memref<128xf32, #tpu.memory_space<vmem>>)
      %dma_wait3A_211 = arith.constant 896 : i32
      %dma_wait3A_212 = tpu.memref_slice %arg10[%dma_wait3A_211] : memref<1024xf32, #tpu.memory_space<vmem>> -> memref<128xf32, #tpu.memory_space<vmem>>
      %dma_wait3A_213 = arith.constant 896 : i32
      %dma_wait3A_214 = tpu.memref_slice %arg8[%dma_wait3A_213] : memref<1024xi32, #tpu.memory_space<vmem>> -> memref<128xi32, #tpu.memory_space<vmem>>
      %dma_wait3A_215 = arith.constant 0 : i32
      %dma_wait3A_216 = tpu.memref_slice %arg12[%dma_wait3A_215] : memref<1000064xf32, #tpu.memory_space<vmem_shared>> -> memref<1000064xf32, #tpu.memory_space<vmem_shared>>
      tpu.wait_indirect_dma semaphore(%arg17 : memref<!tpu.dma_semaphore, #tpu.memory_space<semaphore_mem>>) src(%dma_wait3A_216 : memref<1000064xf32, #tpu.memory_space<vmem_shared>>) dst(%dma_wait3A_212 : memref<128xf32, #tpu.memory_space<vmem>>)
      %get3A = arith.constant 0 : index
      %get3A_217 = tpu.vector_load %arg9[%get3A] {strides = array<i32>} : memref<1024xf32, #tpu.memory_space<vmem>>, vector<16xf32>,
      %get3A_218 = vector.shape_cast %get3A_217 : vector<16xf32> to vector<16xf32>
      %get3A_219 = arith.constant 0 : index
      %get3A_220 = tpu.vector_load %arg10[%get3A_219] {strides = array<i32>} : memref<1024xf32, #tpu.memory_space<vmem>>, vector<16xf32>,
      %get3A_221 = vector.shape_cast %get3A_220 : vector<16xf32> to vector<16xf32>
      %mul3A_222 = arith.mulf %get3A_218, %get3A_221 : vector<16xf32>
      %add3A_223 = arith.addf %scan3A_19, %mul3A_222 : vector<16xf32>
      %get3A_224 = arith.constant 16 : index
      %get3A_225 = tpu.vector_load %arg9[%get3A_224] {strides = array<i32>} : memref<1024xf32, #tpu.memory_space<vmem>>, vector<16xf32>,
      %get3A_226 = vector.shape_cast %get3A_225 : vector<16xf32> to vector<16xf32>
      %get3A_227 = arith.constant 16 : index
      %get3A_228 = tpu.vector_load %arg10[%get3A_227] {strides = array<i32>} : memref<1024xf32, #tpu.memory_space<vmem>>, vector<16xf32>,
      %get3A_229 = vector.shape_cast %get3A_228 : vector<16xf32> to vector<16xf32>
      %mul3A_230 = arith.mulf %get3A_226, %get3A_229 : vector<16xf32>
      %add3A_231 = arith.addf %add3A_223, %mul3A_230 : vector<16xf32>
      %get3A_232 = arith.constant 32 : index
      %get3A_233 = tpu.vector_load %arg9[%get3A_232] {strides = array<i32>} : memref<1024xf32, #tpu.memory_space<vmem>>, vector<16xf32>,
      %get3A_234 = vector.shape_cast %get3A_233 : vector<16xf32> to vector<16xf32>
      %get3A_235 = arith.constant 32 : index
      %get3A_236 = tpu.vector_load %arg10[%get3A_235] {strides = array<i32>} : memref<1024xf32, #tpu.memory_space<vmem>>, vector<16xf32>,
      %get3A_237 = vector.shape_cast %get3A_236 : vector<16xf32> to vector<16xf32>
      %mul3A_238 = arith.mulf %get3A_234, %get3A_237 : vector<16xf32>
      %add3A_239 = arith.addf %add3A_231, %mul3A_238 : vector<16xf32>
      %get3A_240 = arith.constant 48 : index
      %get3A_241 = tpu.vector_load %arg9[%get3A_240] {strides = array<i32>} : memref<1024xf32, #tpu.memory_space<vmem>>, vector<16xf32>,
      %get3A_242 = vector.shape_cast %get3A_241 : vector<16xf32> to vector<16xf32>
      %get3A_243 = arith.constant 48 : index
      %get3A_244 = tpu.vector_load %arg10[%get3A_243] {strides = array<i32>} : memref<1024xf32, #tpu.memory_space<vmem>>, vector<16xf32>,
      %get3A_245 = vector.shape_cast %get3A_244 : vector<16xf32> to vector<16xf32>
      %mul3A_246 = arith.mulf %get3A_242, %get3A_245 : vector<16xf32>
      %add3A_247 = arith.addf %add3A_239, %mul3A_246 : vector<16xf32>
      %get3A_248 = arith.constant 64 : index
      %get3A_249 = tpu.vector_load %arg9[%get3A_248] {strides = array<i32>} : memref<1024xf32, #tpu.memory_space<vmem>>, vector<16xf32>,
      %get3A_250 = vector.shape_cast %get3A_249 : vector<16xf32> to vector<16xf32>
      %get3A_251 = arith.constant 64 : index
      %get3A_252 = tpu.vector_load %arg10[%get3A_251] {strides = array<i32>} : memref<1024xf32, #tpu.memory_space<vmem>>, vector<16xf32>,
      %get3A_253 = vector.shape_cast %get3A_252 : vector<16xf32> to vector<16xf32>
      %mul3A_254 = arith.mulf %get3A_250, %get3A_253 : vector<16xf32>
      %add3A_255 = arith.addf %add3A_247, %mul3A_254 : vector<16xf32>
      %get3A_256 = arith.constant 80 : index
      %get3A_257 = tpu.vector_load %arg9[%get3A_256] {strides = array<i32>} : memref<1024xf32, #tpu.memory_space<vmem>>, vector<16xf32>,
      %get3A_258 = vector.shape_cast %get3A_257 : vector<16xf32> to vector<16xf32>
      %get3A_259 = arith.constant 80 : index
      %get3A_260 = tpu.vector_load %arg10[%get3A_259] {strides = array<i32>} : memref<1024xf32, #tpu.memory_space<vmem>>, vector<16xf32>,
      %get3A_261 = vector.shape_cast %get3A_260 : vector<16xf32> to vector<16xf32>
      %mul3A_262 = arith.mulf %get3A_258, %get3A_261 : vector<16xf32>
      %add3A_263 = arith.addf %add3A_255, %mul3A_262 : vector<16xf32>
      %get3A_264 = arith.constant 96 : index
      %get3A_265 = tpu.vector_load %arg9[%get3A_264] {strides = array<i32>} : memref<1024xf32, #tpu.memory_space<vmem>>, vector<16xf32>,
      %get3A_266 = vector.shape_cast %get3A_265 : vector<16xf32> to vector<16xf32>
      %get3A_267 = arith.constant 96 : index
      %get3A_268 = tpu.vector_load %arg10[%get3A_267] {strides = array<i32>} : memref<1024xf32, #tpu.memory_space<vmem>>, vector<16xf32>,
      %get3A_269 = vector.shape_cast %get3A_268 : vector<16xf32> to vector<16xf32>
      %mul3A_270 = arith.mulf %get3A_266, %get3A_269 : vector<16xf32>
      %add3A_271 = arith.addf %add3A_263, %mul3A_270 : vector<16xf32>
      %get3A_272 = arith.constant 112 : index
      %get3A_273 = tpu.vector_load %arg9[%get3A_272] {strides = array<i32>} : memref<1024xf32, #tpu.memory_space<vmem>>, vector<16xf32>,
      %get3A_274 = vector.shape_cast %get3A_273 : vector<16xf32> to vector<16xf32>
      %get3A_275 = arith.constant 112 : index
      %get3A_276 = tpu.vector_load %arg10[%get3A_275] {strides = array<i32>} : memref<1024xf32, #tpu.memory_space<vmem>>, vector<16xf32>,
      %get3A_277 = vector.shape_cast %get3A_276 : vector<16xf32> to vector<16xf32>
      %mul3A_278 = arith.mulf %get3A_274, %get3A_277 : vector<16xf32>
      %add3A_279 = arith.addf %add3A_271, %mul3A_278 : vector<16xf32>
      %get3A_280 = arith.constant 128 : index
      %get3A_281 = tpu.vector_load %arg9[%get3A_280] {strides = array<i32>} : memref<1024xf32, #tpu.memory_space<vmem>>, vector<16xf32>,
      %get3A_282 = vector.shape_cast %get3A_281 : vector<16xf32> to vector<16xf32>
      %get3A_283 = arith.constant 128 : index
      %get3A_284 = tpu.vector_load %arg10[%get3A_283] {strides = array<i32>} : memref<1024xf32, #tpu.memory_space<vmem>>, vector<16xf32>,
      %get3A_285 = vector.shape_cast %get3A_284 : vector<16xf32> to vector<16xf32>
      %mul3A_286 = arith.mulf %get3A_282, %get3A_285 : vector<16xf32>
      %add3A_287 = arith.addf %add3A_279, %mul3A_286 : vector<16xf32>
      %get3A_288 = arith.constant 144 : index
      %get3A_289 = tpu.vector_load %arg9[%get3A_288] {strides = array<i32>} : memref<1024xf32, #tpu.memory_space<vmem>>, vector<16xf32>,
      %get3A_290 = vector.shape_cast %get3A_289 : vector<16xf32> to vector<16xf32>
      %get3A_291 = arith.constant 144 : index
      %get3A_292 = tpu.vector_load %arg10[%get3A_291] {strides = array<i32>} : memref<1024xf32, #tpu.memory_space<vmem>>, vector<16xf32>,
      %get3A_293 = vector.shape_cast %get3A_292 : vector<16xf32> to vector<16xf32>
      %mul3A_294 = arith.mulf %get3A_290, %get3A_293 : vector<16xf32>
      %add3A_295 = arith.addf %add3A_287, %mul3A_294 : vector<16xf32>
      %get3A_296 = arith.constant 160 : index
      %get3A_297 = tpu.vector_load %arg9[%get3A_296] {strides = array<i32>} : memref<1024xf32, #tpu.memory_space<vmem>>, vector<16xf32>,
      %get3A_298 = vector.shape_cast %get3A_297 : vector<16xf32> to vector<16xf32>
      %get3A_299 = arith.constant 160 : index
      %get3A_300 = tpu.vector_load %arg10[%get3A_299] {strides = array<i32>} : memref<1024xf32, #tpu.memory_space<vmem>>, vector<16xf32>,
      %get3A_301 = vector.shape_cast %get3A_300 : vector<16xf32> to vector<16xf32>
      %mul3A_302 = arith.mulf %get3A_298, %get3A_301 : vector<16xf32>
      %add3A_303 = arith.addf %add3A_295, %mul3A_302 : vector<16xf32>
      %get3A_304 = arith.constant 176 : index
      %get3A_305 = tpu.vector_load %arg9[%get3A_304] {strides = array<i32>} : memref<1024xf32, #tpu.memory_space<vmem>>, vector<16xf32>,
      %get3A_306 = vector.shape_cast %get3A_305 : vector<16xf32> to vector<16xf32>
      %get3A_307 = arith.constant 176 : index
      %get3A_308 = tpu.vector_load %arg10[%get3A_307] {strides = array<i32>} : memref<1024xf32, #tpu.memory_space<vmem>>, vector<16xf32>,
      %get3A_309 = vector.shape_cast %get3A_308 : vector<16xf32> to vector<16xf32>
      %mul3A_310 = arith.mulf %get3A_306, %get3A_309 : vector<16xf32>
      %add3A_311 = arith.addf %add3A_303, %mul3A_310 : vector<16xf32>
      %get3A_312 = arith.constant 192 : index
      %get3A_313 = tpu.vector_load %arg9[%get3A_312] {strides = array<i32>} : memref<1024xf32, #tpu.memory_space<vmem>>, vector<16xf32>,
      %get3A_314 = vector.shape_cast %get3A_313 : vector<16xf32> to vector<16xf32>
      %get3A_315 = arith.constant 192 : index
      %get3A_316 = tpu.vector_load %arg10[%get3A_315] {strides = array<i32>} : memref<1024xf32, #tpu.memory_space<vmem>>, vector<16xf32>,
      %get3A_317 = vector.shape_cast %get3A_316 : vector<16xf32> to vector<16xf32>
      %mul3A_318 = arith.mulf %get3A_314, %get3A_317 : vector<16xf32>
      %add3A_319 = arith.addf %add3A_311, %mul3A_318 : vector<16xf32>
      %get3A_320 = arith.constant 208 : index
      %get3A_321 = tpu.vector_load %arg9[%get3A_320] {strides = array<i32>} : memref<1024xf32, #tpu.memory_space<vmem>>, vector<16xf32>,
      %get3A_322 = vector.shape_cast %get3A_321 : vector<16xf32> to vector<16xf32>
      %get3A_323 = arith.constant 208 : index
      %get3A_324 = tpu.vector_load %arg10[%get3A_323] {strides = array<i32>} : memref<1024xf32, #tpu.memory_space<vmem>>, vector<16xf32>,
      %get3A_325 = vector.shape_cast %get3A_324 : vector<16xf32> to vector<16xf32>
      %mul3A_326 = arith.mulf %get3A_322, %get3A_325 : vector<16xf32>
      %add3A_327 = arith.addf %add3A_319, %mul3A_326 : vector<16xf32>
      %get3A_328 = arith.constant 224 : index
      %get3A_329 = tpu.vector_load %arg9[%get3A_328] {strides = array<i32>} : memref<1024xf32, #tpu.memory_space<vmem>>, vector<16xf32>,
      %get3A_330 = vector.shape_cast %get3A_329 : vector<16xf32> to vector<16xf32>
      %get3A_331 = arith.constant 224 : index
      %get3A_332 = tpu.vector_load %arg10[%get3A_331] {strides = array<i32>} : memref<1024xf32, #tpu.memory_space<vmem>>, vector<16xf32>,
      %get3A_333 = vector.shape_cast %get3A_332 : vector<16xf32> to vector<16xf32>
      %mul3A_334 = arith.mulf %get3A_330, %get3A_333 : vector<16xf32>
      %add3A_335 = arith.addf %add3A_327, %mul3A_334 : vector<16xf32>
      %get3A_336 = arith.constant 240 : index
      %get3A_337 = tpu.vector_load %arg9[%get3A_336] {strides = array<i32>} : memref<1024xf32, #tpu.memory_space<vmem>>, vector<16xf32>,
      %get3A_338 = vector.shape_cast %get3A_337 : vector<16xf32> to vector<16xf32>
      %get3A_339 = arith.constant 240 : index
      %get3A_340 = tpu.vector_load %arg10[%get3A_339] {strides = array<i32>} : memref<1024xf32, #tpu.memory_space<vmem>>, vector<16xf32>,
      %get3A_341 = vector.shape_cast %get3A_340 : vector<16xf32> to vector<16xf32>
      %mul3A_342 = arith.mulf %get3A_338, %get3A_341 : vector<16xf32>
      %add3A_343 = arith.addf %add3A_335, %mul3A_342 : vector<16xf32>
      %get3A_344 = arith.constant 256 : index
      %get3A_345 = tpu.vector_load %arg9[%get3A_344] {strides = array<i32>} : memref<1024xf32, #tpu.memory_space<vmem>>, vector<16xf32>,
      %get3A_346 = vector.shape_cast %get3A_345 : vector<16xf32> to vector<16xf32>
      %get3A_347 = arith.constant 256 : index
      %get3A_348 = tpu.vector_load %arg10[%get3A_347] {strides = array<i32>} : memref<1024xf32, #tpu.memory_space<vmem>>, vector<16xf32>,
      %get3A_349 = vector.shape_cast %get3A_348 : vector<16xf32> to vector<16xf32>
      %mul3A_350 = arith.mulf %get3A_346, %get3A_349 : vector<16xf32>
      %add3A_351 = arith.addf %add3A_343, %mul3A_350 : vector<16xf32>
      %get3A_352 = arith.constant 272 : index
      %get3A_353 = tpu.vector_load %arg9[%get3A_352] {strides = array<i32>} : memref<1024xf32, #tpu.memory_space<vmem>>, vector<16xf32>,
      %get3A_354 = vector.shape_cast %get3A_353 : vector<16xf32> to vector<16xf32>
      %get3A_355 = arith.constant 272 : index
      %get3A_356 = tpu.vector_load %arg10[%get3A_355] {strides = array<i32>} : memref<1024xf32, #tpu.memory_space<vmem>>, vector<16xf32>,
      %get3A_357 = vector.shape_cast %get3A_356 : vector<16xf32> to vector<16xf32>
      %mul3A_358 = arith.mulf %get3A_354, %get3A_357 : vector<16xf32>
      %add3A_359 = arith.addf %add3A_351, %mul3A_358 : vector<16xf32>
      %get3A_360 = arith.constant 288 : index
      %get3A_361 = tpu.vector_load %arg9[%get3A_360] {strides = array<i32>} : memref<1024xf32, #tpu.memory_space<vmem>>, vector<16xf32>,
      %get3A_362 = vector.shape_cast %get3A_361 : vector<16xf32> to vector<16xf32>
      %get3A_363 = arith.constant 288 : index
      %get3A_364 = tpu.vector_load %arg10[%get3A_363] {strides = array<i32>} : memref<1024xf32, #tpu.memory_space<vmem>>, vector<16xf32>,
      %get3A_365 = vector.shape_cast %get3A_364 : vector<16xf32> to vector<16xf32>
      %mul3A_366 = arith.mulf %get3A_362, %get3A_365 : vector<16xf32>
      %add3A_367 = arith.addf %add3A_359, %mul3A_366 : vector<16xf32>
      %get3A_368 = arith.constant 304 : index
      %get3A_369 = tpu.vector_load %arg9[%get3A_368] {strides = array<i32>} : memref<1024xf32, #tpu.memory_space<vmem>>, vector<16xf32>,
      %get3A_370 = vector.shape_cast %get3A_369 : vector<16xf32> to vector<16xf32>
      %get3A_371 = arith.constant 304 : index
      %get3A_372 = tpu.vector_load %arg10[%get3A_371] {strides = array<i32>} : memref<1024xf32, #tpu.memory_space<vmem>>, vector<16xf32>,
      %get3A_373 = vector.shape_cast %get3A_372 : vector<16xf32> to vector<16xf32>
      %mul3A_374 = arith.mulf %get3A_370, %get3A_373 : vector<16xf32>
      %add3A_375 = arith.addf %add3A_367, %mul3A_374 : vector<16xf32>
      %get3A_376 = arith.constant 320 : index
      %get3A_377 = tpu.vector_load %arg9[%get3A_376] {strides = array<i32>} : memref<1024xf32, #tpu.memory_space<vmem>>, vector<16xf32>,
      %get3A_378 = vector.shape_cast %get3A_377 : vector<16xf32> to vector<16xf32>
      %get3A_379 = arith.constant 320 : index
      %get3A_380 = tpu.vector_load %arg10[%get3A_379] {strides = array<i32>} : memref<1024xf32, #tpu.memory_space<vmem>>, vector<16xf32>,
      %get3A_381 = vector.shape_cast %get3A_380 : vector<16xf32> to vector<16xf32>
      %mul3A_382 = arith.mulf %get3A_378, %get3A_381 : vector<16xf32>
      %add3A_383 = arith.addf %add3A_375, %mul3A_382 : vector<16xf32>
      %get3A_384 = arith.constant 336 : index
      %get3A_385 = tpu.vector_load %arg9[%get3A_384] {strides = array<i32>} : memref<1024xf32, #tpu.memory_space<vmem>>, vector<16xf32>,
      %get3A_386 = vector.shape_cast %get3A_385 : vector<16xf32> to vector<16xf32>
      %get3A_387 = arith.constant 336 : index
      %get3A_388 = tpu.vector_load %arg10[%get3A_387] {strides = array<i32>} : memref<1024xf32, #tpu.memory_space<vmem>>, vector<16xf32>,
      %get3A_389 = vector.shape_cast %get3A_388 : vector<16xf32> to vector<16xf32>
      %mul3A_390 = arith.mulf %get3A_386, %get3A_389 : vector<16xf32>
      %add3A_391 = arith.addf %add3A_383, %mul3A_390 : vector<16xf32>
      %get3A_392 = arith.constant 352 : index
      %get3A_393 = tpu.vector_load %arg9[%get3A_392] {strides = array<i32>} : memref<1024xf32, #tpu.memory_space<vmem>>, vector<16xf32>,
      %get3A_394 = vector.shape_cast %get3A_393 : vector<16xf32> to vector<16xf32>
      %get3A_395 = arith.constant 352 : index
      %get3A_396 = tpu.vector_load %arg10[%get3A_395] {strides = array<i32>} : memref<1024xf32, #tpu.memory_space<vmem>>, vector<16xf32>,
      %get3A_397 = vector.shape_cast %get3A_396 : vector<16xf32> to vector<16xf32>
      %mul3A_398 = arith.mulf %get3A_394, %get3A_397 : vector<16xf32>
      %add3A_399 = arith.addf %add3A_391, %mul3A_398 : vector<16xf32>
      %get3A_400 = arith.constant 368 : index
      %get3A_401 = tpu.vector_load %arg9[%get3A_400] {strides = array<i32>} : memref<1024xf32, #tpu.memory_space<vmem>>, vector<16xf32>,
      %get3A_402 = vector.shape_cast %get3A_401 : vector<16xf32> to vector<16xf32>
      %get3A_403 = arith.constant 368 : index
      %get3A_404 = tpu.vector_load %arg10[%get3A_403] {strides = array<i32>} : memref<1024xf32, #tpu.memory_space<vmem>>, vector<16xf32>,
      %get3A_405 = vector.shape_cast %get3A_404 : vector<16xf32> to vector<16xf32>
      %mul3A_406 = arith.mulf %get3A_402, %get3A_405 : vector<16xf32>
      %add3A_407 = arith.addf %add3A_399, %mul3A_406 : vector<16xf32>
      %get3A_408 = arith.constant 384 : index
      %get3A_409 = tpu.vector_load %arg9[%get3A_408] {strides = array<i32>} : memref<1024xf32, #tpu.memory_space<vmem>>, vector<16xf32>,
      %get3A_410 = vector.shape_cast %get3A_409 : vector<16xf32> to vector<16xf32>
      %get3A_411 = arith.constant 384 : index
      %get3A_412 = tpu.vector_load %arg10[%get3A_411] {strides = array<i32>} : memref<1024xf32, #tpu.memory_space<vmem>>, vector<16xf32>,
      %get3A_413 = vector.shape_cast %get3A_412 : vector<16xf32> to vector<16xf32>
      %mul3A_414 = arith.mulf %get3A_410, %get3A_413 : vector<16xf32>
      %add3A_415 = arith.addf %add3A_407, %mul3A_414 : vector<16xf32>
      %get3A_416 = arith.constant 400 : index
      %get3A_417 = tpu.vector_load %arg9[%get3A_416] {strides = array<i32>} : memref<1024xf32, #tpu.memory_space<vmem>>, vector<16xf32>,
      %get3A_418 = vector.shape_cast %get3A_417 : vector<16xf32> to vector<16xf32>
      %get3A_419 = arith.constant 400 : index
      %get3A_420 = tpu.vector_load %arg10[%get3A_419] {strides = array<i32>} : memref<1024xf32, #tpu.memory_space<vmem>>, vector<16xf32>,
      %get3A_421 = vector.shape_cast %get3A_420 : vector<16xf32> to vector<16xf32>
      %mul3A_422 = arith.mulf %get3A_418, %get3A_421 : vector<16xf32>
      %add3A_423 = arith.addf %add3A_415, %mul3A_422 : vector<16xf32>
      %get3A_424 = arith.constant 416 : index
      %get3A_425 = tpu.vector_load %arg9[%get3A_424] {strides = array<i32>} : memref<1024xf32, #tpu.memory_space<vmem>>, vector<16xf32>,
      %get3A_426 = vector.shape_cast %get3A_425 : vector<16xf32> to vector<16xf32>
      %get3A_427 = arith.constant 416 : index
      %get3A_428 = tpu.vector_load %arg10[%get3A_427] {strides = array<i32>} : memref<1024xf32, #tpu.memory_space<vmem>>, vector<16xf32>,
      %get3A_429 = vector.shape_cast %get3A_428 : vector<16xf32> to vector<16xf32>
      %mul3A_430 = arith.mulf %get3A_426, %get3A_429 : vector<16xf32>
      %add3A_431 = arith.addf %add3A_423, %mul3A_430 : vector<16xf32>
      %get3A_432 = arith.constant 432 : index
      %get3A_433 = tpu.vector_load %arg9[%get3A_432] {strides = array<i32>} : memref<1024xf32, #tpu.memory_space<vmem>>, vector<16xf32>,
      %get3A_434 = vector.shape_cast %get3A_433 : vector<16xf32> to vector<16xf32>
      %get3A_435 = arith.constant 432 : index
      %get3A_436 = tpu.vector_load %arg10[%get3A_435] {strides = array<i32>} : memref<1024xf32, #tpu.memory_space<vmem>>, vector<16xf32>,
      %get3A_437 = vector.shape_cast %get3A_436 : vector<16xf32> to vector<16xf32>
      %mul3A_438 = arith.mulf %get3A_434, %get3A_437 : vector<16xf32>
      %add3A_439 = arith.addf %add3A_431, %mul3A_438 : vector<16xf32>
      %get3A_440 = arith.constant 448 : index
      %get3A_441 = tpu.vector_load %arg9[%get3A_440] {strides = array<i32>} : memref<1024xf32, #tpu.memory_space<vmem>>, vector<16xf32>,
      %get3A_442 = vector.shape_cast %get3A_441 : vector<16xf32> to vector<16xf32>
      %get3A_443 = arith.constant 448 : index
      %get3A_444 = tpu.vector_load %arg10[%get3A_443] {strides = array<i32>} : memref<1024xf32, #tpu.memory_space<vmem>>, vector<16xf32>,
      %get3A_445 = vector.shape_cast %get3A_444 : vector<16xf32> to vector<16xf32>
      %mul3A_446 = arith.mulf %get3A_442, %get3A_445 : vector<16xf32>
      %add3A_447 = arith.addf %add3A_439, %mul3A_446 : vector<16xf32>
      %get3A_448 = arith.constant 464 : index
      %get3A_449 = tpu.vector_load %arg9[%get3A_448] {strides = array<i32>} : memref<1024xf32, #tpu.memory_space<vmem>>, vector<16xf32>,
      %get3A_450 = vector.shape_cast %get3A_449 : vector<16xf32> to vector<16xf32>
      %get3A_451 = arith.constant 464 : index
      %get3A_452 = tpu.vector_load %arg10[%get3A_451] {strides = array<i32>} : memref<1024xf32, #tpu.memory_space<vmem>>, vector<16xf32>,
      %get3A_453 = vector.shape_cast %get3A_452 : vector<16xf32> to vector<16xf32>
      %mul3A_454 = arith.mulf %get3A_450, %get3A_453 : vector<16xf32>
      %add3A_455 = arith.addf %add3A_447, %mul3A_454 : vector<16xf32>
      %get3A_456 = arith.constant 480 : index
      %get3A_457 = tpu.vector_load %arg9[%get3A_456] {strides = array<i32>} : memref<1024xf32, #tpu.memory_space<vmem>>, vector<16xf32>,
      %get3A_458 = vector.shape_cast %get3A_457 : vector<16xf32> to vector<16xf32>
      %get3A_459 = arith.constant 480 : index
      %get3A_460 = tpu.vector_load %arg10[%get3A_459] {strides = array<i32>} : memref<1024xf32, #tpu.memory_space<vmem>>, vector<16xf32>,
      %get3A_461 = vector.shape_cast %get3A_460 : vector<16xf32> to vector<16xf32>
      %mul3A_462 = arith.mulf %get3A_458, %get3A_461 : vector<16xf32>
      %add3A_463 = arith.addf %add3A_455, %mul3A_462 : vector<16xf32>
      %get3A_464 = arith.constant 496 : index
      %get3A_465 = tpu.vector_load %arg9[%get3A_464] {strides = array<i32>} : memref<1024xf32, #tpu.memory_space<vmem>>, vector<16xf32>,
      %get3A_466 = vector.shape_cast %get3A_465 : vector<16xf32> to vector<16xf32>
      %get3A_467 = arith.constant 496 : index
      %get3A_468 = tpu.vector_load %arg10[%get3A_467] {strides = array<i32>} : memref<1024xf32, #tpu.memory_space<vmem>>, vector<16xf32>,
      %get3A_469 = vector.shape_cast %get3A_468 : vector<16xf32> to vector<16xf32>
      %mul3A_470 = arith.mulf %get3A_466, %get3A_469 : vector<16xf32>
      %add3A_471 = arith.addf %add3A_463, %mul3A_470 : vector<16xf32>
      %get3A_472 = arith.constant 512 : index
      %get3A_473 = tpu.vector_load %arg9[%get3A_472] {strides = array<i32>} : memref<1024xf32, #tpu.memory_space<vmem>>, vector<16xf32>,
      %get3A_474 = vector.shape_cast %get3A_473 : vector<16xf32> to vector<16xf32>
      %get3A_475 = arith.constant 512 : index
      %get3A_476 = tpu.vector_load %arg10[%get3A_475] {strides = array<i32>} : memref<1024xf32, #tpu.memory_space<vmem>>, vector<16xf32>,
      %get3A_477 = vector.shape_cast %get3A_476 : vector<16xf32> to vector<16xf32>
      %mul3A_478 = arith.mulf %get3A_474, %get3A_477 : vector<16xf32>
      %add3A_479 = arith.addf %add3A_471, %mul3A_478 : vector<16xf32>
      %get3A_480 = arith.constant 528 : index
      %get3A_481 = tpu.vector_load %arg9[%get3A_480] {strides = array<i32>} : memref<1024xf32, #tpu.memory_space<vmem>>, vector<16xf32>,
      %get3A_482 = vector.shape_cast %get3A_481 : vector<16xf32> to vector<16xf32>
      %get3A_483 = arith.constant 528 : index
      %get3A_484 = tpu.vector_load %arg10[%get3A_483] {strides = array<i32>} : memref<1024xf32, #tpu.memory_space<vmem>>, vector<16xf32>,
      %get3A_485 = vector.shape_cast %get3A_484 : vector<16xf32> to vector<16xf32>
      %mul3A_486 = arith.mulf %get3A_482, %get3A_485 : vector<16xf32>
      %add3A_487 = arith.addf %add3A_479, %mul3A_486 : vector<16xf32>
      %get3A_488 = arith.constant 544 : index
      %get3A_489 = tpu.vector_load %arg9[%get3A_488] {strides = array<i32>} : memref<1024xf32, #tpu.memory_space<vmem>>, vector<16xf32>,
      %get3A_490 = vector.shape_cast %get3A_489 : vector<16xf32> to vector<16xf32>
      %get3A_491 = arith.constant 544 : index
      %get3A_492 = tpu.vector_load %arg10[%get3A_491] {strides = array<i32>} : memref<1024xf32, #tpu.memory_space<vmem>>, vector<16xf32>,
      %get3A_493 = vector.shape_cast %get3A_492 : vector<16xf32> to vector<16xf32>
      %mul3A_494 = arith.mulf %get3A_490, %get3A_493 : vector<16xf32>
      %add3A_495 = arith.addf %add3A_487, %mul3A_494 : vector<16xf32>
      %get3A_496 = arith.constant 560 : index
      %get3A_497 = tpu.vector_load %arg9[%get3A_496] {strides = array<i32>} : memref<1024xf32, #tpu.memory_space<vmem>>, vector<16xf32>,
      %get3A_498 = vector.shape_cast %get3A_497 : vector<16xf32> to vector<16xf32>
      %get3A_499 = arith.constant 560 : index
      %get3A_500 = tpu.vector_load %arg10[%get3A_499] {strides = array<i32>} : memref<1024xf32, #tpu.memory_space<vmem>>, vector<16xf32>,
      %get3A_501 = vector.shape_cast %get3A_500 : vector<16xf32> to vector<16xf32>
      %mul3A_502 = arith.mulf %get3A_498, %get3A_501 : vector<16xf32>
      %add3A_503 = arith.addf %add3A_495, %mul3A_502 : vector<16xf32>
      %get3A_504 = arith.constant 576 : index
      %get3A_505 = tpu.vector_load %arg9[%get3A_504] {strides = array<i32>} : memref<1024xf32, #tpu.memory_space<vmem>>, vector<16xf32>,
      %get3A_506 = vector.shape_cast %get3A_505 : vector<16xf32> to vector<16xf32>
      %get3A_507 = arith.constant 576 : index
      %get3A_508 = tpu.vector_load %arg10[%get3A_507] {strides = array<i32>} : memref<1024xf32, #tpu.memory_space<vmem>>, vector<16xf32>,
      %get3A_509 = vector.shape_cast %get3A_508 : vector<16xf32> to vector<16xf32>
      %mul3A_510 = arith.mulf %get3A_506, %get3A_509 : vector<16xf32>
      %add3A_511 = arith.addf %add3A_503, %mul3A_510 : vector<16xf32>
      %get3A_512 = arith.constant 592 : index
      %get3A_513 = tpu.vector_load %arg9[%get3A_512] {strides = array<i32>} : memref<1024xf32, #tpu.memory_space<vmem>>, vector<16xf32>,
      %get3A_514 = vector.shape_cast %get3A_513 : vector<16xf32> to vector<16xf32>
      %get3A_515 = arith.constant 592 : index
      %get3A_516 = tpu.vector_load %arg10[%get3A_515] {strides = array<i32>} : memref<1024xf32, #tpu.memory_space<vmem>>, vector<16xf32>,
      %get3A_517 = vector.shape_cast %get3A_516 : vector<16xf32> to vector<16xf32>
      %mul3A_518 = arith.mulf %get3A_514, %get3A_517 : vector<16xf32>
      %add3A_519 = arith.addf %add3A_511, %mul3A_518 : vector<16xf32>
      %get3A_520 = arith.constant 608 : index
      %get3A_521 = tpu.vector_load %arg9[%get3A_520] {strides = array<i32>} : memref<1024xf32, #tpu.memory_space<vmem>>, vector<16xf32>,
      %get3A_522 = vector.shape_cast %get3A_521 : vector<16xf32> to vector<16xf32>
      %get3A_523 = arith.constant 608 : index
      %get3A_524 = tpu.vector_load %arg10[%get3A_523] {strides = array<i32>} : memref<1024xf32, #tpu.memory_space<vmem>>, vector<16xf32>,
      %get3A_525 = vector.shape_cast %get3A_524 : vector<16xf32> to vector<16xf32>
      %mul3A_526 = arith.mulf %get3A_522, %get3A_525 : vector<16xf32>
      %add3A_527 = arith.addf %add3A_519, %mul3A_526 : vector<16xf32>
      %get3A_528 = arith.constant 624 : index
      %get3A_529 = tpu.vector_load %arg9[%get3A_528] {strides = array<i32>} : memref<1024xf32, #tpu.memory_space<vmem>>, vector<16xf32>,
      %get3A_530 = vector.shape_cast %get3A_529 : vector<16xf32> to vector<16xf32>
      %get3A_531 = arith.constant 624 : index
      %get3A_532 = tpu.vector_load %arg10[%get3A_531] {strides = array<i32>} : memref<1024xf32, #tpu.memory_space<vmem>>, vector<16xf32>,
      %get3A_533 = vector.shape_cast %get3A_532 : vector<16xf32> to vector<16xf32>
      %mul3A_534 = arith.mulf %get3A_530, %get3A_533 : vector<16xf32>
      %add3A_535 = arith.addf %add3A_527, %mul3A_534 : vector<16xf32>
      %get3A_536 = arith.constant 640 : index
      %get3A_537 = tpu.vector_load %arg9[%get3A_536] {strides = array<i32>} : memref<1024xf32, #tpu.memory_space<vmem>>, vector<16xf32>,
      %get3A_538 = vector.shape_cast %get3A_537 : vector<16xf32> to vector<16xf32>
      %get3A_539 = arith.constant 640 : index
      %get3A_540 = tpu.vector_load %arg10[%get3A_539] {strides = array<i32>} : memref<1024xf32, #tpu.memory_space<vmem>>, vector<16xf32>,
      %get3A_541 = vector.shape_cast %get3A_540 : vector<16xf32> to vector<16xf32>
      %mul3A_542 = arith.mulf %get3A_538, %get3A_541 : vector<16xf32>
      %add3A_543 = arith.addf %add3A_535, %mul3A_542 : vector<16xf32>
      %get3A_544 = arith.constant 656 : index
      %get3A_545 = tpu.vector_load %arg9[%get3A_544] {strides = array<i32>} : memref<1024xf32, #tpu.memory_space<vmem>>, vector<16xf32>,
      %get3A_546 = vector.shape_cast %get3A_545 : vector<16xf32> to vector<16xf32>
      %get3A_547 = arith.constant 656 : index
      %get3A_548 = tpu.vector_load %arg10[%get3A_547] {strides = array<i32>} : memref<1024xf32, #tpu.memory_space<vmem>>, vector<16xf32>,
      %get3A_549 = vector.shape_cast %get3A_548 : vector<16xf32> to vector<16xf32>
      %mul3A_550 = arith.mulf %get3A_546, %get3A_549 : vector<16xf32>
      %add3A_551 = arith.addf %add3A_543, %mul3A_550 : vector<16xf32>
      %get3A_552 = arith.constant 672 : index
      %get3A_553 = tpu.vector_load %arg9[%get3A_552] {strides = array<i32>} : memref<1024xf32, #tpu.memory_space<vmem>>, vector<16xf32>,
      %get3A_554 = vector.shape_cast %get3A_553 : vector<16xf32> to vector<16xf32>
      %get3A_555 = arith.constant 672 : index
      %get3A_556 = tpu.vector_load %arg10[%get3A_555] {strides = array<i32>} : memref<1024xf32, #tpu.memory_space<vmem>>, vector<16xf32>,
      %get3A_557 = vector.shape_cast %get3A_556 : vector<16xf32> to vector<16xf32>
      %mul3A_558 = arith.mulf %get3A_554, %get3A_557 : vector<16xf32>
      %add3A_559 = arith.addf %add3A_551, %mul3A_558 : vector<16xf32>
      %get3A_560 = arith.constant 688 : index
      %get3A_561 = tpu.vector_load %arg9[%get3A_560] {strides = array<i32>} : memref<1024xf32, #tpu.memory_space<vmem>>, vector<16xf32>,
      %get3A_562 = vector.shape_cast %get3A_561 : vector<16xf32> to vector<16xf32>
      %get3A_563 = arith.constant 688 : index
      %get3A_564 = tpu.vector_load %arg10[%get3A_563] {strides = array<i32>} : memref<1024xf32, #tpu.memory_space<vmem>>, vector<16xf32>,
      %get3A_565 = vector.shape_cast %get3A_564 : vector<16xf32> to vector<16xf32>
      %mul3A_566 = arith.mulf %get3A_562, %get3A_565 : vector<16xf32>
      %add3A_567 = arith.addf %add3A_559, %mul3A_566 : vector<16xf32>
      %get3A_568 = arith.constant 704 : index
      %get3A_569 = tpu.vector_load %arg9[%get3A_568] {strides = array<i32>} : memref<1024xf32, #tpu.memory_space<vmem>>, vector<16xf32>,
      %get3A_570 = vector.shape_cast %get3A_569 : vector<16xf32> to vector<16xf32>
      %get3A_571 = arith.constant 704 : index
      %get3A_572 = tpu.vector_load %arg10[%get3A_571] {strides = array<i32>} : memref<1024xf32, #tpu.memory_space<vmem>>, vector<16xf32>,
      %get3A_573 = vector.shape_cast %get3A_572 : vector<16xf32> to vector<16xf32>
      %mul3A_574 = arith.mulf %get3A_570, %get3A_573 : vector<16xf32>
      %add3A_575 = arith.addf %add3A_567, %mul3A_574 : vector<16xf32>
      %get3A_576 = arith.constant 720 : index
      %get3A_577 = tpu.vector_load %arg9[%get3A_576] {strides = array<i32>} : memref<1024xf32, #tpu.memory_space<vmem>>, vector<16xf32>,
      %get3A_578 = vector.shape_cast %get3A_577 : vector<16xf32> to vector<16xf32>
      %get3A_579 = arith.constant 720 : index
      %get3A_580 = tpu.vector_load %arg10[%get3A_579] {strides = array<i32>} : memref<1024xf32, #tpu.memory_space<vmem>>, vector<16xf32>,
      %get3A_581 = vector.shape_cast %get3A_580 : vector<16xf32> to vector<16xf32>
      %mul3A_582 = arith.mulf %get3A_578, %get3A_581 : vector<16xf32>
      %add3A_583 = arith.addf %add3A_575, %mul3A_582 : vector<16xf32>
      %get3A_584 = arith.constant 736 : index
      %get3A_585 = tpu.vector_load %arg9[%get3A_584] {strides = array<i32>} : memref<1024xf32, #tpu.memory_space<vmem>>, vector<16xf32>,
      %get3A_586 = vector.shape_cast %get3A_585 : vector<16xf32> to vector<16xf32>
      %get3A_587 = arith.constant 736 : index
      %get3A_588 = tpu.vector_load %arg10[%get3A_587] {strides = array<i32>} : memref<1024xf32, #tpu.memory_space<vmem>>, vector<16xf32>,
      %get3A_589 = vector.shape_cast %get3A_588 : vector<16xf32> to vector<16xf32>
      %mul3A_590 = arith.mulf %get3A_586, %get3A_589 : vector<16xf32>
      %add3A_591 = arith.addf %add3A_583, %mul3A_590 : vector<16xf32>
      %get3A_592 = arith.constant 752 : index
      %get3A_593 = tpu.vector_load %arg9[%get3A_592] {strides = array<i32>} : memref<1024xf32, #tpu.memory_space<vmem>>, vector<16xf32>,
      %get3A_594 = vector.shape_cast %get3A_593 : vector<16xf32> to vector<16xf32>
      %get3A_595 = arith.constant 752 : index
      %get3A_596 = tpu.vector_load %arg10[%get3A_595] {strides = array<i32>} : memref<1024xf32, #tpu.memory_space<vmem>>, vector<16xf32>,
      %get3A_597 = vector.shape_cast %get3A_596 : vector<16xf32> to vector<16xf32>
      %mul3A_598 = arith.mulf %get3A_594, %get3A_597 : vector<16xf32>
      %add3A_599 = arith.addf %add3A_591, %mul3A_598 : vector<16xf32>
      %get3A_600 = arith.constant 768 : index
      %get3A_601 = tpu.vector_load %arg9[%get3A_600] {strides = array<i32>} : memref<1024xf32, #tpu.memory_space<vmem>>, vector<16xf32>,
      %get3A_602 = vector.shape_cast %get3A_601 : vector<16xf32> to vector<16xf32>
      %get3A_603 = arith.constant 768 : index
      %get3A_604 = tpu.vector_load %arg10[%get3A_603] {strides = array<i32>} : memref<1024xf32, #tpu.memory_space<vmem>>, vector<16xf32>,
      %get3A_605 = vector.shape_cast %get3A_604 : vector<16xf32> to vector<16xf32>
      %mul3A_606 = arith.mulf %get3A_602, %get3A_605 : vector<16xf32>
      %add3A_607 = arith.addf %add3A_599, %mul3A_606 : vector<16xf32>
      %get3A_608 = arith.constant 784 : index
      %get3A_609 = tpu.vector_load %arg9[%get3A_608] {strides = array<i32>} : memref<1024xf32, #tpu.memory_space<vmem>>, vector<16xf32>,
      %get3A_610 = vector.shape_cast %get3A_609 : vector<16xf32> to vector<16xf32>
      %get3A_611 = arith.constant 784 : index
      %get3A_612 = tpu.vector_load %arg10[%get3A_611] {strides = array<i32>} : memref<1024xf32, #tpu.memory_space<vmem>>, vector<16xf32>,
      %get3A_613 = vector.shape_cast %get3A_612 : vector<16xf32> to vector<16xf32>
      %mul3A_614 = arith.mulf %get3A_610, %get3A_613 : vector<16xf32>
      %add3A_615 = arith.addf %add3A_607, %mul3A_614 : vector<16xf32>
      %get3A_616 = arith.constant 800 : index
      %get3A_617 = tpu.vector_load %arg9[%get3A_616] {strides = array<i32>} : memref<1024xf32, #tpu.memory_space<vmem>>, vector<16xf32>,
      %get3A_618 = vector.shape_cast %get3A_617 : vector<16xf32> to vector<16xf32>
      %get3A_619 = arith.constant 800 : index
      %get3A_620 = tpu.vector_load %arg10[%get3A_619] {strides = array<i32>} : memref<1024xf32, #tpu.memory_space<vmem>>, vector<16xf32>,
      %get3A_621 = vector.shape_cast %get3A_620 : vector<16xf32> to vector<16xf32>
      %mul3A_622 = arith.mulf %get3A_618, %get3A_621 : vector<16xf32>
      %add3A_623 = arith.addf %add3A_615, %mul3A_622 : vector<16xf32>
      %get3A_624 = arith.constant 816 : index
      %get3A_625 = tpu.vector_load %arg9[%get3A_624] {strides = array<i32>} : memref<1024xf32, #tpu.memory_space<vmem>>, vector<16xf32>,
      %get3A_626 = vector.shape_cast %get3A_625 : vector<16xf32> to vector<16xf32>
      %get3A_627 = arith.constant 816 : index
      %get3A_628 = tpu.vector_load %arg10[%get3A_627] {strides = array<i32>} : memref<1024xf32, #tpu.memory_space<vmem>>, vector<16xf32>,
      %get3A_629 = vector.shape_cast %get3A_628 : vector<16xf32> to vector<16xf32>
      %mul3A_630 = arith.mulf %get3A_626, %get3A_629 : vector<16xf32>
      %add3A_631 = arith.addf %add3A_623, %mul3A_630 : vector<16xf32>
      %get3A_632 = arith.constant 832 : index
      %get3A_633 = tpu.vector_load %arg9[%get3A_632] {strides = array<i32>} : memref<1024xf32, #tpu.memory_space<vmem>>, vector<16xf32>,
      %get3A_634 = vector.shape_cast %get3A_633 : vector<16xf32> to vector<16xf32>
      %get3A_635 = arith.constant 832 : index
      %get3A_636 = tpu.vector_load %arg10[%get3A_635] {strides = array<i32>} : memref<1024xf32, #tpu.memory_space<vmem>>, vector<16xf32>,
      %get3A_637 = vector.shape_cast %get3A_636 : vector<16xf32> to vector<16xf32>
      %mul3A_638 = arith.mulf %get3A_634, %get3A_637 : vector<16xf32>
      %add3A_639 = arith.addf %add3A_631, %mul3A_638 : vector<16xf32>
      %get3A_640 = arith.constant 848 : index
      %get3A_641 = tpu.vector_load %arg9[%get3A_640] {strides = array<i32>} : memref<1024xf32, #tpu.memory_space<vmem>>, vector<16xf32>,
      %get3A_642 = vector.shape_cast %get3A_641 : vector<16xf32> to vector<16xf32>
      %get3A_643 = arith.constant 848 : index
      %get3A_644 = tpu.vector_load %arg10[%get3A_643] {strides = array<i32>} : memref<1024xf32, #tpu.memory_space<vmem>>, vector<16xf32>,
      %get3A_645 = vector.shape_cast %get3A_644 : vector<16xf32> to vector<16xf32>
      %mul3A_646 = arith.mulf %get3A_642, %get3A_645 : vector<16xf32>
      %add3A_647 = arith.addf %add3A_639, %mul3A_646 : vector<16xf32>
      %get3A_648 = arith.constant 864 : index
      %get3A_649 = tpu.vector_load %arg9[%get3A_648] {strides = array<i32>} : memref<1024xf32, #tpu.memory_space<vmem>>, vector<16xf32>,
      %get3A_650 = vector.shape_cast %get3A_649 : vector<16xf32> to vector<16xf32>
      %get3A_651 = arith.constant 864 : index
      %get3A_652 = tpu.vector_load %arg10[%get3A_651] {strides = array<i32>} : memref<1024xf32, #tpu.memory_space<vmem>>, vector<16xf32>,
      %get3A_653 = vector.shape_cast %get3A_652 : vector<16xf32> to vector<16xf32>
      %mul3A_654 = arith.mulf %get3A_650, %get3A_653 : vector<16xf32>
      %add3A_655 = arith.addf %add3A_647, %mul3A_654 : vector<16xf32>
      %get3A_656 = arith.constant 880 : index
      %get3A_657 = tpu.vector_load %arg9[%get3A_656] {strides = array<i32>} : memref<1024xf32, #tpu.memory_space<vmem>>, vector<16xf32>,
      %get3A_658 = vector.shape_cast %get3A_657 : vector<16xf32> to vector<16xf32>
      %get3A_659 = arith.constant 880 : index
      %get3A_660 = tpu.vector_load %arg10[%get3A_659] {strides = array<i32>} : memref<1024xf32, #tpu.memory_space<vmem>>, vector<16xf32>,
      %get3A_661 = vector.shape_cast %get3A_660 : vector<16xf32> to vector<16xf32>
      %mul3A_662 = arith.mulf %get3A_658, %get3A_661 : vector<16xf32>
      %add3A_663 = arith.addf %add3A_655, %mul3A_662 : vector<16xf32>
      %get3A_664 = arith.constant 896 : index
      %get3A_665 = tpu.vector_load %arg9[%get3A_664] {strides = array<i32>} : memref<1024xf32, #tpu.memory_space<vmem>>, vector<16xf32>,
      %get3A_666 = vector.shape_cast %get3A_665 : vector<16xf32> to vector<16xf32>
      %get3A_667 = arith.constant 896 : index
      %get3A_668 = tpu.vector_load %arg10[%get3A_667] {strides = array<i32>} : memref<1024xf32, #tpu.memory_space<vmem>>, vector<16xf32>,
      %get3A_669 = vector.shape_cast %get3A_668 : vector<16xf32> to vector<16xf32>
      %mul3A_670 = arith.mulf %get3A_666, %get3A_669 : vector<16xf32>
      %add3A_671 = arith.addf %add3A_663, %mul3A_670 : vector<16xf32>
      %get3A_672 = arith.constant 912 : index
      %get3A_673 = tpu.vector_load %arg9[%get3A_672] {strides = array<i32>} : memref<1024xf32, #tpu.memory_space<vmem>>, vector<16xf32>,
      %get3A_674 = vector.shape_cast %get3A_673 : vector<16xf32> to vector<16xf32>
      %get3A_675 = arith.constant 912 : index
      %get3A_676 = tpu.vector_load %arg10[%get3A_675] {strides = array<i32>} : memref<1024xf32, #tpu.memory_space<vmem>>, vector<16xf32>,
      %get3A_677 = vector.shape_cast %get3A_676 : vector<16xf32> to vector<16xf32>
      %mul3A_678 = arith.mulf %get3A_674, %get3A_677 : vector<16xf32>
      %add3A_679 = arith.addf %add3A_671, %mul3A_678 : vector<16xf32>
      %get3A_680 = arith.constant 928 : index
      %get3A_681 = tpu.vector_load %arg9[%get3A_680] {strides = array<i32>} : memref<1024xf32, #tpu.memory_space<vmem>>, vector<16xf32>,
      %get3A_682 = vector.shape_cast %get3A_681 : vector<16xf32> to vector<16xf32>
      %get3A_683 = arith.constant 928 : index
      %get3A_684 = tpu.vector_load %arg10[%get3A_683] {strides = array<i32>} : memref<1024xf32, #tpu.memory_space<vmem>>, vector<16xf32>,
      %get3A_685 = vector.shape_cast %get3A_684 : vector<16xf32> to vector<16xf32>
      %mul3A_686 = arith.mulf %get3A_682, %get3A_685 : vector<16xf32>
      %add3A_687 = arith.addf %add3A_679, %mul3A_686 : vector<16xf32>
      %get3A_688 = arith.constant 944 : index
      %get3A_689 = tpu.vector_load %arg9[%get3A_688] {strides = array<i32>} : memref<1024xf32, #tpu.memory_space<vmem>>, vector<16xf32>,
      %get3A_690 = vector.shape_cast %get3A_689 : vector<16xf32> to vector<16xf32>
      %get3A_691 = arith.constant 944 : index
      %get3A_692 = tpu.vector_load %arg10[%get3A_691] {strides = array<i32>} : memref<1024xf32, #tpu.memory_space<vmem>>, vector<16xf32>,
      %get3A_693 = vector.shape_cast %get3A_692 : vector<16xf32> to vector<16xf32>
      %mul3A_694 = arith.mulf %get3A_690, %get3A_693 : vector<16xf32>
      %add3A_695 = arith.addf %add3A_687, %mul3A_694 : vector<16xf32>
      %get3A_696 = arith.constant 960 : index
      %get3A_697 = tpu.vector_load %arg9[%get3A_696] {strides = array<i32>} : memref<1024xf32, #tpu.memory_space<vmem>>, vector<16xf32>,
      %get3A_698 = vector.shape_cast %get3A_697 : vector<16xf32> to vector<16xf32>
      %get3A_699 = arith.constant 960 : index
      %get3A_700 = tpu.vector_load %arg10[%get3A_699] {strides = array<i32>} : memref<1024xf32, #tpu.memory_space<vmem>>, vector<16xf32>,
      %get3A_701 = vector.shape_cast %get3A_700 : vector<16xf32> to vector<16xf32>
      %mul3A_702 = arith.mulf %get3A_698, %get3A_701 : vector<16xf32>
      %add3A_703 = arith.addf %add3A_695, %mul3A_702 : vector<16xf32>
      %get3A_704 = arith.constant 976 : index
      %get3A_705 = tpu.vector_load %arg9[%get3A_704] {strides = array<i32>} : memref<1024xf32, #tpu.memory_space<vmem>>, vector<16xf32>,
      %get3A_706 = vector.shape_cast %get3A_705 : vector<16xf32> to vector<16xf32>
      %get3A_707 = arith.constant 976 : index
      %get3A_708 = tpu.vector_load %arg10[%get3A_707] {strides = array<i32>} : memref<1024xf32, #tpu.memory_space<vmem>>, vector<16xf32>,
      %get3A_709 = vector.shape_cast %get3A_708 : vector<16xf32> to vector<16xf32>
      %mul3A_710 = arith.mulf %get3A_706, %get3A_709 : vector<16xf32>
      %add3A_711 = arith.addf %add3A_703, %mul3A_710 : vector<16xf32>
      %get3A_712 = arith.constant 992 : index
      %get3A_713 = tpu.vector_load %arg9[%get3A_712] {strides = array<i32>} : memref<1024xf32, #tpu.memory_space<vmem>>, vector<16xf32>,
      %get3A_714 = vector.shape_cast %get3A_713 : vector<16xf32> to vector<16xf32>
      %get3A_715 = arith.constant 992 : index
      %get3A_716 = tpu.vector_load %arg10[%get3A_715] {strides = array<i32>} : memref<1024xf32, #tpu.memory_space<vmem>>, vector<16xf32>,
      %get3A_717 = vector.shape_cast %get3A_716 : vector<16xf32> to vector<16xf32>
      %mul3A_718 = arith.mulf %get3A_714, %get3A_717 : vector<16xf32>
      %add3A_719 = arith.addf %add3A_711, %mul3A_718 : vector<16xf32>
      %get3A_720 = arith.constant 1008 : index
      %get3A_721 = tpu.vector_load %arg9[%get3A_720] {strides = array<i32>} : memref<1024xf32, #tpu.memory_space<vmem>>, vector<16xf32>,
      %get3A_722 = vector.shape_cast %get3A_721 : vector<16xf32> to vector<16xf32>
      %get3A_723 = arith.constant 1008 : index
      %get3A_724 = tpu.vector_load %arg10[%get3A_723] {strides = array<i32>} : memref<1024xf32, #tpu.memory_space<vmem>>, vector<16xf32>,
      %get3A_725 = vector.shape_cast %get3A_724 : vector<16xf32> to vector<16xf32>
      %mul3A_726 = arith.mulf %get3A_722, %get3A_725 : vector<16xf32>
      %add3A_727 = arith.addf %add3A_719, %mul3A_726 : vector<16xf32>
      %barrier3A_728 = arith.constant 0 : index
      tpu.barrier barrier_id(%barrier3A_728)
      %eq3A_729 = arith.constant 0 : i32
      %eq3A_730 = arith.cmpi eq, %arg1, %eq3A_729 : i32
      %lt3A = arith.constant 15 : i32
      %lt3A_731 = arith.cmpi slt, %scan3A_18, %lt3A : i32
      %and3A = arith.andi %eq3A_730, %lt3A_731 : i1
      %convert_element_type3A_732 = arith.extui %and3A : i1 to i32
      %cond3A_733 = arith.constant 0 : i32
      %cond3A_734 = arith.cmpi ne, %convert_element_type3A_732, %cond3A_733 : i32
      scf.if %cond3A_734 {
        %add3A_1454 = arith.addi %mul3A_0, %mul3A_21 : i32
        %add3A_1455 = arith.constant 2 : i32
        %add3A_1456 = arith.addi %add3A_1454, %add3A_1455 : i32
        %dma_start3A_1457 = arith.constant 0 : i32
        %dma_start3A_1458 = tpu.memref_slice %arg12[%dma_start3A_1457] : memref<1000064xf32, #tpu.memory_space<vmem_shared>> -> memref<999936xf32, #tpu.memory_space<vmem_shared>>
        %dma_start3A_1459 = arith.constant 0 : i32
        %dma_start3A_1460 = tpu.memref_slice %arg2[%add3A_1456, %dma_start3A_1459] : memref<64x1000000xf32, #tpu.memory_space<hbm>> -> memref<1x999936xf32, #tpu.memory_space<hbm>>
        %dma_start3A_1461 = tpu.memref_squeeze %dma_start3A_1460 : memref<1x999936xf32, #tpu.memory_space<hbm>> -> memref<999936xf32, #tpu.memory_space<hbm>>
        tpu.enqueue_dma source(%dma_start3A_1461 : memref<999936xf32, #tpu.memory_space<hbm>>) target(%dma_start3A_1458 : memref<999936xf32, #tpu.memory_space<vmem_shared>>) target_semaphore(%arg14 : memref<!tpu.dma_semaphore, #tpu.memory_space<semaphore_mem>>)
        %dma_start3A_1462 = arith.constant 999936 : i32
        %dma_start3A_1463 = tpu.memref_slice %arg12[%dma_start3A_1462] : memref<1000064xf32, #tpu.memory_space<vmem_shared>> -> memref<128xf32, #tpu.memory_space<vmem_shared>>
        %dma_start3A_1464 = arith.constant 0 : i32
        %dma_start3A_1465 = tpu.memref_slice %arg3[%add3A_1456, %dma_start3A_1464] : memref<64x128xf32, #tpu.memory_space<hbm>> -> memref<1x128xf32, #tpu.memory_space<hbm>>
        %dma_start3A_1466 = tpu.memref_squeeze %dma_start3A_1465 : memref<1x128xf32, #tpu.memory_space<hbm>> -> memref<128xf32, #tpu.memory_space<hbm>>
        tpu.enqueue_dma source(%dma_start3A_1466 : memref<128xf32, #tpu.memory_space<hbm>>) target(%dma_start3A_1463 : memref<128xf32, #tpu.memory_space<vmem_shared>>) target_semaphore(%arg14 : memref<!tpu.dma_semaphore, #tpu.memory_space<semaphore_mem>>)
      } else {
      }
      %eq3A_735 = arith.constant 0 : i32
      %eq3A_736 = arith.cmpi eq, %arg1, %eq3A_735 : i32
      %convert_element_type3A_737 = arith.extui %eq3A_736 : i1 to i32
      %cond3A_738 = arith.constant 0 : i32
      %cond3A_739 = arith.cmpi ne, %convert_element_type3A_737, %cond3A_738 : i32
      scf.if %cond3A_739 {
        %add3A_1454 = arith.addi %mul3A_0, %mul3A_21 : i32
        %add3A_1455 = arith.constant 1 : i32
        %add3A_1456 = arith.addi %add3A_1454, %add3A_1455 : i32
        %dma_wait3A_1457 = arith.constant 0 : i32
        %dma_wait3A_1458 = tpu.memref_slice %arg13[%dma_wait3A_1457] : memref<1000064xf32, #tpu.memory_space<vmem_shared>> -> memref<999936xf32, #tpu.memory_space<vmem_shared>>
        %dma_wait3A_1459 = arith.constant 0 : i32
        %dma_wait3A_1460 = tpu.memref_slice %arg2[%add3A_1456, %dma_wait3A_1459] : memref<64x1000000xf32, #tpu.memory_space<hbm>> -> memref<1x999936xf32, #tpu.memory_space<hbm>>
        %dma_wait3A_1461 = tpu.memref_squeeze %dma_wait3A_1460 : memref<1x999936xf32, #tpu.memory_space<hbm>> -> memref<999936xf32, #tpu.memory_space<hbm>>
        tpu.wait_dma2 semaphore(%arg15 : memref<!tpu.dma_semaphore, #tpu.memory_space<semaphore_mem>>) src(%dma_wait3A_1461 : memref<999936xf32, #tpu.memory_space<hbm>>) dst(%dma_wait3A_1458 : memref<999936xf32, #tpu.memory_space<vmem_shared>>)
        %dma_wait3A_1462 = arith.constant 999936 : i32
        %dma_wait3A_1463 = tpu.memref_slice %arg13[%dma_wait3A_1462] : memref<1000064xf32, #tpu.memory_space<vmem_shared>> -> memref<128xf32, #tpu.memory_space<vmem_shared>>
        %dma_wait3A_1464 = arith.constant 0 : i32
        %dma_wait3A_1465 = tpu.memref_slice %arg3[%add3A_1456, %dma_wait3A_1464] : memref<64x128xf32, #tpu.memory_space<hbm>> -> memref<1x128xf32, #tpu.memory_space<hbm>>
        %dma_wait3A_1466 = tpu.memref_squeeze %dma_wait3A_1465 : memref<1x128xf32, #tpu.memory_space<hbm>> -> memref<128xf32, #tpu.memory_space<hbm>>
        tpu.wait_dma2 semaphore(%arg15 : memref<!tpu.dma_semaphore, #tpu.memory_space<semaphore_mem>>) src(%dma_wait3A_1466 : memref<128xf32, #tpu.memory_space<hbm>>) dst(%dma_wait3A_1463 : memref<128xf32, #tpu.memory_space<vmem_shared>>)
      } else {
      }
      %barrier3A_740 = arith.constant 0 : index
      tpu.barrier barrier_id(%barrier3A_740)
      %dma_start3A_741 = arith.constant 0 : i32
      %dma_start3A_742 = tpu.memref_slice %arg9[%dma_start3A_741] : memref<1024xf32, #tpu.memory_space<vmem>> -> memref<128xf32, #tpu.memory_space<vmem>>
      %dma_start3A_743 = arith.constant 0 : i32
      %dma_start3A_744 = tpu.memref_slice %arg7[%dma_start3A_743] : memref<1024xi32, #tpu.memory_space<vmem>> -> memref<128xi32, #tpu.memory_space<vmem>>
      %dma_start3A_745 = arith.constant 0 : i32
      %dma_start3A_746 = tpu.memref_slice %arg13[%dma_start3A_745] : memref<1000064xf32, #tpu.memory_space<vmem_shared>> -> memref<1000064xf32, #tpu.memory_space<vmem_shared>>
      tpu.enqueue_indirect_dma source(%dma_start3A_746 : memref<1000064xf32, #tpu.memory_space<vmem_shared>>) target(%dma_start3A_742 : memref<128xf32, #tpu.memory_space<vmem>>) offsets(%dma_start3A_744 : memref<128xi32, #tpu.memory_space<vmem>>) semaphore(%arg16 : memref<!tpu.dma_semaphore, #tpu.memory_space<semaphore_mem>>)
      %dma_start3A_747 = arith.constant 0 : i32
      %dma_start3A_748 = tpu.memref_slice %arg10[%dma_start3A_747] : memref<1024xf32, #tpu.memory_space<vmem>> -> memref<128xf32, #tpu.memory_space<vmem>>
      %dma_start3A_749 = arith.constant 0 : i32
      %dma_start3A_750 = tpu.memref_slice %arg8[%dma_start3A_749] : memref<1024xi32, #tpu.memory_space<vmem>> -> memref<128xi32, #tpu.memory_space<vmem>>
      %dma_start3A_751 = arith.constant 0 : i32
      %dma_start3A_752 = tpu.memref_slice %arg13[%dma_start3A_751] : memref<1000064xf32, #tpu.memory_space<vmem_shared>> -> memref<1000064xf32, #tpu.memory_space<vmem_shared>>
      tpu.enqueue_indirect_dma source(%dma_start3A_752 : memref<1000064xf32, #tpu.memory_space<vmem_shared>>) target(%dma_start3A_748 : memref<128xf32, #tpu.memory_space<vmem>>) offsets(%dma_start3A_750 : memref<128xi32, #tpu.memory_space<vmem>>) semaphore(%arg17 : memref<!tpu.dma_semaphore, #tpu.memory_space<semaphore_mem>>)
      %dma_start3A_753 = arith.constant 128 : i32
      %dma_start3A_754 = tpu.memref_slice %arg9[%dma_start3A_753] : memref<1024xf32, #tpu.memory_space<vmem>> -> memref<128xf32, #tpu.memory_space<vmem>>
      %dma_start3A_755 = arith.constant 128 : i32
      %dma_start3A_756 = tpu.memref_slice %arg7[%dma_start3A_755] : memref<1024xi32, #tpu.memory_space<vmem>> -> memref<128xi32, #tpu.memory_space<vmem>>
      %dma_start3A_757 = arith.constant 0 : i32
      %dma_start3A_758 = tpu.memref_slice %arg13[%dma_start3A_757] : memref<1000064xf32, #tpu.memory_space<vmem_shared>> -> memref<1000064xf32, #tpu.memory_space<vmem_shared>>
      tpu.enqueue_indirect_dma source(%dma_start3A_758 : memref<1000064xf32, #tpu.memory_space<vmem_shared>>) target(%dma_start3A_754 : memref<128xf32, #tpu.memory_space<vmem>>) offsets(%dma_start3A_756 : memref<128xi32, #tpu.memory_space<vmem>>) semaphore(%arg16 : memref<!tpu.dma_semaphore, #tpu.memory_space<semaphore_mem>>)
      %dma_start3A_759 = arith.constant 128 : i32
      %dma_start3A_760 = tpu.memref_slice %arg10[%dma_start3A_759] : memref<1024xf32, #tpu.memory_space<vmem>> -> memref<128xf32, #tpu.memory_space<vmem>>
      %dma_start3A_761 = arith.constant 128 : i32
      %dma_start3A_762 = tpu.memref_slice %arg8[%dma_start3A_761] : memref<1024xi32, #tpu.memory_space<vmem>> -> memref<128xi32, #tpu.memory_space<vmem>>
      %dma_start3A_763 = arith.constant 0 : i32
      %dma_start3A_764 = tpu.memref_slice %arg13[%dma_start3A_763] : memref<1000064xf32, #tpu.memory_space<vmem_shared>> -> memref<1000064xf32, #tpu.memory_space<vmem_shared>>
      tpu.enqueue_indirect_dma source(%dma_start3A_764 : memref<1000064xf32, #tpu.memory_space<vmem_shared>>) target(%dma_start3A_760 : memref<128xf32, #tpu.memory_space<vmem>>) offsets(%dma_start3A_762 : memref<128xi32, #tpu.memory_space<vmem>>) semaphore(%arg17 : memref<!tpu.dma_semaphore, #tpu.memory_space<semaphore_mem>>)
      %dma_start3A_765 = arith.constant 256 : i32
      %dma_start3A_766 = tpu.memref_slice %arg9[%dma_start3A_765] : memref<1024xf32, #tpu.memory_space<vmem>> -> memref<128xf32, #tpu.memory_space<vmem>>
      %dma_start3A_767 = arith.constant 256 : i32
      %dma_start3A_768 = tpu.memref_slice %arg7[%dma_start3A_767] : memref<1024xi32, #tpu.memory_space<vmem>> -> memref<128xi32, #tpu.memory_space<vmem>>
      %dma_start3A_769 = arith.constant 0 : i32
      %dma_start3A_770 = tpu.memref_slice %arg13[%dma_start3A_769] : memref<1000064xf32, #tpu.memory_space<vmem_shared>> -> memref<1000064xf32, #tpu.memory_space<vmem_shared>>
      tpu.enqueue_indirect_dma source(%dma_start3A_770 : memref<1000064xf32, #tpu.memory_space<vmem_shared>>) target(%dma_start3A_766 : memref<128xf32, #tpu.memory_space<vmem>>) offsets(%dma_start3A_768 : memref<128xi32, #tpu.memory_space<vmem>>) semaphore(%arg16 : memref<!tpu.dma_semaphore, #tpu.memory_space<semaphore_mem>>)
      %dma_start3A_771 = arith.constant 256 : i32
      %dma_start3A_772 = tpu.memref_slice %arg10[%dma_start3A_771] : memref<1024xf32, #tpu.memory_space<vmem>> -> memref<128xf32, #tpu.memory_space<vmem>>
      %dma_start3A_773 = arith.constant 256 : i32
      %dma_start3A_774 = tpu.memref_slice %arg8[%dma_start3A_773] : memref<1024xi32, #tpu.memory_space<vmem>> -> memref<128xi32, #tpu.memory_space<vmem>>
      %dma_start3A_775 = arith.constant 0 : i32
      %dma_start3A_776 = tpu.memref_slice %arg13[%dma_start3A_775] : memref<1000064xf32, #tpu.memory_space<vmem_shared>> -> memref<1000064xf32, #tpu.memory_space<vmem_shared>>
      tpu.enqueue_indirect_dma source(%dma_start3A_776 : memref<1000064xf32, #tpu.memory_space<vmem_shared>>) target(%dma_start3A_772 : memref<128xf32, #tpu.memory_space<vmem>>) offsets(%dma_start3A_774 : memref<128xi32, #tpu.memory_space<vmem>>) semaphore(%arg17 : memref<!tpu.dma_semaphore, #tpu.memory_space<semaphore_mem>>)
      %dma_start3A_777 = arith.constant 384 : i32
      %dma_start3A_778 = tpu.memref_slice %arg9[%dma_start3A_777] : memref<1024xf32, #tpu.memory_space<vmem>> -> memref<128xf32, #tpu.memory_space<vmem>>
      %dma_start3A_779 = arith.constant 384 : i32
      %dma_start3A_780 = tpu.memref_slice %arg7[%dma_start3A_779] : memref<1024xi32, #tpu.memory_space<vmem>> -> memref<128xi32, #tpu.memory_space<vmem>>
      %dma_start3A_781 = arith.constant 0 : i32
      %dma_start3A_782 = tpu.memref_slice %arg13[%dma_start3A_781] : memref<1000064xf32, #tpu.memory_space<vmem_shared>> -> memref<1000064xf32, #tpu.memory_space<vmem_shared>>
      tpu.enqueue_indirect_dma source(%dma_start3A_782 : memref<1000064xf32, #tpu.memory_space<vmem_shared>>) target(%dma_start3A_778 : memref<128xf32, #tpu.memory_space<vmem>>) offsets(%dma_start3A_780 : memref<128xi32, #tpu.memory_space<vmem>>) semaphore(%arg16 : memref<!tpu.dma_semaphore, #tpu.memory_space<semaphore_mem>>)
      %dma_start3A_783 = arith.constant 384 : i32
      %dma_start3A_784 = tpu.memref_slice %arg10[%dma_start3A_783] : memref<1024xf32, #tpu.memory_space<vmem>> -> memref<128xf32, #tpu.memory_space<vmem>>
      %dma_start3A_785 = arith.constant 384 : i32
      %dma_start3A_786 = tpu.memref_slice %arg8[%dma_start3A_785] : memref<1024xi32, #tpu.memory_space<vmem>> -> memref<128xi32, #tpu.memory_space<vmem>>
      %dma_start3A_787 = arith.constant 0 : i32
      %dma_start3A_788 = tpu.memref_slice %arg13[%dma_start3A_787] : memref<1000064xf32, #tpu.memory_space<vmem_shared>> -> memref<1000064xf32, #tpu.memory_space<vmem_shared>>
      tpu.enqueue_indirect_dma source(%dma_start3A_788 : memref<1000064xf32, #tpu.memory_space<vmem_shared>>) target(%dma_start3A_784 : memref<128xf32, #tpu.memory_space<vmem>>) offsets(%dma_start3A_786 : memref<128xi32, #tpu.memory_space<vmem>>) semaphore(%arg17 : memref<!tpu.dma_semaphore, #tpu.memory_space<semaphore_mem>>)
      %dma_start3A_789 = arith.constant 512 : i32
      %dma_start3A_790 = tpu.memref_slice %arg9[%dma_start3A_789] : memref<1024xf32, #tpu.memory_space<vmem>> -> memref<128xf32, #tpu.memory_space<vmem>>
      %dma_start3A_791 = arith.constant 512 : i32
      %dma_start3A_792 = tpu.memref_slice %arg7[%dma_start3A_791] : memref<1024xi32, #tpu.memory_space<vmem>> -> memref<128xi32, #tpu.memory_space<vmem>>
      %dma_start3A_793 = arith.constant 0 : i32
      %dma_start3A_794 = tpu.memref_slice %arg13[%dma_start3A_793] : memref<1000064xf32, #tpu.memory_space<vmem_shared>> -> memref<1000064xf32, #tpu.memory_space<vmem_shared>>
      tpu.enqueue_indirect_dma source(%dma_start3A_794 : memref<1000064xf32, #tpu.memory_space<vmem_shared>>) target(%dma_start3A_790 : memref<128xf32, #tpu.memory_space<vmem>>) offsets(%dma_start3A_792 : memref<128xi32, #tpu.memory_space<vmem>>) semaphore(%arg16 : memref<!tpu.dma_semaphore, #tpu.memory_space<semaphore_mem>>)
      %dma_start3A_795 = arith.constant 512 : i32
      %dma_start3A_796 = tpu.memref_slice %arg10[%dma_start3A_795] : memref<1024xf32, #tpu.memory_space<vmem>> -> memref<128xf32, #tpu.memory_space<vmem>>
      %dma_start3A_797 = arith.constant 512 : i32
      %dma_start3A_798 = tpu.memref_slice %arg8[%dma_start3A_797] : memref<1024xi32, #tpu.memory_space<vmem>> -> memref<128xi32, #tpu.memory_space<vmem>>
      %dma_start3A_799 = arith.constant 0 : i32
      %dma_start3A_800 = tpu.memref_slice %arg13[%dma_start3A_799] : memref<1000064xf32, #tpu.memory_space<vmem_shared>> -> memref<1000064xf32, #tpu.memory_space<vmem_shared>>
      tpu.enqueue_indirect_dma source(%dma_start3A_800 : memref<1000064xf32, #tpu.memory_space<vmem_shared>>) target(%dma_start3A_796 : memref<128xf32, #tpu.memory_space<vmem>>) offsets(%dma_start3A_798 : memref<128xi32, #tpu.memory_space<vmem>>) semaphore(%arg17 : memref<!tpu.dma_semaphore, #tpu.memory_space<semaphore_mem>>)
      %dma_start3A_801 = arith.constant 640 : i32
      %dma_start3A_802 = tpu.memref_slice %arg9[%dma_start3A_801] : memref<1024xf32, #tpu.memory_space<vmem>> -> memref<128xf32, #tpu.memory_space<vmem>>
      %dma_start3A_803 = arith.constant 640 : i32
      %dma_start3A_804 = tpu.memref_slice %arg7[%dma_start3A_803] : memref<1024xi32, #tpu.memory_space<vmem>> -> memref<128xi32, #tpu.memory_space<vmem>>
      %dma_start3A_805 = arith.constant 0 : i32
      %dma_start3A_806 = tpu.memref_slice %arg13[%dma_start3A_805] : memref<1000064xf32, #tpu.memory_space<vmem_shared>> -> memref<1000064xf32, #tpu.memory_space<vmem_shared>>
      tpu.enqueue_indirect_dma source(%dma_start3A_806 : memref<1000064xf32, #tpu.memory_space<vmem_shared>>) target(%dma_start3A_802 : memref<128xf32, #tpu.memory_space<vmem>>) offsets(%dma_start3A_804 : memref<128xi32, #tpu.memory_space<vmem>>) semaphore(%arg16 : memref<!tpu.dma_semaphore, #tpu.memory_space<semaphore_mem>>)
      %dma_start3A_807 = arith.constant 640 : i32
      %dma_start3A_808 = tpu.memref_slice %arg10[%dma_start3A_807] : memref<1024xf32, #tpu.memory_space<vmem>> -> memref<128xf32, #tpu.memory_space<vmem>>
      %dma_start3A_809 = arith.constant 640 : i32
      %dma_start3A_810 = tpu.memref_slice %arg8[%dma_start3A_809] : memref<1024xi32, #tpu.memory_space<vmem>> -> memref<128xi32, #tpu.memory_space<vmem>>
      %dma_start3A_811 = arith.constant 0 : i32
      %dma_start3A_812 = tpu.memref_slice %arg13[%dma_start3A_811] : memref<1000064xf32, #tpu.memory_space<vmem_shared>> -> memref<1000064xf32, #tpu.memory_space<vmem_shared>>
      tpu.enqueue_indirect_dma source(%dma_start3A_812 : memref<1000064xf32, #tpu.memory_space<vmem_shared>>) target(%dma_start3A_808 : memref<128xf32, #tpu.memory_space<vmem>>) offsets(%dma_start3A_810 : memref<128xi32, #tpu.memory_space<vmem>>) semaphore(%arg17 : memref<!tpu.dma_semaphore, #tpu.memory_space<semaphore_mem>>)
      %dma_start3A_813 = arith.constant 768 : i32
      %dma_start3A_814 = tpu.memref_slice %arg9[%dma_start3A_813] : memref<1024xf32, #tpu.memory_space<vmem>> -> memref<128xf32, #tpu.memory_space<vmem>>
      %dma_start3A_815 = arith.constant 768 : i32
      %dma_start3A_816 = tpu.memref_slice %arg7[%dma_start3A_815] : memref<1024xi32, #tpu.memory_space<vmem>> -> memref<128xi32, #tpu.memory_space<vmem>>
      %dma_start3A_817 = arith.constant 0 : i32
      %dma_start3A_818 = tpu.memref_slice %arg13[%dma_start3A_817] : memref<1000064xf32, #tpu.memory_space<vmem_shared>> -> memref<1000064xf32, #tpu.memory_space<vmem_shared>>
      tpu.enqueue_indirect_dma source(%dma_start3A_818 : memref<1000064xf32, #tpu.memory_space<vmem_shared>>) target(%dma_start3A_814 : memref<128xf32, #tpu.memory_space<vmem>>) offsets(%dma_start3A_816 : memref<128xi32, #tpu.memory_space<vmem>>) semaphore(%arg16 : memref<!tpu.dma_semaphore, #tpu.memory_space<semaphore_mem>>)
      %dma_start3A_819 = arith.constant 768 : i32
      %dma_start3A_820 = tpu.memref_slice %arg10[%dma_start3A_819] : memref<1024xf32, #tpu.memory_space<vmem>> -> memref<128xf32, #tpu.memory_space<vmem>>
      %dma_start3A_821 = arith.constant 768 : i32
      %dma_start3A_822 = tpu.memref_slice %arg8[%dma_start3A_821] : memref<1024xi32, #tpu.memory_space<vmem>> -> memref<128xi32, #tpu.memory_space<vmem>>
      %dma_start3A_823 = arith.constant 0 : i32
      %dma_start3A_824 = tpu.memref_slice %arg13[%dma_start3A_823] : memref<1000064xf32, #tpu.memory_space<vmem_shared>> -> memref<1000064xf32, #tpu.memory_space<vmem_shared>>
      tpu.enqueue_indirect_dma source(%dma_start3A_824 : memref<1000064xf32, #tpu.memory_space<vmem_shared>>) target(%dma_start3A_820 : memref<128xf32, #tpu.memory_space<vmem>>) offsets(%dma_start3A_822 : memref<128xi32, #tpu.memory_space<vmem>>) semaphore(%arg17 : memref<!tpu.dma_semaphore, #tpu.memory_space<semaphore_mem>>)
      %dma_start3A_825 = arith.constant 896 : i32
      %dma_start3A_826 = tpu.memref_slice %arg9[%dma_start3A_825] : memref<1024xf32, #tpu.memory_space<vmem>> -> memref<128xf32, #tpu.memory_space<vmem>>
      %dma_start3A_827 = arith.constant 896 : i32
      %dma_start3A_828 = tpu.memref_slice %arg7[%dma_start3A_827] : memref<1024xi32, #tpu.memory_space<vmem>> -> memref<128xi32, #tpu.memory_space<vmem>>
      %dma_start3A_829 = arith.constant 0 : i32
      %dma_start3A_830 = tpu.memref_slice %arg13[%dma_start3A_829] : memref<1000064xf32, #tpu.memory_space<vmem_shared>> -> memref<1000064xf32, #tpu.memory_space<vmem_shared>>
      tpu.enqueue_indirect_dma source(%dma_start3A_830 : memref<1000064xf32, #tpu.memory_space<vmem_shared>>) target(%dma_start3A_826 : memref<128xf32, #tpu.memory_space<vmem>>) offsets(%dma_start3A_828 : memref<128xi32, #tpu.memory_space<vmem>>) semaphore(%arg16 : memref<!tpu.dma_semaphore, #tpu.memory_space<semaphore_mem>>)
      %dma_start3A_831 = arith.constant 896 : i32
      %dma_start3A_832 = tpu.memref_slice %arg10[%dma_start3A_831] : memref<1024xf32, #tpu.memory_space<vmem>> -> memref<128xf32, #tpu.memory_space<vmem>>
      %dma_start3A_833 = arith.constant 896 : i32
      %dma_start3A_834 = tpu.memref_slice %arg8[%dma_start3A_833] : memref<1024xi32, #tpu.memory_space<vmem>> -> memref<128xi32, #tpu.memory_space<vmem>>
      %dma_start3A_835 = arith.constant 0 : i32
      %dma_start3A_836 = tpu.memref_slice %arg13[%dma_start3A_835] : memref<1000064xf32, #tpu.memory_space<vmem_shared>> -> memref<1000064xf32, #tpu.memory_space<vmem_shared>>
      tpu.enqueue_indirect_dma source(%dma_start3A_836 : memref<1000064xf32, #tpu.memory_space<vmem_shared>>) target(%dma_start3A_832 : memref<128xf32, #tpu.memory_space<vmem>>) offsets(%dma_start3A_834 : memref<128xi32, #tpu.memory_space<vmem>>) semaphore(%arg17 : memref<!tpu.dma_semaphore, #tpu.memory_space<semaphore_mem>>)
      %dma_wait3A_837 = arith.constant 0 : i32
      %dma_wait3A_838 = tpu.memref_slice %arg9[%dma_wait3A_837] : memref<1024xf32, #tpu.memory_space<vmem>> -> memref<128xf32, #tpu.memory_space<vmem>>
      %dma_wait3A_839 = arith.constant 0 : i32
      %dma_wait3A_840 = tpu.memref_slice %arg7[%dma_wait3A_839] : memref<1024xi32, #tpu.memory_space<vmem>> -> memref<128xi32, #tpu.memory_space<vmem>>
      %dma_wait3A_841 = arith.constant 0 : i32
      %dma_wait3A_842 = tpu.memref_slice %arg13[%dma_wait3A_841] : memref<1000064xf32, #tpu.memory_space<vmem_shared>> -> memref<1000064xf32, #tpu.memory_space<vmem_shared>>
      tpu.wait_indirect_dma semaphore(%arg16 : memref<!tpu.dma_semaphore, #tpu.memory_space<semaphore_mem>>) src(%dma_wait3A_842 : memref<1000064xf32, #tpu.memory_space<vmem_shared>>) dst(%dma_wait3A_838 : memref<128xf32, #tpu.memory_space<vmem>>)
      %dma_wait3A_843 = arith.constant 0 : i32
      %dma_wait3A_844 = tpu.memref_slice %arg10[%dma_wait3A_843] : memref<1024xf32, #tpu.memory_space<vmem>> -> memref<128xf32, #tpu.memory_space<vmem>>
      %dma_wait3A_845 = arith.constant 0 : i32
      %dma_wait3A_846 = tpu.memref_slice %arg8[%dma_wait3A_845] : memref<1024xi32, #tpu.memory_space<vmem>> -> memref<128xi32, #tpu.memory_space<vmem>>
      %dma_wait3A_847 = arith.constant 0 : i32
      %dma_wait3A_848 = tpu.memref_slice %arg13[%dma_wait3A_847] : memref<1000064xf32, #tpu.memory_space<vmem_shared>> -> memref<1000064xf32, #tpu.memory_space<vmem_shared>>
      tpu.wait_indirect_dma semaphore(%arg17 : memref<!tpu.dma_semaphore, #tpu.memory_space<semaphore_mem>>) src(%dma_wait3A_848 : memref<1000064xf32, #tpu.memory_space<vmem_shared>>) dst(%dma_wait3A_844 : memref<128xf32, #tpu.memory_space<vmem>>)
      %dma_wait3A_849 = arith.constant 128 : i32
      %dma_wait3A_850 = tpu.memref_slice %arg9[%dma_wait3A_849] : memref<1024xf32, #tpu.memory_space<vmem>> -> memref<128xf32, #tpu.memory_space<vmem>>
      %dma_wait3A_851 = arith.constant 128 : i32
      %dma_wait3A_852 = tpu.memref_slice %arg7[%dma_wait3A_851] : memref<1024xi32, #tpu.memory_space<vmem>> -> memref<128xi32, #tpu.memory_space<vmem>>
      %dma_wait3A_853 = arith.constant 0 : i32
      %dma_wait3A_854 = tpu.memref_slice %arg13[%dma_wait3A_853] : memref<1000064xf32, #tpu.memory_space<vmem_shared>> -> memref<1000064xf32, #tpu.memory_space<vmem_shared>>
      tpu.wait_indirect_dma semaphore(%arg16 : memref<!tpu.dma_semaphore, #tpu.memory_space<semaphore_mem>>) src(%dma_wait3A_854 : memref<1000064xf32, #tpu.memory_space<vmem_shared>>) dst(%dma_wait3A_850 : memref<128xf32, #tpu.memory_space<vmem>>)
      %dma_wait3A_855 = arith.constant 128 : i32
      %dma_wait3A_856 = tpu.memref_slice %arg10[%dma_wait3A_855] : memref<1024xf32, #tpu.memory_space<vmem>> -> memref<128xf32, #tpu.memory_space<vmem>>
      %dma_wait3A_857 = arith.constant 128 : i32
      %dma_wait3A_858 = tpu.memref_slice %arg8[%dma_wait3A_857] : memref<1024xi32, #tpu.memory_space<vmem>> -> memref<128xi32, #tpu.memory_space<vmem>>
      %dma_wait3A_859 = arith.constant 0 : i32
      %dma_wait3A_860 = tpu.memref_slice %arg13[%dma_wait3A_859] : memref<1000064xf32, #tpu.memory_space<vmem_shared>> -> memref<1000064xf32, #tpu.memory_space<vmem_shared>>
      tpu.wait_indirect_dma semaphore(%arg17 : memref<!tpu.dma_semaphore, #tpu.memory_space<semaphore_mem>>) src(%dma_wait3A_860 : memref<1000064xf32, #tpu.memory_space<vmem_shared>>) dst(%dma_wait3A_856 : memref<128xf32, #tpu.memory_space<vmem>>)
      %dma_wait3A_861 = arith.constant 256 : i32
      %dma_wait3A_862 = tpu.memref_slice %arg9[%dma_wait3A_861] : memref<1024xf32, #tpu.memory_space<vmem>> -> memref<128xf32, #tpu.memory_space<vmem>>
      %dma_wait3A_863 = arith.constant 256 : i32
      %dma_wait3A_864 = tpu.memref_slice %arg7[%dma_wait3A_863] : memref<1024xi32, #tpu.memory_space<vmem>> -> memref<128xi32, #tpu.memory_space<vmem>>
      %dma_wait3A_865 = arith.constant 0 : i32
      %dma_wait3A_866 = tpu.memref_slice %arg13[%dma_wait3A_865] : memref<1000064xf32, #tpu.memory_space<vmem_shared>> -> memref<1000064xf32, #tpu.memory_space<vmem_shared>>
      tpu.wait_indirect_dma semaphore(%arg16 : memref<!tpu.dma_semaphore, #tpu.memory_space<semaphore_mem>>) src(%dma_wait3A_866 : memref<1000064xf32, #tpu.memory_space<vmem_shared>>) dst(%dma_wait3A_862 : memref<128xf32, #tpu.memory_space<vmem>>)
      %dma_wait3A_867 = arith.constant 256 : i32
      %dma_wait3A_868 = tpu.memref_slice %arg10[%dma_wait3A_867] : memref<1024xf32, #tpu.memory_space<vmem>> -> memref<128xf32, #tpu.memory_space<vmem>>
      %dma_wait3A_869 = arith.constant 256 : i32
      %dma_wait3A_870 = tpu.memref_slice %arg8[%dma_wait3A_869] : memref<1024xi32, #tpu.memory_space<vmem>> -> memref<128xi32, #tpu.memory_space<vmem>>
      %dma_wait3A_871 = arith.constant 0 : i32
      %dma_wait3A_872 = tpu.memref_slice %arg13[%dma_wait3A_871] : memref<1000064xf32, #tpu.memory_space<vmem_shared>> -> memref<1000064xf32, #tpu.memory_space<vmem_shared>>
      tpu.wait_indirect_dma semaphore(%arg17 : memref<!tpu.dma_semaphore, #tpu.memory_space<semaphore_mem>>) src(%dma_wait3A_872 : memref<1000064xf32, #tpu.memory_space<vmem_shared>>) dst(%dma_wait3A_868 : memref<128xf32, #tpu.memory_space<vmem>>)
      %dma_wait3A_873 = arith.constant 384 : i32
      %dma_wait3A_874 = tpu.memref_slice %arg9[%dma_wait3A_873] : memref<1024xf32, #tpu.memory_space<vmem>> -> memref<128xf32, #tpu.memory_space<vmem>>
      %dma_wait3A_875 = arith.constant 384 : i32
      %dma_wait3A_876 = tpu.memref_slice %arg7[%dma_wait3A_875] : memref<1024xi32, #tpu.memory_space<vmem>> -> memref<128xi32, #tpu.memory_space<vmem>>
      %dma_wait3A_877 = arith.constant 0 : i32
      %dma_wait3A_878 = tpu.memref_slice %arg13[%dma_wait3A_877] : memref<1000064xf32, #tpu.memory_space<vmem_shared>> -> memref<1000064xf32, #tpu.memory_space<vmem_shared>>
      tpu.wait_indirect_dma semaphore(%arg16 : memref<!tpu.dma_semaphore, #tpu.memory_space<semaphore_mem>>) src(%dma_wait3A_878 : memref<1000064xf32, #tpu.memory_space<vmem_shared>>) dst(%dma_wait3A_874 : memref<128xf32, #tpu.memory_space<vmem>>)
      %dma_wait3A_879 = arith.constant 384 : i32
      %dma_wait3A_880 = tpu.memref_slice %arg10[%dma_wait3A_879] : memref<1024xf32, #tpu.memory_space<vmem>> -> memref<128xf32, #tpu.memory_space<vmem>>
      %dma_wait3A_881 = arith.constant 384 : i32
      %dma_wait3A_882 = tpu.memref_slice %arg8[%dma_wait3A_881] : memref<1024xi32, #tpu.memory_space<vmem>> -> memref<128xi32, #tpu.memory_space<vmem>>
      %dma_wait3A_883 = arith.constant 0 : i32
      %dma_wait3A_884 = tpu.memref_slice %arg13[%dma_wait3A_883] : memref<1000064xf32, #tpu.memory_space<vmem_shared>> -> memref<1000064xf32, #tpu.memory_space<vmem_shared>>
      tpu.wait_indirect_dma semaphore(%arg17 : memref<!tpu.dma_semaphore, #tpu.memory_space<semaphore_mem>>) src(%dma_wait3A_884 : memref<1000064xf32, #tpu.memory_space<vmem_shared>>) dst(%dma_wait3A_880 : memref<128xf32, #tpu.memory_space<vmem>>)
      %dma_wait3A_885 = arith.constant 512 : i32
      %dma_wait3A_886 = tpu.memref_slice %arg9[%dma_wait3A_885] : memref<1024xf32, #tpu.memory_space<vmem>> -> memref<128xf32, #tpu.memory_space<vmem>>
      %dma_wait3A_887 = arith.constant 512 : i32
      %dma_wait3A_888 = tpu.memref_slice %arg7[%dma_wait3A_887] : memref<1024xi32, #tpu.memory_space<vmem>> -> memref<128xi32, #tpu.memory_space<vmem>>
      %dma_wait3A_889 = arith.constant 0 : i32
      %dma_wait3A_890 = tpu.memref_slice %arg13[%dma_wait3A_889] : memref<1000064xf32, #tpu.memory_space<vmem_shared>> -> memref<1000064xf32, #tpu.memory_space<vmem_shared>>
      tpu.wait_indirect_dma semaphore(%arg16 : memref<!tpu.dma_semaphore, #tpu.memory_space<semaphore_mem>>) src(%dma_wait3A_890 : memref<1000064xf32, #tpu.memory_space<vmem_shared>>) dst(%dma_wait3A_886 : memref<128xf32, #tpu.memory_space<vmem>>)
      %dma_wait3A_891 = arith.constant 512 : i32
      %dma_wait3A_892 = tpu.memref_slice %arg10[%dma_wait3A_891] : memref<1024xf32, #tpu.memory_space<vmem>> -> memref<128xf32, #tpu.memory_space<vmem>>
      %dma_wait3A_893 = arith.constant 512 : i32
      %dma_wait3A_894 = tpu.memref_slice %arg8[%dma_wait3A_893] : memref<1024xi32, #tpu.memory_space<vmem>> -> memref<128xi32, #tpu.memory_space<vmem>>
      %dma_wait3A_895 = arith.constant 0 : i32
      %dma_wait3A_896 = tpu.memref_slice %arg13[%dma_wait3A_895] : memref<1000064xf32, #tpu.memory_space<vmem_shared>> -> memref<1000064xf32, #tpu.memory_space<vmem_shared>>
      tpu.wait_indirect_dma semaphore(%arg17 : memref<!tpu.dma_semaphore, #tpu.memory_space<semaphore_mem>>) src(%dma_wait3A_896 : memref<1000064xf32, #tpu.memory_space<vmem_shared>>) dst(%dma_wait3A_892 : memref<128xf32, #tpu.memory_space<vmem>>)
      %dma_wait3A_897 = arith.constant 640 : i32
      %dma_wait3A_898 = tpu.memref_slice %arg9[%dma_wait3A_897] : memref<1024xf32, #tpu.memory_space<vmem>> -> memref<128xf32, #tpu.memory_space<vmem>>
      %dma_wait3A_899 = arith.constant 640 : i32
      %dma_wait3A_900 = tpu.memref_slice %arg7[%dma_wait3A_899] : memref<1024xi32, #tpu.memory_space<vmem>> -> memref<128xi32, #tpu.memory_space<vmem>>
      %dma_wait3A_901 = arith.constant 0 : i32
      %dma_wait3A_902 = tpu.memref_slice %arg13[%dma_wait3A_901] : memref<1000064xf32, #tpu.memory_space<vmem_shared>> -> memref<1000064xf32, #tpu.memory_space<vmem_shared>>
      tpu.wait_indirect_dma semaphore(%arg16 : memref<!tpu.dma_semaphore, #tpu.memory_space<semaphore_mem>>) src(%dma_wait3A_902 : memref<1000064xf32, #tpu.memory_space<vmem_shared>>) dst(%dma_wait3A_898 : memref<128xf32, #tpu.memory_space<vmem>>)
      %dma_wait3A_903 = arith.constant 640 : i32
      %dma_wait3A_904 = tpu.memref_slice %arg10[%dma_wait3A_903] : memref<1024xf32, #tpu.memory_space<vmem>> -> memref<128xf32, #tpu.memory_space<vmem>>
      %dma_wait3A_905 = arith.constant 640 : i32
      %dma_wait3A_906 = tpu.memref_slice %arg8[%dma_wait3A_905] : memref<1024xi32, #tpu.memory_space<vmem>> -> memref<128xi32, #tpu.memory_space<vmem>>
      %dma_wait3A_907 = arith.constant 0 : i32
      %dma_wait3A_908 = tpu.memref_slice %arg13[%dma_wait3A_907] : memref<1000064xf32, #tpu.memory_space<vmem_shared>> -> memref<1000064xf32, #tpu.memory_space<vmem_shared>>
      tpu.wait_indirect_dma semaphore(%arg17 : memref<!tpu.dma_semaphore, #tpu.memory_space<semaphore_mem>>) src(%dma_wait3A_908 : memref<1000064xf32, #tpu.memory_space<vmem_shared>>) dst(%dma_wait3A_904 : memref<128xf32, #tpu.memory_space<vmem>>)
      %dma_wait3A_909 = arith.constant 768 : i32
      %dma_wait3A_910 = tpu.memref_slice %arg9[%dma_wait3A_909] : memref<1024xf32, #tpu.memory_space<vmem>> -> memref<128xf32, #tpu.memory_space<vmem>>
      %dma_wait3A_911 = arith.constant 768 : i32
      %dma_wait3A_912 = tpu.memref_slice %arg7[%dma_wait3A_911] : memref<1024xi32, #tpu.memory_space<vmem>> -> memref<128xi32, #tpu.memory_space<vmem>>
      %dma_wait3A_913 = arith.constant 0 : i32
      %dma_wait3A_914 = tpu.memref_slice %arg13[%dma_wait3A_913] : memref<1000064xf32, #tpu.memory_space<vmem_shared>> -> memref<1000064xf32, #tpu.memory_space<vmem_shared>>
      tpu.wait_indirect_dma semaphore(%arg16 : memref<!tpu.dma_semaphore, #tpu.memory_space<semaphore_mem>>) src(%dma_wait3A_914 : memref<1000064xf32, #tpu.memory_space<vmem_shared>>) dst(%dma_wait3A_910 : memref<128xf32, #tpu.memory_space<vmem>>)
      %dma_wait3A_915 = arith.constant 768 : i32
      %dma_wait3A_916 = tpu.memref_slice %arg10[%dma_wait3A_915] : memref<1024xf32, #tpu.memory_space<vmem>> -> memref<128xf32, #tpu.memory_space<vmem>>
      %dma_wait3A_917 = arith.constant 768 : i32
      %dma_wait3A_918 = tpu.memref_slice %arg8[%dma_wait3A_917] : memref<1024xi32, #tpu.memory_space<vmem>> -> memref<128xi32, #tpu.memory_space<vmem>>
      %dma_wait3A_919 = arith.constant 0 : i32
      %dma_wait3A_920 = tpu.memref_slice %arg13[%dma_wait3A_919] : memref<1000064xf32, #tpu.memory_space<vmem_shared>> -> memref<1000064xf32, #tpu.memory_space<vmem_shared>>
      tpu.wait_indirect_dma semaphore(%arg17 : memref<!tpu.dma_semaphore, #tpu.memory_space<semaphore_mem>>) src(%dma_wait3A_920 : memref<1000064xf32, #tpu.memory_space<vmem_shared>>) dst(%dma_wait3A_916 : memref<128xf32, #tpu.memory_space<vmem>>)
      %dma_wait3A_921 = arith.constant 896 : i32
      %dma_wait3A_922 = tpu.memref_slice %arg9[%dma_wait3A_921] : memref<1024xf32, #tpu.memory_space<vmem>> -> memref<128xf32, #tpu.memory_space<vmem>>
      %dma_wait3A_923 = arith.constant 896 : i32
      %dma_wait3A_924 = tpu.memref_slice %arg7[%dma_wait3A_923] : memref<1024xi32, #tpu.memory_space<vmem>> -> memref<128xi32, #tpu.memory_space<vmem>>
      %dma_wait3A_925 = arith.constant 0 : i32
      %dma_wait3A_926 = tpu.memref_slice %arg13[%dma_wait3A_925] : memref<1000064xf32, #tpu.memory_space<vmem_shared>> -> memref<1000064xf32, #tpu.memory_space<vmem_shared>>
      tpu.wait_indirect_dma semaphore(%arg16 : memref<!tpu.dma_semaphore, #tpu.memory_space<semaphore_mem>>) src(%dma_wait3A_926 : memref<1000064xf32, #tpu.memory_space<vmem_shared>>) dst(%dma_wait3A_922 : memref<128xf32, #tpu.memory_space<vmem>>)
      %dma_wait3A_927 = arith.constant 896 : i32
      %dma_wait3A_928 = tpu.memref_slice %arg10[%dma_wait3A_927] : memref<1024xf32, #tpu.memory_space<vmem>> -> memref<128xf32, #tpu.memory_space<vmem>>
      %dma_wait3A_929 = arith.constant 896 : i32
      %dma_wait3A_930 = tpu.memref_slice %arg8[%dma_wait3A_929] : memref<1024xi32, #tpu.memory_space<vmem>> -> memref<128xi32, #tpu.memory_space<vmem>>
      %dma_wait3A_931 = arith.constant 0 : i32
      %dma_wait3A_932 = tpu.memref_slice %arg13[%dma_wait3A_931] : memref<1000064xf32, #tpu.memory_space<vmem_shared>> -> memref<1000064xf32, #tpu.memory_space<vmem_shared>>
      tpu.wait_indirect_dma semaphore(%arg17 : memref<!tpu.dma_semaphore, #tpu.memory_space<semaphore_mem>>) src(%dma_wait3A_932 : memref<1000064xf32, #tpu.memory_space<vmem_shared>>) dst(%dma_wait3A_928 : memref<128xf32, #tpu.memory_space<vmem>>)
      %get3A_933 = arith.constant 0 : index
      %get3A_934 = tpu.vector_load %arg9[%get3A_933] {strides = array<i32>} : memref<1024xf32, #tpu.memory_space<vmem>>, vector<16xf32>,
      %get3A_935 = vector.shape_cast %get3A_934 : vector<16xf32> to vector<16xf32>
      %get3A_936 = arith.constant 0 : index
      %get3A_937 = tpu.vector_load %arg10[%get3A_936] {strides = array<i32>} : memref<1024xf32, #tpu.memory_space<vmem>>, vector<16xf32>,
      %get3A_938 = vector.shape_cast %get3A_937 : vector<16xf32> to vector<16xf32>
      %mul3A_939 = arith.mulf %get3A_935, %get3A_938 : vector<16xf32>
      %add3A_940 = arith.addf %add3A_727, %mul3A_939 : vector<16xf32>
      %get3A_941 = arith.constant 16 : index
      %get3A_942 = tpu.vector_load %arg9[%get3A_941] {strides = array<i32>} : memref<1024xf32, #tpu.memory_space<vmem>>, vector<16xf32>,
      %get3A_943 = vector.shape_cast %get3A_942 : vector<16xf32> to vector<16xf32>
      %get3A_944 = arith.constant 16 : index
      %get3A_945 = tpu.vector_load %arg10[%get3A_944] {strides = array<i32>} : memref<1024xf32, #tpu.memory_space<vmem>>, vector<16xf32>,
      %get3A_946 = vector.shape_cast %get3A_945 : vector<16xf32> to vector<16xf32>
      %mul3A_947 = arith.mulf %get3A_943, %get3A_946 : vector<16xf32>
      %add3A_948 = arith.addf %add3A_940, %mul3A_947 : vector<16xf32>
      %get3A_949 = arith.constant 32 : index
      %get3A_950 = tpu.vector_load %arg9[%get3A_949] {strides = array<i32>} : memref<1024xf32, #tpu.memory_space<vmem>>, vector<16xf32>,
      %get3A_951 = vector.shape_cast %get3A_950 : vector<16xf32> to vector<16xf32>
      %get3A_952 = arith.constant 32 : index
      %get3A_953 = tpu.vector_load %arg10[%get3A_952] {strides = array<i32>} : memref<1024xf32, #tpu.memory_space<vmem>>, vector<16xf32>,
      %get3A_954 = vector.shape_cast %get3A_953 : vector<16xf32> to vector<16xf32>
      %mul3A_955 = arith.mulf %get3A_951, %get3A_954 : vector<16xf32>
      %add3A_956 = arith.addf %add3A_948, %mul3A_955 : vector<16xf32>
      %get3A_957 = arith.constant 48 : index
      %get3A_958 = tpu.vector_load %arg9[%get3A_957] {strides = array<i32>} : memref<1024xf32, #tpu.memory_space<vmem>>, vector<16xf32>,
      %get3A_959 = vector.shape_cast %get3A_958 : vector<16xf32> to vector<16xf32>
      %get3A_960 = arith.constant 48 : index
      %get3A_961 = tpu.vector_load %arg10[%get3A_960] {strides = array<i32>} : memref<1024xf32, #tpu.memory_space<vmem>>, vector<16xf32>,
      %get3A_962 = vector.shape_cast %get3A_961 : vector<16xf32> to vector<16xf32>
      %mul3A_963 = arith.mulf %get3A_959, %get3A_962 : vector<16xf32>
      %add3A_964 = arith.addf %add3A_956, %mul3A_963 : vector<16xf32>
      %get3A_965 = arith.constant 64 : index
      %get3A_966 = tpu.vector_load %arg9[%get3A_965] {strides = array<i32>} : memref<1024xf32, #tpu.memory_space<vmem>>, vector<16xf32>,
      %get3A_967 = vector.shape_cast %get3A_966 : vector<16xf32> to vector<16xf32>
      %get3A_968 = arith.constant 64 : index
      %get3A_969 = tpu.vector_load %arg10[%get3A_968] {strides = array<i32>} : memref<1024xf32, #tpu.memory_space<vmem>>, vector<16xf32>,
      %get3A_970 = vector.shape_cast %get3A_969 : vector<16xf32> to vector<16xf32>
      %mul3A_971 = arith.mulf %get3A_967, %get3A_970 : vector<16xf32>
      %add3A_972 = arith.addf %add3A_964, %mul3A_971 : vector<16xf32>
      %get3A_973 = arith.constant 80 : index
      %get3A_974 = tpu.vector_load %arg9[%get3A_973] {strides = array<i32>} : memref<1024xf32, #tpu.memory_space<vmem>>, vector<16xf32>,
      %get3A_975 = vector.shape_cast %get3A_974 : vector<16xf32> to vector<16xf32>
      %get3A_976 = arith.constant 80 : index
      %get3A_977 = tpu.vector_load %arg10[%get3A_976] {strides = array<i32>} : memref<1024xf32, #tpu.memory_space<vmem>>, vector<16xf32>,
      %get3A_978 = vector.shape_cast %get3A_977 : vector<16xf32> to vector<16xf32>
      %mul3A_979 = arith.mulf %get3A_975, %get3A_978 : vector<16xf32>
      %add3A_980 = arith.addf %add3A_972, %mul3A_979 : vector<16xf32>
      %get3A_981 = arith.constant 96 : index
      %get3A_982 = tpu.vector_load %arg9[%get3A_981] {strides = array<i32>} : memref<1024xf32, #tpu.memory_space<vmem>>, vector<16xf32>,
      %get3A_983 = vector.shape_cast %get3A_982 : vector<16xf32> to vector<16xf32>
      %get3A_984 = arith.constant 96 : index
      %get3A_985 = tpu.vector_load %arg10[%get3A_984] {strides = array<i32>} : memref<1024xf32, #tpu.memory_space<vmem>>, vector<16xf32>,
      %get3A_986 = vector.shape_cast %get3A_985 : vector<16xf32> to vector<16xf32>
      %mul3A_987 = arith.mulf %get3A_983, %get3A_986 : vector<16xf32>
      %add3A_988 = arith.addf %add3A_980, %mul3A_987 : vector<16xf32>
      %get3A_989 = arith.constant 112 : index
      %get3A_990 = tpu.vector_load %arg9[%get3A_989] {strides = array<i32>} : memref<1024xf32, #tpu.memory_space<vmem>>, vector<16xf32>,
      %get3A_991 = vector.shape_cast %get3A_990 : vector<16xf32> to vector<16xf32>
      %get3A_992 = arith.constant 112 : index
      %get3A_993 = tpu.vector_load %arg10[%get3A_992] {strides = array<i32>} : memref<1024xf32, #tpu.memory_space<vmem>>, vector<16xf32>,
      %get3A_994 = vector.shape_cast %get3A_993 : vector<16xf32> to vector<16xf32>
      %mul3A_995 = arith.mulf %get3A_991, %get3A_994 : vector<16xf32>
      %add3A_996 = arith.addf %add3A_988, %mul3A_995 : vector<16xf32>
      %get3A_997 = arith.constant 128 : index
      %get3A_998 = tpu.vector_load %arg9[%get3A_997] {strides = array<i32>} : memref<1024xf32, #tpu.memory_space<vmem>>, vector<16xf32>,
      %get3A_999 = vector.shape_cast %get3A_998 : vector<16xf32> to vector<16xf32>
      %get3A_1000 = arith.constant 128 : index
      %get3A_1001 = tpu.vector_load %arg10[%get3A_1000] {strides = array<i32>} : memref<1024xf32, #tpu.memory_space<vmem>>, vector<16xf32>,
      %get3A_1002 = vector.shape_cast %get3A_1001 : vector<16xf32> to vector<16xf32>
      %mul3A_1003 = arith.mulf %get3A_999, %get3A_1002 : vector<16xf32>
      %add3A_1004 = arith.addf %add3A_996, %mul3A_1003 : vector<16xf32>
      %get3A_1005 = arith.constant 144 : index
      %get3A_1006 = tpu.vector_load %arg9[%get3A_1005] {strides = array<i32>} : memref<1024xf32, #tpu.memory_space<vmem>>, vector<16xf32>,
      %get3A_1007 = vector.shape_cast %get3A_1006 : vector<16xf32> to vector<16xf32>
      %get3A_1008 = arith.constant 144 : index
      %get3A_1009 = tpu.vector_load %arg10[%get3A_1008] {strides = array<i32>} : memref<1024xf32, #tpu.memory_space<vmem>>, vector<16xf32>,
      %get3A_1010 = vector.shape_cast %get3A_1009 : vector<16xf32> to vector<16xf32>
      %mul3A_1011 = arith.mulf %get3A_1007, %get3A_1010 : vector<16xf32>
      %add3A_1012 = arith.addf %add3A_1004, %mul3A_1011 : vector<16xf32>
      %get3A_1013 = arith.constant 160 : index
      %get3A_1014 = tpu.vector_load %arg9[%get3A_1013] {strides = array<i32>} : memref<1024xf32, #tpu.memory_space<vmem>>, vector<16xf32>,
      %get3A_1015 = vector.shape_cast %get3A_1014 : vector<16xf32> to vector<16xf32>
      %get3A_1016 = arith.constant 160 : index
      %get3A_1017 = tpu.vector_load %arg10[%get3A_1016] {strides = array<i32>} : memref<1024xf32, #tpu.memory_space<vmem>>, vector<16xf32>,
      %get3A_1018 = vector.shape_cast %get3A_1017 : vector<16xf32> to vector<16xf32>
      %mul3A_1019 = arith.mulf %get3A_1015, %get3A_1018 : vector<16xf32>
      %add3A_1020 = arith.addf %add3A_1012, %mul3A_1019 : vector<16xf32>
      %get3A_1021 = arith.constant 176 : index
      %get3A_1022 = tpu.vector_load %arg9[%get3A_1021] {strides = array<i32>} : memref<1024xf32, #tpu.memory_space<vmem>>, vector<16xf32>,
      %get3A_1023 = vector.shape_cast %get3A_1022 : vector<16xf32> to vector<16xf32>
      %get3A_1024 = arith.constant 176 : index
      %get3A_1025 = tpu.vector_load %arg10[%get3A_1024] {strides = array<i32>} : memref<1024xf32, #tpu.memory_space<vmem>>, vector<16xf32>,
      %get3A_1026 = vector.shape_cast %get3A_1025 : vector<16xf32> to vector<16xf32>
      %mul3A_1027 = arith.mulf %get3A_1023, %get3A_1026 : vector<16xf32>
      %add3A_1028 = arith.addf %add3A_1020, %mul3A_1027 : vector<16xf32>
      %get3A_1029 = arith.constant 192 : index
      %get3A_1030 = tpu.vector_load %arg9[%get3A_1029] {strides = array<i32>} : memref<1024xf32, #tpu.memory_space<vmem>>, vector<16xf32>,
      %get3A_1031 = vector.shape_cast %get3A_1030 : vector<16xf32> to vector<16xf32>
      %get3A_1032 = arith.constant 192 : index
      %get3A_1033 = tpu.vector_load %arg10[%get3A_1032] {strides = array<i32>} : memref<1024xf32, #tpu.memory_space<vmem>>, vector<16xf32>,
      %get3A_1034 = vector.shape_cast %get3A_1033 : vector<16xf32> to vector<16xf32>
      %mul3A_1035 = arith.mulf %get3A_1031, %get3A_1034 : vector<16xf32>
      %add3A_1036 = arith.addf %add3A_1028, %mul3A_1035 : vector<16xf32>
      %get3A_1037 = arith.constant 208 : index
      %get3A_1038 = tpu.vector_load %arg9[%get3A_1037] {strides = array<i32>} : memref<1024xf32, #tpu.memory_space<vmem>>, vector<16xf32>,
      %get3A_1039 = vector.shape_cast %get3A_1038 : vector<16xf32> to vector<16xf32>
      %get3A_1040 = arith.constant 208 : index
      %get3A_1041 = tpu.vector_load %arg10[%get3A_1040] {strides = array<i32>} : memref<1024xf32, #tpu.memory_space<vmem>>, vector<16xf32>,
      %get3A_1042 = vector.shape_cast %get3A_1041 : vector<16xf32> to vector<16xf32>
      %mul3A_1043 = arith.mulf %get3A_1039, %get3A_1042 : vector<16xf32>
      %add3A_1044 = arith.addf %add3A_1036, %mul3A_1043 : vector<16xf32>
      %get3A_1045 = arith.constant 224 : index
      %get3A_1046 = tpu.vector_load %arg9[%get3A_1045] {strides = array<i32>} : memref<1024xf32, #tpu.memory_space<vmem>>, vector<16xf32>,
      %get3A_1047 = vector.shape_cast %get3A_1046 : vector<16xf32> to vector<16xf32>
      %get3A_1048 = arith.constant 224 : index
      %get3A_1049 = tpu.vector_load %arg10[%get3A_1048] {strides = array<i32>} : memref<1024xf32, #tpu.memory_space<vmem>>, vector<16xf32>,
      %get3A_1050 = vector.shape_cast %get3A_1049 : vector<16xf32> to vector<16xf32>
      %mul3A_1051 = arith.mulf %get3A_1047, %get3A_1050 : vector<16xf32>
      %add3A_1052 = arith.addf %add3A_1044, %mul3A_1051 : vector<16xf32>
      %get3A_1053 = arith.constant 240 : index
      %get3A_1054 = tpu.vector_load %arg9[%get3A_1053] {strides = array<i32>} : memref<1024xf32, #tpu.memory_space<vmem>>, vector<16xf32>,
      %get3A_1055 = vector.shape_cast %get3A_1054 : vector<16xf32> to vector<16xf32>
      %get3A_1056 = arith.constant 240 : index
      %get3A_1057 = tpu.vector_load %arg10[%get3A_1056] {strides = array<i32>} : memref<1024xf32, #tpu.memory_space<vmem>>, vector<16xf32>,
      %get3A_1058 = vector.shape_cast %get3A_1057 : vector<16xf32> to vector<16xf32>
      %mul3A_1059 = arith.mulf %get3A_1055, %get3A_1058 : vector<16xf32>
      %add3A_1060 = arith.addf %add3A_1052, %mul3A_1059 : vector<16xf32>
      %get3A_1061 = arith.constant 256 : index
      %get3A_1062 = tpu.vector_load %arg9[%get3A_1061] {strides = array<i32>} : memref<1024xf32, #tpu.memory_space<vmem>>, vector<16xf32>,
      %get3A_1063 = vector.shape_cast %get3A_1062 : vector<16xf32> to vector<16xf32>
      %get3A_1064 = arith.constant 256 : index
      %get3A_1065 = tpu.vector_load %arg10[%get3A_1064] {strides = array<i32>} : memref<1024xf32, #tpu.memory_space<vmem>>, vector<16xf32>,
      %get3A_1066 = vector.shape_cast %get3A_1065 : vector<16xf32> to vector<16xf32>
      %mul3A_1067 = arith.mulf %get3A_1063, %get3A_1066 : vector<16xf32>
      %add3A_1068 = arith.addf %add3A_1060, %mul3A_1067 : vector<16xf32>
      %get3A_1069 = arith.constant 272 : index
      %get3A_1070 = tpu.vector_load %arg9[%get3A_1069] {strides = array<i32>} : memref<1024xf32, #tpu.memory_space<vmem>>, vector<16xf32>,
      %get3A_1071 = vector.shape_cast %get3A_1070 : vector<16xf32> to vector<16xf32>
      %get3A_1072 = arith.constant 272 : index
      %get3A_1073 = tpu.vector_load %arg10[%get3A_1072] {strides = array<i32>} : memref<1024xf32, #tpu.memory_space<vmem>>, vector<16xf32>,
      %get3A_1074 = vector.shape_cast %get3A_1073 : vector<16xf32> to vector<16xf32>
      %mul3A_1075 = arith.mulf %get3A_1071, %get3A_1074 : vector<16xf32>
      %add3A_1076 = arith.addf %add3A_1068, %mul3A_1075 : vector<16xf32>
      %get3A_1077 = arith.constant 288 : index
      %get3A_1078 = tpu.vector_load %arg9[%get3A_1077] {strides = array<i32>} : memref<1024xf32, #tpu.memory_space<vmem>>, vector<16xf32>,
      %get3A_1079 = vector.shape_cast %get3A_1078 : vector<16xf32> to vector<16xf32>
      %get3A_1080 = arith.constant 288 : index
      %get3A_1081 = tpu.vector_load %arg10[%get3A_1080] {strides = array<i32>} : memref<1024xf32, #tpu.memory_space<vmem>>, vector<16xf32>,
      %get3A_1082 = vector.shape_cast %get3A_1081 : vector<16xf32> to vector<16xf32>
      %mul3A_1083 = arith.mulf %get3A_1079, %get3A_1082 : vector<16xf32>
      %add3A_1084 = arith.addf %add3A_1076, %mul3A_1083 : vector<16xf32>
      %get3A_1085 = arith.constant 304 : index
      %get3A_1086 = tpu.vector_load %arg9[%get3A_1085] {strides = array<i32>} : memref<1024xf32, #tpu.memory_space<vmem>>, vector<16xf32>,
      %get3A_1087 = vector.shape_cast %get3A_1086 : vector<16xf32> to vector<16xf32>
      %get3A_1088 = arith.constant 304 : index
      %get3A_1089 = tpu.vector_load %arg10[%get3A_1088] {strides = array<i32>} : memref<1024xf32, #tpu.memory_space<vmem>>, vector<16xf32>,
      %get3A_1090 = vector.shape_cast %get3A_1089 : vector<16xf32> to vector<16xf32>
      %mul3A_1091 = arith.mulf %get3A_1087, %get3A_1090 : vector<16xf32>
      %add3A_1092 = arith.addf %add3A_1084, %mul3A_1091 : vector<16xf32>
      %get3A_1093 = arith.constant 320 : index
      %get3A_1094 = tpu.vector_load %arg9[%get3A_1093] {strides = array<i32>} : memref<1024xf32, #tpu.memory_space<vmem>>, vector<16xf32>,
      %get3A_1095 = vector.shape_cast %get3A_1094 : vector<16xf32> to vector<16xf32>
      %get3A_1096 = arith.constant 320 : index
      %get3A_1097 = tpu.vector_load %arg10[%get3A_1096] {strides = array<i32>} : memref<1024xf32, #tpu.memory_space<vmem>>, vector<16xf32>,
      %get3A_1098 = vector.shape_cast %get3A_1097 : vector<16xf32> to vector<16xf32>
      %mul3A_1099 = arith.mulf %get3A_1095, %get3A_1098 : vector<16xf32>
      %add3A_1100 = arith.addf %add3A_1092, %mul3A_1099 : vector<16xf32>
      %get3A_1101 = arith.constant 336 : index
      %get3A_1102 = tpu.vector_load %arg9[%get3A_1101] {strides = array<i32>} : memref<1024xf32, #tpu.memory_space<vmem>>, vector<16xf32>,
      %get3A_1103 = vector.shape_cast %get3A_1102 : vector<16xf32> to vector<16xf32>
      %get3A_1104 = arith.constant 336 : index
      %get3A_1105 = tpu.vector_load %arg10[%get3A_1104] {strides = array<i32>} : memref<1024xf32, #tpu.memory_space<vmem>>, vector<16xf32>,
      %get3A_1106 = vector.shape_cast %get3A_1105 : vector<16xf32> to vector<16xf32>
      %mul3A_1107 = arith.mulf %get3A_1103, %get3A_1106 : vector<16xf32>
      %add3A_1108 = arith.addf %add3A_1100, %mul3A_1107 : vector<16xf32>
      %get3A_1109 = arith.constant 352 : index
      %get3A_1110 = tpu.vector_load %arg9[%get3A_1109] {strides = array<i32>} : memref<1024xf32, #tpu.memory_space<vmem>>, vector<16xf32>,
      %get3A_1111 = vector.shape_cast %get3A_1110 : vector<16xf32> to vector<16xf32>
      %get3A_1112 = arith.constant 352 : index
      %get3A_1113 = tpu.vector_load %arg10[%get3A_1112] {strides = array<i32>} : memref<1024xf32, #tpu.memory_space<vmem>>, vector<16xf32>,
      %get3A_1114 = vector.shape_cast %get3A_1113 : vector<16xf32> to vector<16xf32>
      %mul3A_1115 = arith.mulf %get3A_1111, %get3A_1114 : vector<16xf32>
      %add3A_1116 = arith.addf %add3A_1108, %mul3A_1115 : vector<16xf32>
      %get3A_1117 = arith.constant 368 : index
      %get3A_1118 = tpu.vector_load %arg9[%get3A_1117] {strides = array<i32>} : memref<1024xf32, #tpu.memory_space<vmem>>, vector<16xf32>,
      %get3A_1119 = vector.shape_cast %get3A_1118 : vector<16xf32> to vector<16xf32>
      %get3A_1120 = arith.constant 368 : index
      %get3A_1121 = tpu.vector_load %arg10[%get3A_1120] {strides = array<i32>} : memref<1024xf32, #tpu.memory_space<vmem>>, vector<16xf32>,
      %get3A_1122 = vector.shape_cast %get3A_1121 : vector<16xf32> to vector<16xf32>
      %mul3A_1123 = arith.mulf %get3A_1119, %get3A_1122 : vector<16xf32>
      %add3A_1124 = arith.addf %add3A_1116, %mul3A_1123 : vector<16xf32>
      %get3A_1125 = arith.constant 384 : index
      %get3A_1126 = tpu.vector_load %arg9[%get3A_1125] {strides = array<i32>} : memref<1024xf32, #tpu.memory_space<vmem>>, vector<16xf32>,
      %get3A_1127 = vector.shape_cast %get3A_1126 : vector<16xf32> to vector<16xf32>
      %get3A_1128 = arith.constant 384 : index
      %get3A_1129 = tpu.vector_load %arg10[%get3A_1128] {strides = array<i32>} : memref<1024xf32, #tpu.memory_space<vmem>>, vector<16xf32>,
      %get3A_1130 = vector.shape_cast %get3A_1129 : vector<16xf32> to vector<16xf32>
      %mul3A_1131 = arith.mulf %get3A_1127, %get3A_1130 : vector<16xf32>
      %add3A_1132 = arith.addf %add3A_1124, %mul3A_1131 : vector<16xf32>
      %get3A_1133 = arith.constant 400 : index
      %get3A_1134 = tpu.vector_load %arg9[%get3A_1133] {strides = array<i32>} : memref<1024xf32, #tpu.memory_space<vmem>>, vector<16xf32>,
      %get3A_1135 = vector.shape_cast %get3A_1134 : vector<16xf32> to vector<16xf32>
      %get3A_1136 = arith.constant 400 : index
      %get3A_1137 = tpu.vector_load %arg10[%get3A_1136] {strides = array<i32>} : memref<1024xf32, #tpu.memory_space<vmem>>, vector<16xf32>,
      %get3A_1138 = vector.shape_cast %get3A_1137 : vector<16xf32> to vector<16xf32>
      %mul3A_1139 = arith.mulf %get3A_1135, %get3A_1138 : vector<16xf32>
      %add3A_1140 = arith.addf %add3A_1132, %mul3A_1139 : vector<16xf32>
      %get3A_1141 = arith.constant 416 : index
      %get3A_1142 = tpu.vector_load %arg9[%get3A_1141] {strides = array<i32>} : memref<1024xf32, #tpu.memory_space<vmem>>, vector<16xf32>,
      %get3A_1143 = vector.shape_cast %get3A_1142 : vector<16xf32> to vector<16xf32>
      %get3A_1144 = arith.constant 416 : index
      %get3A_1145 = tpu.vector_load %arg10[%get3A_1144] {strides = array<i32>} : memref<1024xf32, #tpu.memory_space<vmem>>, vector<16xf32>,
      %get3A_1146 = vector.shape_cast %get3A_1145 : vector<16xf32> to vector<16xf32>
      %mul3A_1147 = arith.mulf %get3A_1143, %get3A_1146 : vector<16xf32>
      %add3A_1148 = arith.addf %add3A_1140, %mul3A_1147 : vector<16xf32>
      %get3A_1149 = arith.constant 432 : index
      %get3A_1150 = tpu.vector_load %arg9[%get3A_1149] {strides = array<i32>} : memref<1024xf32, #tpu.memory_space<vmem>>, vector<16xf32>,
      %get3A_1151 = vector.shape_cast %get3A_1150 : vector<16xf32> to vector<16xf32>
      %get3A_1152 = arith.constant 432 : index
      %get3A_1153 = tpu.vector_load %arg10[%get3A_1152] {strides = array<i32>} : memref<1024xf32, #tpu.memory_space<vmem>>, vector<16xf32>,
      %get3A_1154 = vector.shape_cast %get3A_1153 : vector<16xf32> to vector<16xf32>
      %mul3A_1155 = arith.mulf %get3A_1151, %get3A_1154 : vector<16xf32>
      %add3A_1156 = arith.addf %add3A_1148, %mul3A_1155 : vector<16xf32>
      %get3A_1157 = arith.constant 448 : index
      %get3A_1158 = tpu.vector_load %arg9[%get3A_1157] {strides = array<i32>} : memref<1024xf32, #tpu.memory_space<vmem>>, vector<16xf32>,
      %get3A_1159 = vector.shape_cast %get3A_1158 : vector<16xf32> to vector<16xf32>
      %get3A_1160 = arith.constant 448 : index
      %get3A_1161 = tpu.vector_load %arg10[%get3A_1160] {strides = array<i32>} : memref<1024xf32, #tpu.memory_space<vmem>>, vector<16xf32>,
      %get3A_1162 = vector.shape_cast %get3A_1161 : vector<16xf32> to vector<16xf32>
      %mul3A_1163 = arith.mulf %get3A_1159, %get3A_1162 : vector<16xf32>
      %add3A_1164 = arith.addf %add3A_1156, %mul3A_1163 : vector<16xf32>
      %get3A_1165 = arith.constant 464 : index
      %get3A_1166 = tpu.vector_load %arg9[%get3A_1165] {strides = array<i32>} : memref<1024xf32, #tpu.memory_space<vmem>>, vector<16xf32>,
      %get3A_1167 = vector.shape_cast %get3A_1166 : vector<16xf32> to vector<16xf32>
      %get3A_1168 = arith.constant 464 : index
      %get3A_1169 = tpu.vector_load %arg10[%get3A_1168] {strides = array<i32>} : memref<1024xf32, #tpu.memory_space<vmem>>, vector<16xf32>,
      %get3A_1170 = vector.shape_cast %get3A_1169 : vector<16xf32> to vector<16xf32>
      %mul3A_1171 = arith.mulf %get3A_1167, %get3A_1170 : vector<16xf32>
      %add3A_1172 = arith.addf %add3A_1164, %mul3A_1171 : vector<16xf32>
      %get3A_1173 = arith.constant 480 : index
      %get3A_1174 = tpu.vector_load %arg9[%get3A_1173] {strides = array<i32>} : memref<1024xf32, #tpu.memory_space<vmem>>, vector<16xf32>,
      %get3A_1175 = vector.shape_cast %get3A_1174 : vector<16xf32> to vector<16xf32>
      %get3A_1176 = arith.constant 480 : index
      %get3A_1177 = tpu.vector_load %arg10[%get3A_1176] {strides = array<i32>} : memref<1024xf32, #tpu.memory_space<vmem>>, vector<16xf32>,
      %get3A_1178 = vector.shape_cast %get3A_1177 : vector<16xf32> to vector<16xf32>
      %mul3A_1179 = arith.mulf %get3A_1175, %get3A_1178 : vector<16xf32>
      %add3A_1180 = arith.addf %add3A_1172, %mul3A_1179 : vector<16xf32>
      %get3A_1181 = arith.constant 496 : index
      %get3A_1182 = tpu.vector_load %arg9[%get3A_1181] {strides = array<i32>} : memref<1024xf32, #tpu.memory_space<vmem>>, vector<16xf32>,
      %get3A_1183 = vector.shape_cast %get3A_1182 : vector<16xf32> to vector<16xf32>
      %get3A_1184 = arith.constant 496 : index
      %get3A_1185 = tpu.vector_load %arg10[%get3A_1184] {strides = array<i32>} : memref<1024xf32, #tpu.memory_space<vmem>>, vector<16xf32>,
      %get3A_1186 = vector.shape_cast %get3A_1185 : vector<16xf32> to vector<16xf32>
      %mul3A_1187 = arith.mulf %get3A_1183, %get3A_1186 : vector<16xf32>
      %add3A_1188 = arith.addf %add3A_1180, %mul3A_1187 : vector<16xf32>
      %get3A_1189 = arith.constant 512 : index
      %get3A_1190 = tpu.vector_load %arg9[%get3A_1189] {strides = array<i32>} : memref<1024xf32, #tpu.memory_space<vmem>>, vector<16xf32>,
      %get3A_1191 = vector.shape_cast %get3A_1190 : vector<16xf32> to vector<16xf32>
      %get3A_1192 = arith.constant 512 : index
      %get3A_1193 = tpu.vector_load %arg10[%get3A_1192] {strides = array<i32>} : memref<1024xf32, #tpu.memory_space<vmem>>, vector<16xf32>,
      %get3A_1194 = vector.shape_cast %get3A_1193 : vector<16xf32> to vector<16xf32>
      %mul3A_1195 = arith.mulf %get3A_1191, %get3A_1194 : vector<16xf32>
      %add3A_1196 = arith.addf %add3A_1188, %mul3A_1195 : vector<16xf32>
      %get3A_1197 = arith.constant 528 : index
      %get3A_1198 = tpu.vector_load %arg9[%get3A_1197] {strides = array<i32>} : memref<1024xf32, #tpu.memory_space<vmem>>, vector<16xf32>,
      %get3A_1199 = vector.shape_cast %get3A_1198 : vector<16xf32> to vector<16xf32>
      %get3A_1200 = arith.constant 528 : index
      %get3A_1201 = tpu.vector_load %arg10[%get3A_1200] {strides = array<i32>} : memref<1024xf32, #tpu.memory_space<vmem>>, vector<16xf32>,
      %get3A_1202 = vector.shape_cast %get3A_1201 : vector<16xf32> to vector<16xf32>
      %mul3A_1203 = arith.mulf %get3A_1199, %get3A_1202 : vector<16xf32>
      %add3A_1204 = arith.addf %add3A_1196, %mul3A_1203 : vector<16xf32>
      %get3A_1205 = arith.constant 544 : index
      %get3A_1206 = tpu.vector_load %arg9[%get3A_1205] {strides = array<i32>} : memref<1024xf32, #tpu.memory_space<vmem>>, vector<16xf32>,
      %get3A_1207 = vector.shape_cast %get3A_1206 : vector<16xf32> to vector<16xf32>
      %get3A_1208 = arith.constant 544 : index
      %get3A_1209 = tpu.vector_load %arg10[%get3A_1208] {strides = array<i32>} : memref<1024xf32, #tpu.memory_space<vmem>>, vector<16xf32>,
      %get3A_1210 = vector.shape_cast %get3A_1209 : vector<16xf32> to vector<16xf32>
      %mul3A_1211 = arith.mulf %get3A_1207, %get3A_1210 : vector<16xf32>
      %add3A_1212 = arith.addf %add3A_1204, %mul3A_1211 : vector<16xf32>
      %get3A_1213 = arith.constant 560 : index
      %get3A_1214 = tpu.vector_load %arg9[%get3A_1213] {strides = array<i32>} : memref<1024xf32, #tpu.memory_space<vmem>>, vector<16xf32>,
      %get3A_1215 = vector.shape_cast %get3A_1214 : vector<16xf32> to vector<16xf32>
      %get3A_1216 = arith.constant 560 : index
      %get3A_1217 = tpu.vector_load %arg10[%get3A_1216] {strides = array<i32>} : memref<1024xf32, #tpu.memory_space<vmem>>, vector<16xf32>,
      %get3A_1218 = vector.shape_cast %get3A_1217 : vector<16xf32> to vector<16xf32>
      %mul3A_1219 = arith.mulf %get3A_1215, %get3A_1218 : vector<16xf32>
      %add3A_1220 = arith.addf %add3A_1212, %mul3A_1219 : vector<16xf32>
      %get3A_1221 = arith.constant 576 : index
      %get3A_1222 = tpu.vector_load %arg9[%get3A_1221] {strides = array<i32>} : memref<1024xf32, #tpu.memory_space<vmem>>, vector<16xf32>,
      %get3A_1223 = vector.shape_cast %get3A_1222 : vector<16xf32> to vector<16xf32>
      %get3A_1224 = arith.constant 576 : index
      %get3A_1225 = tpu.vector_load %arg10[%get3A_1224] {strides = array<i32>} : memref<1024xf32, #tpu.memory_space<vmem>>, vector<16xf32>,
      %get3A_1226 = vector.shape_cast %get3A_1225 : vector<16xf32> to vector<16xf32>
      %mul3A_1227 = arith.mulf %get3A_1223, %get3A_1226 : vector<16xf32>
      %add3A_1228 = arith.addf %add3A_1220, %mul3A_1227 : vector<16xf32>
      %get3A_1229 = arith.constant 592 : index
      %get3A_1230 = tpu.vector_load %arg9[%get3A_1229] {strides = array<i32>} : memref<1024xf32, #tpu.memory_space<vmem>>, vector<16xf32>,
      %get3A_1231 = vector.shape_cast %get3A_1230 : vector<16xf32> to vector<16xf32>
      %get3A_1232 = arith.constant 592 : index
      %get3A_1233 = tpu.vector_load %arg10[%get3A_1232] {strides = array<i32>} : memref<1024xf32, #tpu.memory_space<vmem>>, vector<16xf32>,
      %get3A_1234 = vector.shape_cast %get3A_1233 : vector<16xf32> to vector<16xf32>
      %mul3A_1235 = arith.mulf %get3A_1231, %get3A_1234 : vector<16xf32>
      %add3A_1236 = arith.addf %add3A_1228, %mul3A_1235 : vector<16xf32>
      %get3A_1237 = arith.constant 608 : index
      %get3A_1238 = tpu.vector_load %arg9[%get3A_1237] {strides = array<i32>} : memref<1024xf32, #tpu.memory_space<vmem>>, vector<16xf32>,
      %get3A_1239 = vector.shape_cast %get3A_1238 : vector<16xf32> to vector<16xf32>
      %get3A_1240 = arith.constant 608 : index
      %get3A_1241 = tpu.vector_load %arg10[%get3A_1240] {strides = array<i32>} : memref<1024xf32, #tpu.memory_space<vmem>>, vector<16xf32>,
      %get3A_1242 = vector.shape_cast %get3A_1241 : vector<16xf32> to vector<16xf32>
      %mul3A_1243 = arith.mulf %get3A_1239, %get3A_1242 : vector<16xf32>
      %add3A_1244 = arith.addf %add3A_1236, %mul3A_1243 : vector<16xf32>
      %get3A_1245 = arith.constant 624 : index
      %get3A_1246 = tpu.vector_load %arg9[%get3A_1245] {strides = array<i32>} : memref<1024xf32, #tpu.memory_space<vmem>>, vector<16xf32>,
      %get3A_1247 = vector.shape_cast %get3A_1246 : vector<16xf32> to vector<16xf32>
      %get3A_1248 = arith.constant 624 : index
      %get3A_1249 = tpu.vector_load %arg10[%get3A_1248] {strides = array<i32>} : memref<1024xf32, #tpu.memory_space<vmem>>, vector<16xf32>,
      %get3A_1250 = vector.shape_cast %get3A_1249 : vector<16xf32> to vector<16xf32>
      %mul3A_1251 = arith.mulf %get3A_1247, %get3A_1250 : vector<16xf32>
      %add3A_1252 = arith.addf %add3A_1244, %mul3A_1251 : vector<16xf32>
      %get3A_1253 = arith.constant 640 : index
      %get3A_1254 = tpu.vector_load %arg9[%get3A_1253] {strides = array<i32>} : memref<1024xf32, #tpu.memory_space<vmem>>, vector<16xf32>,
      %get3A_1255 = vector.shape_cast %get3A_1254 : vector<16xf32> to vector<16xf32>
      %get3A_1256 = arith.constant 640 : index
      %get3A_1257 = tpu.vector_load %arg10[%get3A_1256] {strides = array<i32>} : memref<1024xf32, #tpu.memory_space<vmem>>, vector<16xf32>,
      %get3A_1258 = vector.shape_cast %get3A_1257 : vector<16xf32> to vector<16xf32>
      %mul3A_1259 = arith.mulf %get3A_1255, %get3A_1258 : vector<16xf32>
      %add3A_1260 = arith.addf %add3A_1252, %mul3A_1259 : vector<16xf32>
      %get3A_1261 = arith.constant 656 : index
      %get3A_1262 = tpu.vector_load %arg9[%get3A_1261] {strides = array<i32>} : memref<1024xf32, #tpu.memory_space<vmem>>, vector<16xf32>,
      %get3A_1263 = vector.shape_cast %get3A_1262 : vector<16xf32> to vector<16xf32>
      %get3A_1264 = arith.constant 656 : index
      %get3A_1265 = tpu.vector_load %arg10[%get3A_1264] {strides = array<i32>} : memref<1024xf32, #tpu.memory_space<vmem>>, vector<16xf32>,
      %get3A_1266 = vector.shape_cast %get3A_1265 : vector<16xf32> to vector<16xf32>
      %mul3A_1267 = arith.mulf %get3A_1263, %get3A_1266 : vector<16xf32>
      %add3A_1268 = arith.addf %add3A_1260, %mul3A_1267 : vector<16xf32>
      %get3A_1269 = arith.constant 672 : index
      %get3A_1270 = tpu.vector_load %arg9[%get3A_1269] {strides = array<i32>} : memref<1024xf32, #tpu.memory_space<vmem>>, vector<16xf32>,
      %get3A_1271 = vector.shape_cast %get3A_1270 : vector<16xf32> to vector<16xf32>
      %get3A_1272 = arith.constant 672 : index
      %get3A_1273 = tpu.vector_load %arg10[%get3A_1272] {strides = array<i32>} : memref<1024xf32, #tpu.memory_space<vmem>>, vector<16xf32>,
      %get3A_1274 = vector.shape_cast %get3A_1273 : vector<16xf32> to vector<16xf32>
      %mul3A_1275 = arith.mulf %get3A_1271, %get3A_1274 : vector<16xf32>
      %add3A_1276 = arith.addf %add3A_1268, %mul3A_1275 : vector<16xf32>
      %get3A_1277 = arith.constant 688 : index
      %get3A_1278 = tpu.vector_load %arg9[%get3A_1277] {strides = array<i32>} : memref<1024xf32, #tpu.memory_space<vmem>>, vector<16xf32>,
      %get3A_1279 = vector.shape_cast %get3A_1278 : vector<16xf32> to vector<16xf32>
      %get3A_1280 = arith.constant 688 : index
      %get3A_1281 = tpu.vector_load %arg10[%get3A_1280] {strides = array<i32>} : memref<1024xf32, #tpu.memory_space<vmem>>, vector<16xf32>,
      %get3A_1282 = vector.shape_cast %get3A_1281 : vector<16xf32> to vector<16xf32>
      %mul3A_1283 = arith.mulf %get3A_1279, %get3A_1282 : vector<16xf32>
      %add3A_1284 = arith.addf %add3A_1276, %mul3A_1283 : vector<16xf32>
      %get3A_1285 = arith.constant 704 : index
      %get3A_1286 = tpu.vector_load %arg9[%get3A_1285] {strides = array<i32>} : memref<1024xf32, #tpu.memory_space<vmem>>, vector<16xf32>,
      %get3A_1287 = vector.shape_cast %get3A_1286 : vector<16xf32> to vector<16xf32>
      %get3A_1288 = arith.constant 704 : index
      %get3A_1289 = tpu.vector_load %arg10[%get3A_1288] {strides = array<i32>} : memref<1024xf32, #tpu.memory_space<vmem>>, vector<16xf32>,
      %get3A_1290 = vector.shape_cast %get3A_1289 : vector<16xf32> to vector<16xf32>
      %mul3A_1291 = arith.mulf %get3A_1287, %get3A_1290 : vector<16xf32>
      %add3A_1292 = arith.addf %add3A_1284, %mul3A_1291 : vector<16xf32>
      %get3A_1293 = arith.constant 720 : index
      %get3A_1294 = tpu.vector_load %arg9[%get3A_1293] {strides = array<i32>} : memref<1024xf32, #tpu.memory_space<vmem>>, vector<16xf32>,
      %get3A_1295 = vector.shape_cast %get3A_1294 : vector<16xf32> to vector<16xf32>
      %get3A_1296 = arith.constant 720 : index
      %get3A_1297 = tpu.vector_load %arg10[%get3A_1296] {strides = array<i32>} : memref<1024xf32, #tpu.memory_space<vmem>>, vector<16xf32>,
      %get3A_1298 = vector.shape_cast %get3A_1297 : vector<16xf32> to vector<16xf32>
      %mul3A_1299 = arith.mulf %get3A_1295, %get3A_1298 : vector<16xf32>
      %add3A_1300 = arith.addf %add3A_1292, %mul3A_1299 : vector<16xf32>
      %get3A_1301 = arith.constant 736 : index
      %get3A_1302 = tpu.vector_load %arg9[%get3A_1301] {strides = array<i32>} : memref<1024xf32, #tpu.memory_space<vmem>>, vector<16xf32>,
      %get3A_1303 = vector.shape_cast %get3A_1302 : vector<16xf32> to vector<16xf32>
      %get3A_1304 = arith.constant 736 : index
      %get3A_1305 = tpu.vector_load %arg10[%get3A_1304] {strides = array<i32>} : memref<1024xf32, #tpu.memory_space<vmem>>, vector<16xf32>,
      %get3A_1306 = vector.shape_cast %get3A_1305 : vector<16xf32> to vector<16xf32>
      %mul3A_1307 = arith.mulf %get3A_1303, %get3A_1306 : vector<16xf32>
      %add3A_1308 = arith.addf %add3A_1300, %mul3A_1307 : vector<16xf32>
      %get3A_1309 = arith.constant 752 : index
      %get3A_1310 = tpu.vector_load %arg9[%get3A_1309] {strides = array<i32>} : memref<1024xf32, #tpu.memory_space<vmem>>, vector<16xf32>,
      %get3A_1311 = vector.shape_cast %get3A_1310 : vector<16xf32> to vector<16xf32>
      %get3A_1312 = arith.constant 752 : index
      %get3A_1313 = tpu.vector_load %arg10[%get3A_1312] {strides = array<i32>} : memref<1024xf32, #tpu.memory_space<vmem>>, vector<16xf32>,
      %get3A_1314 = vector.shape_cast %get3A_1313 : vector<16xf32> to vector<16xf32>
      %mul3A_1315 = arith.mulf %get3A_1311, %get3A_1314 : vector<16xf32>
      %add3A_1316 = arith.addf %add3A_1308, %mul3A_1315 : vector<16xf32>
      %get3A_1317 = arith.constant 768 : index
      %get3A_1318 = tpu.vector_load %arg9[%get3A_1317] {strides = array<i32>} : memref<1024xf32, #tpu.memory_space<vmem>>, vector<16xf32>,
      %get3A_1319 = vector.shape_cast %get3A_1318 : vector<16xf32> to vector<16xf32>
      %get3A_1320 = arith.constant 768 : index
      %get3A_1321 = tpu.vector_load %arg10[%get3A_1320] {strides = array<i32>} : memref<1024xf32, #tpu.memory_space<vmem>>, vector<16xf32>,
      %get3A_1322 = vector.shape_cast %get3A_1321 : vector<16xf32> to vector<16xf32>
      %mul3A_1323 = arith.mulf %get3A_1319, %get3A_1322 : vector<16xf32>
      %add3A_1324 = arith.addf %add3A_1316, %mul3A_1323 : vector<16xf32>
      %get3A_1325 = arith.constant 784 : index
      %get3A_1326 = tpu.vector_load %arg9[%get3A_1325] {strides = array<i32>} : memref<1024xf32, #tpu.memory_space<vmem>>, vector<16xf32>,
      %get3A_1327 = vector.shape_cast %get3A_1326 : vector<16xf32> to vector<16xf32>
      %get3A_1328 = arith.constant 784 : index
      %get3A_1329 = tpu.vector_load %arg10[%get3A_1328] {strides = array<i32>} : memref<1024xf32, #tpu.memory_space<vmem>>, vector<16xf32>,
      %get3A_1330 = vector.shape_cast %get3A_1329 : vector<16xf32> to vector<16xf32>
      %mul3A_1331 = arith.mulf %get3A_1327, %get3A_1330 : vector<16xf32>
      %add3A_1332 = arith.addf %add3A_1324, %mul3A_1331 : vector<16xf32>
      %get3A_1333 = arith.constant 800 : index
      %get3A_1334 = tpu.vector_load %arg9[%get3A_1333] {strides = array<i32>} : memref<1024xf32, #tpu.memory_space<vmem>>, vector<16xf32>,
      %get3A_1335 = vector.shape_cast %get3A_1334 : vector<16xf32> to vector<16xf32>
      %get3A_1336 = arith.constant 800 : index
      %get3A_1337 = tpu.vector_load %arg10[%get3A_1336] {strides = array<i32>} : memref<1024xf32, #tpu.memory_space<vmem>>, vector<16xf32>,
      %get3A_1338 = vector.shape_cast %get3A_1337 : vector<16xf32> to vector<16xf32>
      %mul3A_1339 = arith.mulf %get3A_1335, %get3A_1338 : vector<16xf32>
      %add3A_1340 = arith.addf %add3A_1332, %mul3A_1339 : vector<16xf32>
      %get3A_1341 = arith.constant 816 : index
      %get3A_1342 = tpu.vector_load %arg9[%get3A_1341] {strides = array<i32>} : memref<1024xf32, #tpu.memory_space<vmem>>, vector<16xf32>,
      %get3A_1343 = vector.shape_cast %get3A_1342 : vector<16xf32> to vector<16xf32>
      %get3A_1344 = arith.constant 816 : index
      %get3A_1345 = tpu.vector_load %arg10[%get3A_1344] {strides = array<i32>} : memref<1024xf32, #tpu.memory_space<vmem>>, vector<16xf32>,
      %get3A_1346 = vector.shape_cast %get3A_1345 : vector<16xf32> to vector<16xf32>
      %mul3A_1347 = arith.mulf %get3A_1343, %get3A_1346 : vector<16xf32>
      %add3A_1348 = arith.addf %add3A_1340, %mul3A_1347 : vector<16xf32>
      %get3A_1349 = arith.constant 832 : index
      %get3A_1350 = tpu.vector_load %arg9[%get3A_1349] {strides = array<i32>} : memref<1024xf32, #tpu.memory_space<vmem>>, vector<16xf32>,
      %get3A_1351 = vector.shape_cast %get3A_1350 : vector<16xf32> to vector<16xf32>
      %get3A_1352 = arith.constant 832 : index
      %get3A_1353 = tpu.vector_load %arg10[%get3A_1352] {strides = array<i32>} : memref<1024xf32, #tpu.memory_space<vmem>>, vector<16xf32>,
      %get3A_1354 = vector.shape_cast %get3A_1353 : vector<16xf32> to vector<16xf32>
      %mul3A_1355 = arith.mulf %get3A_1351, %get3A_1354 : vector<16xf32>
      %add3A_1356 = arith.addf %add3A_1348, %mul3A_1355 : vector<16xf32>
      %get3A_1357 = arith.constant 848 : index
      %get3A_1358 = tpu.vector_load %arg9[%get3A_1357] {strides = array<i32>} : memref<1024xf32, #tpu.memory_space<vmem>>, vector<16xf32>,
      %get3A_1359 = vector.shape_cast %get3A_1358 : vector<16xf32> to vector<16xf32>
      %get3A_1360 = arith.constant 848 : index
      %get3A_1361 = tpu.vector_load %arg10[%get3A_1360] {strides = array<i32>} : memref<1024xf32, #tpu.memory_space<vmem>>, vector<16xf32>,
      %get3A_1362 = vector.shape_cast %get3A_1361 : vector<16xf32> to vector<16xf32>
      %mul3A_1363 = arith.mulf %get3A_1359, %get3A_1362 : vector<16xf32>
      %add3A_1364 = arith.addf %add3A_1356, %mul3A_1363 : vector<16xf32>
      %get3A_1365 = arith.constant 864 : index
      %get3A_1366 = tpu.vector_load %arg9[%get3A_1365] {strides = array<i32>} : memref<1024xf32, #tpu.memory_space<vmem>>, vector<16xf32>,
      %get3A_1367 = vector.shape_cast %get3A_1366 : vector<16xf32> to vector<16xf32>
      %get3A_1368 = arith.constant 864 : index
      %get3A_1369 = tpu.vector_load %arg10[%get3A_1368] {strides = array<i32>} : memref<1024xf32, #tpu.memory_space<vmem>>, vector<16xf32>,
      %get3A_1370 = vector.shape_cast %get3A_1369 : vector<16xf32> to vector<16xf32>
      %mul3A_1371 = arith.mulf %get3A_1367, %get3A_1370 : vector<16xf32>
      %add3A_1372 = arith.addf %add3A_1364, %mul3A_1371 : vector<16xf32>
      %get3A_1373 = arith.constant 880 : index
      %get3A_1374 = tpu.vector_load %arg9[%get3A_1373] {strides = array<i32>} : memref<1024xf32, #tpu.memory_space<vmem>>, vector<16xf32>,
      %get3A_1375 = vector.shape_cast %get3A_1374 : vector<16xf32> to vector<16xf32>
      %get3A_1376 = arith.constant 880 : index
      %get3A_1377 = tpu.vector_load %arg10[%get3A_1376] {strides = array<i32>} : memref<1024xf32, #tpu.memory_space<vmem>>, vector<16xf32>,
      %get3A_1378 = vector.shape_cast %get3A_1377 : vector<16xf32> to vector<16xf32>
      %mul3A_1379 = arith.mulf %get3A_1375, %get3A_1378 : vector<16xf32>
      %add3A_1380 = arith.addf %add3A_1372, %mul3A_1379 : vector<16xf32>
      %get3A_1381 = arith.constant 896 : index
      %get3A_1382 = tpu.vector_load %arg9[%get3A_1381] {strides = array<i32>} : memref<1024xf32, #tpu.memory_space<vmem>>, vector<16xf32>,
      %get3A_1383 = vector.shape_cast %get3A_1382 : vector<16xf32> to vector<16xf32>
      %get3A_1384 = arith.constant 896 : index
      %get3A_1385 = tpu.vector_load %arg10[%get3A_1384] {strides = array<i32>} : memref<1024xf32, #tpu.memory_space<vmem>>, vector<16xf32>,
      %get3A_1386 = vector.shape_cast %get3A_1385 : vector<16xf32> to vector<16xf32>
      %mul3A_1387 = arith.mulf %get3A_1383, %get3A_1386 : vector<16xf32>
      %add3A_1388 = arith.addf %add3A_1380, %mul3A_1387 : vector<16xf32>
      %get3A_1389 = arith.constant 912 : index
      %get3A_1390 = tpu.vector_load %arg9[%get3A_1389] {strides = array<i32>} : memref<1024xf32, #tpu.memory_space<vmem>>, vector<16xf32>,
      %get3A_1391 = vector.shape_cast %get3A_1390 : vector<16xf32> to vector<16xf32>
      %get3A_1392 = arith.constant 912 : index
      %get3A_1393 = tpu.vector_load %arg10[%get3A_1392] {strides = array<i32>} : memref<1024xf32, #tpu.memory_space<vmem>>, vector<16xf32>,
      %get3A_1394 = vector.shape_cast %get3A_1393 : vector<16xf32> to vector<16xf32>
      %mul3A_1395 = arith.mulf %get3A_1391, %get3A_1394 : vector<16xf32>
      %add3A_1396 = arith.addf %add3A_1388, %mul3A_1395 : vector<16xf32>
      %get3A_1397 = arith.constant 928 : index
      %get3A_1398 = tpu.vector_load %arg9[%get3A_1397] {strides = array<i32>} : memref<1024xf32, #tpu.memory_space<vmem>>, vector<16xf32>,
      %get3A_1399 = vector.shape_cast %get3A_1398 : vector<16xf32> to vector<16xf32>
      %get3A_1400 = arith.constant 928 : index
      %get3A_1401 = tpu.vector_load %arg10[%get3A_1400] {strides = array<i32>} : memref<1024xf32, #tpu.memory_space<vmem>>, vector<16xf32>,
      %get3A_1402 = vector.shape_cast %get3A_1401 : vector<16xf32> to vector<16xf32>
      %mul3A_1403 = arith.mulf %get3A_1399, %get3A_1402 : vector<16xf32>
      %add3A_1404 = arith.addf %add3A_1396, %mul3A_1403 : vector<16xf32>
      %get3A_1405 = arith.constant 944 : index
      %get3A_1406 = tpu.vector_load %arg9[%get3A_1405] {strides = array<i32>} : memref<1024xf32, #tpu.memory_space<vmem>>, vector<16xf32>,
      %get3A_1407 = vector.shape_cast %get3A_1406 : vector<16xf32> to vector<16xf32>
      %get3A_1408 = arith.constant 944 : index
      %get3A_1409 = tpu.vector_load %arg10[%get3A_1408] {strides = array<i32>} : memref<1024xf32, #tpu.memory_space<vmem>>, vector<16xf32>,
      %get3A_1410 = vector.shape_cast %get3A_1409 : vector<16xf32> to vector<16xf32>
      %mul3A_1411 = arith.mulf %get3A_1407, %get3A_1410 : vector<16xf32>
      %add3A_1412 = arith.addf %add3A_1404, %mul3A_1411 : vector<16xf32>
      %get3A_1413 = arith.constant 960 : index
      %get3A_1414 = tpu.vector_load %arg9[%get3A_1413] {strides = array<i32>} : memref<1024xf32, #tpu.memory_space<vmem>>, vector<16xf32>,
      %get3A_1415 = vector.shape_cast %get3A_1414 : vector<16xf32> to vector<16xf32>
      %get3A_1416 = arith.constant 960 : index
      %get3A_1417 = tpu.vector_load %arg10[%get3A_1416] {strides = array<i32>} : memref<1024xf32, #tpu.memory_space<vmem>>, vector<16xf32>,
      %get3A_1418 = vector.shape_cast %get3A_1417 : vector<16xf32> to vector<16xf32>
      %mul3A_1419 = arith.mulf %get3A_1415, %get3A_1418 : vector<16xf32>
      %add3A_1420 = arith.addf %add3A_1412, %mul3A_1419 : vector<16xf32>
      %get3A_1421 = arith.constant 976 : index
      %get3A_1422 = tpu.vector_load %arg9[%get3A_1421] {strides = array<i32>} : memref<1024xf32, #tpu.memory_space<vmem>>, vector<16xf32>,
      %get3A_1423 = vector.shape_cast %get3A_1422 : vector<16xf32> to vector<16xf32>
      %get3A_1424 = arith.constant 976 : index
      %get3A_1425 = tpu.vector_load %arg10[%get3A_1424] {strides = array<i32>} : memref<1024xf32, #tpu.memory_space<vmem>>, vector<16xf32>,
      %get3A_1426 = vector.shape_cast %get3A_1425 : vector<16xf32> to vector<16xf32>
      %mul3A_1427 = arith.mulf %get3A_1423, %get3A_1426 : vector<16xf32>
      %add3A_1428 = arith.addf %add3A_1420, %mul3A_1427 : vector<16xf32>
      %get3A_1429 = arith.constant 992 : index
      %get3A_1430 = tpu.vector_load %arg9[%get3A_1429] {strides = array<i32>} : memref<1024xf32, #tpu.memory_space<vmem>>, vector<16xf32>,
      %get3A_1431 = vector.shape_cast %get3A_1430 : vector<16xf32> to vector<16xf32>
      %get3A_1432 = arith.constant 992 : index
      %get3A_1433 = tpu.vector_load %arg10[%get3A_1432] {strides = array<i32>} : memref<1024xf32, #tpu.memory_space<vmem>>, vector<16xf32>,
      %get3A_1434 = vector.shape_cast %get3A_1433 : vector<16xf32> to vector<16xf32>
      %mul3A_1435 = arith.mulf %get3A_1431, %get3A_1434 : vector<16xf32>
      %add3A_1436 = arith.addf %add3A_1428, %mul3A_1435 : vector<16xf32>
      %get3A_1437 = arith.constant 1008 : index
      %get3A_1438 = tpu.vector_load %arg9[%get3A_1437] {strides = array<i32>} : memref<1024xf32, #tpu.memory_space<vmem>>, vector<16xf32>,
      %get3A_1439 = vector.shape_cast %get3A_1438 : vector<16xf32> to vector<16xf32>
      %get3A_1440 = arith.constant 1008 : index
      %get3A_1441 = tpu.vector_load %arg10[%get3A_1440] {strides = array<i32>} : memref<1024xf32, #tpu.memory_space<vmem>>, vector<16xf32>,
      %get3A_1442 = vector.shape_cast %get3A_1441 : vector<16xf32> to vector<16xf32>
      %mul3A_1443 = arith.mulf %get3A_1439, %get3A_1442 : vector<16xf32>
      %add3A_1444 = arith.addf %add3A_1436, %mul3A_1443 : vector<16xf32>
      %barrier3A_1445 = arith.constant 0 : index
      tpu.barrier barrier_id(%barrier3A_1445)
      %eq3A_1446 = arith.constant 0 : i32
      %eq3A_1447 = arith.cmpi eq, %arg1, %eq3A_1446 : i32
      %lt3A_1448 = arith.constant 15 : i32
      %lt3A_1449 = arith.cmpi slt, %scan3A_18, %lt3A_1448 : i32
      %and3A_1450 = arith.andi %eq3A_1447, %lt3A_1449 : i1
      %convert_element_type3A_1451 = arith.extui %and3A_1450 : i1 to i32
      %cond3A_1452 = arith.constant 0 : i32
      %cond3A_1453 = arith.cmpi ne, %convert_element_type3A_1451, %cond3A_1452 : i32
      scf.if %cond3A_1453 {
        %add3A_1454 = arith.addi %mul3A_0, %mul3A_21 : i32
        %add3A_1455 = arith.constant 3 : i32
        %add3A_1456 = arith.addi %add3A_1454, %add3A_1455 : i32
        %dma_start3A_1457 = arith.constant 0 : i32
        %dma_start3A_1458 = tpu.memref_slice %arg13[%dma_start3A_1457] : memref<1000064xf32, #tpu.memory_space<vmem_shared>> -> memref<999936xf32, #tpu.memory_space<vmem_shared>>
        %dma_start3A_1459 = arith.constant 0 : i32
        %dma_start3A_1460 = tpu.memref_slice %arg2[%add3A_1456, %dma_start3A_1459] : memref<64x1000000xf32, #tpu.memory_space<hbm>> -> memref<1x999936xf32, #tpu.memory_space<hbm>>
        %dma_start3A_1461 = tpu.memref_squeeze %dma_start3A_1460 : memref<1x999936xf32, #tpu.memory_space<hbm>> -> memref<999936xf32, #tpu.memory_space<hbm>>
        tpu.enqueue_dma source(%dma_start3A_1461 : memref<999936xf32, #tpu.memory_space<hbm>>) target(%dma_start3A_1458 : memref<999936xf32, #tpu.memory_space<vmem_shared>>) target_semaphore(%arg15 : memref<!tpu.dma_semaphore, #tpu.memory_space<semaphore_mem>>)
        %dma_start3A_1462 = arith.constant 999936 : i32
        %dma_start3A_1463 = tpu.memref_slice %arg13[%dma_start3A_1462] : memref<1000064xf32, #tpu.memory_space<vmem_shared>> -> memref<128xf32, #tpu.memory_space<vmem_shared>>
        %dma_start3A_1464 = arith.constant 0 : i32
        %dma_start3A_1465 = tpu.memref_slice %arg3[%add3A_1456, %dma_start3A_1464] : memref<64x128xf32, #tpu.memory_space<hbm>> -> memref<1x128xf32, #tpu.memory_space<hbm>>
        %dma_start3A_1466 = tpu.memref_squeeze %dma_start3A_1465 : memref<1x128xf32, #tpu.memory_space<hbm>> -> memref<128xf32, #tpu.memory_space<hbm>>
        tpu.enqueue_dma source(%dma_start3A_1466 : memref<128xf32, #tpu.memory_space<hbm>>) target(%dma_start3A_1463 : memref<128xf32, #tpu.memory_space<vmem_shared>>) target_semaphore(%arg15 : memref<!tpu.dma_semaphore, #tpu.memory_space<semaphore_mem>>)
      } else {
      }
      scf.yield %add3A_1444 : vector<16xf32>
    }
    %scan3A_12 = arith.constant 16 : i32
    %swap3A = arith.constant 0 : index
    %swap3A_13 = tpu.vector_load %arg11[%swap3A] {strides = array<i32>} : memref<16xf32, #tpu.memory_space<vmem>>, vector<16xf32>,
    %swap3A_14 = vector.shape_cast %swap3A_13 : vector<16xf32> to vector<16xf32>
    %swap3A_15 = vector.shape_cast %scan3A_11 : vector<16xf32> to vector<16xf32>
    tpu.vector_store %arg11[%swap3A], %swap3A_15 {strides = array<i32>} : memref<16xf32, #tpu.memory_space<vmem>>, vector<16xf32>,
    %mul3A_16 = arith.constant 2 : i32
    %mul3A_17 = arith.muli %arg1, %mul3A_16 : i32
    %add3A = arith.addi %mul3A_17, %arg0 : i32
    "tpu.region"() ({
      %run_scoped3A = tpu.sem_alloc : memref<!tpu.dma_semaphore, #tpu.memory_space<semaphore_mem>>
      %dma_start3A = arith.constant 0 : i32
      %dma_start3A_18 = tpu.memref_slice %arg6[%add3A, %dma_start3A] : memref<32x16xf32, #tpu.memory_space<hbm>> -> memref<1x16xf32, #tpu.memory_space<hbm>>
      %dma_start3A_19 = tpu.memref_squeeze %dma_start3A_18 : memref<1x16xf32, #tpu.memory_space<hbm>> -> memref<16xf32, #tpu.memory_space<hbm>>
      %dma_start3A_20 = arith.constant 0 : i32
      %dma_start3A_21 = tpu.memref_slice %arg6[%add3A, %dma_start3A_20] : memref<32x16xf32, #tpu.memory_space<hbm>> -> memref<1x16xf32, #tpu.memory_space<hbm>>
      %dma_start3A_22 = tpu.memref_squeeze %dma_start3A_21 : memref<1x16xf32, #tpu.memory_space<hbm>> -> memref<16xf32, #tpu.memory_space<hbm>>
      tpu.enqueue_dma source(%arg11 : memref<16xf32, #tpu.memory_space<vmem>>) target(%dma_start3A_22 : memref<16xf32, #tpu.memory_space<hbm>>) target_semaphore(%run_scoped3A : memref<!tpu.dma_semaphore, #tpu.memory_space<semaphore_mem>>)
      %dma_wait3A = arith.constant 0 : i32
      %dma_wait3A_23 = tpu.memref_slice %arg6[%add3A, %dma_wait3A] : memref<32x16xf32, #tpu.memory_space<hbm>> -> memref<1x16xf32, #tpu.memory_space<hbm>>
      %dma_wait3A_24 = tpu.memref_squeeze %dma_wait3A_23 : memref<1x16xf32, #tpu.memory_space<hbm>> -> memref<16xf32, #tpu.memory_space<hbm>>
      %dma_wait3A_25 = arith.constant 0 : i32
      %dma_wait3A_26 = tpu.memref_slice %arg6[%add3A, %dma_wait3A_25] : memref<32x16xf32, #tpu.memory_space<hbm>> -> memref<1x16xf32, #tpu.memory_space<hbm>>
      %dma_wait3A_27 = tpu.memref_squeeze %dma_wait3A_26 : memref<1x16xf32, #tpu.memory_space<hbm>> -> memref<16xf32, #tpu.memory_space<hbm>>
      tpu.wait_dma2 semaphore(%run_scoped3A : memref<!tpu.dma_semaphore, #tpu.memory_space<semaphore_mem>>) src(%arg11 : memref<16xf32, #tpu.memory_space<vmem>>) dst(%dma_wait3A_27 : memref<16xf32, #tpu.memory_space<hbm>>)
      tpu.yield
    }) : () -> ()
    return
  }
}

module attributes {stable_mosaic.version = 14 : i64} {
  func.func @_tc_body(%arg0: memref<32x16xf32, #tpu.memory_space<vmem>>, %arg1: memref<1x1xf32, #tpu.memory_space<vmem>>) attributes {dimension_semantics = [], scalar_prefetch = 0 : i64, scratch_operands = 0 : i64, tpu.core_type = #tpu.core_type<tc>} {
    %get3A = arith.constant 0 : index
    %get3A_0 = arith.constant 0 : index
    %get3A_1 = vector.load %arg0[%get3A, %get3A_0] : memref<32x16xf32, #tpu.memory_space<vmem>>, vector<32x16xf32>
    %reduce_sum3A = vector.shape_cast %get3A_1 : vector<32x16xf32> to vector<1x32x16xf32>
    %reduce_sum3A_2 = arith.constant dense<0.000000e+00> : vector<1xf32>
    %reduce_sum3A_3 = vector.multi_reduction <add>, %reduce_sum3A, %reduce_sum3A_2 [1, 2] : vector<1x32x16xf32> to vector<1xf32>
    %reduce_sum3A_4 = vector.shape_cast %reduce_sum3A_3 : vector<1xf32> to vector<1x1x1xf32>
    %reduce_sum3A_5 = vector.extract %reduce_sum3A_4[0, 0, 0] : f32 from vector<1x1x1xf32>
    %min3A = arith.constant 0.000000e+00 : f32
    %min3A_6 = arith.minimumf %reduce_sum3A_5, %min3A : f32
    %abs3A = math.absf %reduce_sum3A_5 : f32
    %neg3A = arith.constant 0.000000e+00 : f32
    %neg3A_7 = arith.subf %neg3A, %abs3A : f32
    %exp3A = math.exp %neg3A_7 : f32
    %log1p3A = math.log1p %exp3A : f32
    %sub3A = arith.subf %min3A_6, %log1p3A : f32
    %broadcast_in_dim3A = vector.broadcast %sub3A : f32 to vector<1x1xf32>
    %swap3A = arith.constant 0 : index
    %swap3A_8 = arith.constant 0 : index
    %swap3A_9 = vector.load %arg1[%swap3A, %swap3A_8] : memref<1x1xf32, #tpu.memory_space<vmem>>, vector<1x1xf32>
    tpu.vector_store %arg1[%swap3A, %swap3A_8], %broadcast_in_dim3A {strides = array<i32>} : memref<1x1xf32, #tpu.memory_space<vmem>>, vector<1x1xf32>,
    return
  }
}

</mosaic_0001>

<sc_bundles>
// kernel: kernel.4.cloned.1.call-start
scs
__scs_entry_jumppad:
0x0: {  	(pc) =	sbr.rel $0x88, $3  }
0x1: {  	(tag) =	ssettag $0x0;
	lr =	simm.s32 $0x1  }
0x2: {  	[smem:$0x3F9E] =	sst lr;
	_ =	strace $0xD0000000  }
0x3: {  	_ = 	snop  }
0x4: {  	_ = 	snop  }
0x5: {  	_ = 	snop  }
0x6: {  	_ = 	snop  }
0x7: {  	_ = 	snop  }
__scs_overlays_trampoline_lowered:
0x8: {  	[smem:$0x3FAD] =	sst s0  }
0x9: {  	[smem:$0x3FAE] =	sst s1  }
0xa: {  	[smem:$0x3FAF] =	sst s2  }
0xb: {  	[smem:$0x3FB0] =	sst s3  }
0xc: {  	[smem:$0x3FB1] =	sst s4  }
0xd: {  	[smem:$0x3FB2] =	sst s5  }
0xe: {  	[smem:$0x3FB3] =	sst s6  }
0xf: {  	[smem:$0x3FB4] =	sst s7  }
0x10: {  	[smem:$0x3FB5] =	sst s8  }
0x11: {  	[smem:$0x3FB6] =	sst s9;
	s0 =	simm.s32 @!p0 $0x0  }
0x12: {  	s1 =	sld [smem:$0x3F9C];
	s0 =	simm.s32 @p0 $0x1  }
0x13: {  	[smem:$0x3FB7] =	sst s0;
	s0 =	simm.s32 @!p1 $0x0  }
0x14: {  	s2 =	sld [smem:$0x3F9B];
	s0 =	simm.s32 @p1 $0x1  }
0x15: {  	[smem:$0x3FB8] =	sst s0;
	s0 =	simm.s32 @!p2 $0x0  }
0x16: {  	s3 =	sld [smem:$0x3FDB];
	s0 =	simm.s32 @p2 $0x1  }
0x17: {  	s4 =	simm.s32 $0x1BF5;
	[smem:$0x3FBA] =	sst s0  }
0x18: {  	s0 =	sld [smem:$0x3F9D];
	_ =	swait.ge [sflag:s4], $0x0  }
0x19: {  	s7 =	sld [smem:$0x3F9E]  }
0x1a: {  	s8 =	sadd.s32 $0xFFFFE003, lr  }
0x1b: {  	s9 =	sadd.s32 $0xFFFFFEF7, lr;
	s5 =	simm.s32 $0xFFFFFFFF;
	p2 =	slt.u32 s8, $0xFFFFF086  }
0x1c: {  	p1 =	slt.u32 s9, $0xF7A;
	s5 =	simm.s32 @!p2 $0x0  }
0x1d: {  	s5 =	simm.s32 @p1 $0x1;
	p0 =	seq.s32 s7, s2  }
0x1e: {  	s7 =	smul.u32 @!p0 $0xF7A, s2;
	p2 =	seq.s32 @!p0 s5, $0x0  }
0x1f: {  	s9 =	smul.u32 $0xF7A, s1;
	s8 =	simm.s32 @!p0 $0x1BF5;
	p2 =	por !p2, p0  }
0x20: {  	[sflag:s8] =	ssyncset.s32 @!p0 $0xFFFFF086;
	s6 =	sadd.s32 @!p0 s3, s7;
	s7 =	simm.s32 @!p0 $0x108  }
0x21: {  	s3 =	sadd.s32 s3, s9;
	s6 =	sadd.s32 @!p0 $0x88, s6;
	s7 =	simm.s32 @p2 $0x1082  }
0x22: {  	[simem:s7], [sflag:s8] =	dma.local @!p0 [hbm:s6], $0xF7A  }
0x23: {  	s9 =	sor.u32 $0xD0000000, s2;
	s6 =	simm.s32 $0x108;
	_ =	swait.ge @!p0 [sflag:s8], $0x0  }
0x24: {  	s3 =	sadd.s32 $0x88, s3;
	s6 =	simm.s32 @!p1 $0x1082;
	[sflag:s4] =	ssyncset.s32 $0xFFFFF086  }
0x25: {  	[simem:s6], [sflag:s4] =	dma.local [hbm:s3], $0xF7A  }
0x26: {  	[smem:$0x3F9E] =	sst s1;
	(tag) =	ssettag s2;
	_ =	strace s9  }
0x27: {  	s1 =	sld [smem:$0x3FAE]  }
0x28: {  	s2 =	sld [smem:$0x3FAF]  }
0x29: {  	s4 =	sld [smem:$0x3FB1]  }
0x2a: {  	p0 =	seq.s32 s5, $0x0;
	s5 =	sld [smem:$0x3FB2]  }
0x2b: {  	s6 =	sld [smem:$0x3FB3]  }
0x2c: {  	s7 =	sld [smem:$0x3FB4]  }
0x2d: {  	s3 =	simm.s32 $0x108;
	s8 =	sld [smem:$0x3FB5]  }
0x2e: {  	s3 =	simm.s32 @!p0 $0x1082;
	s9 =	sld [smem:$0x3FB6]  }
0x2f: {  	lr =	sadd.s32 s0, s3;
	s0 =	sld [smem:$0x3FAD]  }
0x30: {  	s3 =	sld [smem:$0x3FB0]  }
0x31: {  	[smem:$0x3FB9] =	sst s10  }
0x32: {  	s10 =	sld [smem:$0x3FB7];
	_ =	sdelay $0x3  }
0x33: {  	p0 =	seq.s32 s10, $0x1;
	s10 =	sld [smem:$0x3FB9];
	_ =	sdelay $0x3  }
0x34: {  	[smem:$0x3FB9] =	sst s10  }
0x35: {  	s10 =	sld [smem:$0x3FB8];
	_ =	sdelay $0x3  }
0x36: {  	p1 =	seq.s32 s10, $0x1;
	s10 =	sld [smem:$0x3FB9];
	_ =	sdelay $0x3  }
0x37: {  	[smem:$0x3FB9] =	sst s10  }
0x38: {  	s10 =	sld [smem:$0x3FBA]  }
0x39: {  	_ = 	snop;
	(pc) =	sbr.ind lr, $3  }
0x3a: {  	_ = 	snop  }
0x3b: {  	_ = 	snop  }
0x3c: {  	p2 =	seq.s32 s10, $0x1;
	s10 =	sld [smem:$0x3FB9]  }
0x3d: {  	_ =	shalt  }
0x3e: {  	_ =	shalt  }
0x3f: {  	_ =	shalt  }
0x40: {  	_ =	shalt  }
0x41: {  	_ =	shalt  }
0x42: {  	_ =	shalt  }
0x43: {  	_ =	shalt  }
0x44: {  	_ =	shalt  }
0x45: {  	_ =	shalt  }
0x46: {  	_ =	shalt  }
0x47: {  	_ =	shalt  }
0x48: {  	_ =	shalt  }
0x49: {  	_ =	shalt  }
0x4a: {  	_ =	shalt  }
0x4b: {  	_ =	shalt  }
0x4c: {  	_ =	shalt  }
0x4d: {  	_ =	shalt  }
0x4e: {  	_ =	shalt  }
0x4f: {  	_ =	shalt  }
0x50: {  	_ =	shalt  }
0x51: {  	_ =	shalt  }
0x52: {  	_ =	shalt  }
0x53: {  	_ =	shalt  }
0x54: {  	_ =	shalt  }
0x55: {  	_ =	shalt  }
0x56: {  	_ =	shalt  }
0x57: {  	_ =	shalt  }
0x58: {  	_ =	shalt  }
0x59: {  	_ =	shalt  }
0x5a: {  	_ =	shalt  }
0x5b: {  	_ =	shalt  }
0x5c: {  	_ =	shalt  }
0x5d: {  	_ =	shalt  }
0x5e: {  	_ =	shalt  }
0x5f: {  	_ =	shalt  }
0x60: {  	_ =	shalt  }
0x61: {  	_ =	shalt  }
0x62: {  	_ =	shalt  }
0x63: {  	_ =	shalt  }
0x64: {  	_ =	shalt  }
0x65: {  	_ =	shalt  }
0x66: {  	_ =	shalt  }
0x67: {  	_ =	shalt  }
0x68: {  	_ =	shalt  }
0x69: {  	_ =	shalt  }
0x6a: {  	_ =	shalt  }
0x6b: {  	_ =	shalt  }
0x6c: {  	_ =	shalt  }
0x6d: {  	_ =	shalt  }
0x6e: {  	_ =	shalt  }
0x6f: {  	_ =	shalt  }
0x70: {  	_ =	shalt  }
0x71: {  	_ =	shalt  }
0x72: {  	_ =	shalt  }
0x73: {  	_ =	shalt  }
0x74: {  	_ =	shalt  }
0x75: {  	_ =	shalt  }
0x76: {  	_ =	shalt  }
0x77: {  	_ =	shalt  }
0x78: {  	_ =	shalt  }
0x79: {  	_ =	shalt  }
0x7a: {  	_ =	shalt  }
0x7b: {  	_ =	shalt  }
0x7c: {  	_ =	shalt  }
0x7d: {  	_ =	shalt  }
0x7e: {  	_ =	shalt  }
0x7f: {  	_ =	shalt  }
0x80: {  	_ =	shalt  }
0x81: {  	_ =	shalt  }
0x82: {  	_ =	shalt  }
0x83: {  	_ =	shalt  }
0x84: {  	_ =	shalt  }
0x85: {  	_ =	shalt  }
0x86: {  	_ =	shalt  }
0x87: {  	_ =	shalt  }
.Lfunc_end0:
.L_simem_size_0:
called_computation_lowered:
.L_overlay_start_0:
0x88: {  	s2 =	sld [smem:$0x3FD9]  }
0x89: {  	s3 =	sld [smem:$0x3FFE];
	_ =	sdelay $0x1  }
0x8a: {  	s1 =	srdreg.scid  }
0x8b: {  	s0 =	sand.u32 $0x1, s1  }
0x8c: {  	s17 =	sshll.u32 s0, $0xA;
	s2 =	sadd.s32 s3, s2  }
0x8d: {  	s2 =	sadd.s32 s2, s17  }
0x8e: {  	[smem:$0x3FC5] =	sst s2  }
0x8f: {  	_ = 	snop  }
0x90: {  	s2 =	sld [smem:$0x3FC9]  }
0x91: {  	s18 =	sld [smem:$0x3FC8]  }
0x92: {  	s4 =	sld [smem:$0x3FC7];
	(tm) =	ssettm $0x1  }
0x93: {  	s5 =	sld [smem:$0x3FFB];
	_ =	sdelay $0x3  }
0x94: {  	_ =	strace s5  }
0x95: {  	s5 =	sld [smem:$0x3FFC];
	_ =	sdelay $0x3  }
0x96: {  	_ =	strace s5  }
0x97: {  	s5 =	sld [smem:$0x3FFD];
	_ =	sdelay $0x3  }
0x98: {  	_ =	strace s5  }
0x99: {  	_ =	strace $0x8FFFFFFF  }
0x9a: {  	s19 =	sld [smem:$0x3FDB];
	_ =	sdelay $0x1  }
0x9b: {  	s6 =	simm.s32 $_scs_section_size  }
0x9c: {  	s7 =	simm.s32 $_size__tile_overlayer_lowered;
	s8 =	simm.s32 $_tile_overlayer_lowered  }
0x9d: {  	s22 =	simm.s32 $0x1BFF;
	s21 =	sshll.u32 s8, $0x1;
	s5 =	sadd.s32 s6, s19  }
0x9e: {  	s9 =	simm.s32 $0x0;
	s20 =	sshll.u32 s7, $0x1;
	s7 =	sadd.s32 s21, s5  }
0x9f: {  	[timem:s9], [sflag:s22] =	dma.local [hbm:s7], s20  }
0xa0: {  	_ =	swait.ge [sflag:s22], s20  }
0xa1: {  	s6 =	ssub.s32 $0x0, s20;
	[sflag:s22] =	ssyncset.done $0x0  }
0xa2: {  	[sflag:s22] =	ssyncadd.s32 s6;
	_ =	sdelay $0x1  }
0xa3: {  	s23 =	simm.s32 $0x1B8B  }
0xa4: {  	_ =	swait.ge [sflag:s23], $0x1  }
0xa5: {  	[sflag:s23] =	ssyncset.done $0x0  }
0xa6: {  	s25 =	simm.s32 $0x1B8E;
	s24 =	sld [smem:$0x3FFE];
	[sflag:s23] =	ssyncadd.s32 $0xFFFFFFFF  }
0xa7: {  	s26 =	simm.s32 $execute0_lowered;
	[smem:$0x3FD2] =	sst s25  }
0xa8: {  	s7 =	sshll.u32 s26, $0x1;
	_ =	strace $0x80000046;
	[dreg:$0x1] =	wrdreg $0xFFFFFFFF  }
0xa9: {  	s28 =	simm.s32 $_size_execute0_lowered;
	s5 =	sadd.s32 s5, s7;
	[dreg:$0x0] =	wrdreg $0x0  }
0xaa: {  	s7 =	sshll.u32 s28, $0x1;
	[dreg:$0x2] =	wrdreg s5  }
0xab: {  	[dreg:$0x3] =	wrdreg s7  }
0xac: {  	[dreg:$0x4] =	wrdreg $0xC0  }
0xad: {  	_ =	task [dreg:s9], $0x5FFFF  }
0xae: {  	[dreg:$0x1] =	wrdreg $0xFFFFFFFF  }
0xaf: {  	[dreg:$0x0] =	wrdreg $0x60  }
0xb0: {  	[dreg:$0x2] =	wrdreg s4  }
0xb1: {  	[dreg:$0x3] =	wrdreg s24  }
0xb2: {  	[dreg:$0x4] =	wrdreg s2  }
0xb3: {  	[dreg:$0x5] =	wrdreg s18  }
0xb4: {  	[dreg:$0x6] =	wrdreg $0x10800  }
0xb5: {  	[dreg:$0x7] =	wrdreg $0x104A80  }
0xb6: {  	[dreg:$0x8] =	wrdreg $0x9  }
0xb7: {  	_ =	task.clear_ibuf [dreg:s9], $0x9FFFF;
	_ =	strace $0x90000046  }
0xb8: {  	s29 =	simm.s32 $0x9;
	_ =	strace $0x80000048  }
0xb9: {  	_ =	swait.ge [sflag:s29], $0x1  }
0xba: {  	[sflag:s29] =	ssyncadd.s32 $0xFFFFFFFF  }
0xbb: {  	_ =	strace $0x90000048  }
0xbc: {  	_ =	sfence  }
0xbd: {  	s30 =	sld [smem:$0x0];
	_ =	sdelay $0x2  }
0xbe: {  	s31 =	sshll.u32 s1, $0xD;
	s1 =	sshrl.u32 s1, $0x2  }
0xbf: {  	s3 =	sand.u32 $0x4000, s31;
	s1 =	sadd.s32 s1, s30  }
0xc0: {  	s0 =	sor.u32 s3, s0;
	s1 =	sshll.u32 s1, $0x11  }
0xc1: {  	s0 =	sor.u32 s1, s0  }
0xc2: {  	s0 =	sadd.s32 $0x8F2B, s0  }
0xc3: {  	[sflag:s0] =	ssyncadd.remote.s32 $0x1  }
0xc4: {  	_ =	sfence.sel $0xFFFF  }
0xc5: {  	[dreg:$0x0] =	wrdreg $0xFFFFFFFF;
	(pc) =	sbr.abs _section_cstart, $3  }
0xc6: {  	[dreg:$0x1] =	wrdreg $0xFFFFFFFF  }
0xc7: {  	_ =	task.clear_ibuf [dreg:s9], $0x2FFFF;
	_ =	strace $0x9FFFFFFF  }
0xc8: {  	(tm) =	ssettm $0x7FFFFFFF  }
0xc9: {  	_ =	shalt  }
tec
execute0_lowered:
.L_overlay_start_1:
0x0: {  	(tag) =	ssettag $0x1  }
0x1: {  	s12 =	rddreg [dreg:$0x0]  }
0x2: {  	s0 =	rddreg [dreg:$0x1]  }
0x3: {  	s1 =	rddreg [dreg:$0x2]  }
0x4: {  	s4 =	rddreg [dreg:$0x3]  }
0x5: {  	s2 =	rddreg [dreg:$0x4]  }
0x6: {  	s3 =	rddreg [dreg:$0x5];
	s6 =	simm.s32 $0x0;
	s5 =	srdreg.scid  }
0x7: {  	s20 =	stileid.u32;
	[smem:$0x7FF] =	sst s6;
	s18 =	sand.u32 $0x1, s5  }
0x8: {  	s19 =	sadd.s32 $0x600, s0;
	s10 =	sshll.u32 s20, $0x7;
	s26 =	sshll.u32 s20, $0x5  }
0x9: {  	_ =	strace $0x80000047;
	s1 =	sadd.s32 s1, s10;
	[dreg:$0x16] =	wrdreg s19  }
0xa: {  	s7 =	sshll.u32 s18, $0x4;
	s22 =	sadd.s32 s4, s10;
	[dreg:$0x7] =	wrdreg s1  }
0xb: {  	s11 =	smul.u32 $0x3D0A00, s18;
	s30 =	sshll.u32 s18, $0xC;
	[dreg:$0x8] =	wrdreg s22  }
0xc: {  	s24 =	sshll.u32 s18, $0x9;
	s10 =	sadd.s32 $0xF4200, s2;
	[dreg:$0x17] =	wrdreg s30  }
0xd: {  	s21 =	sshll.u32 s18, $0x5;
	s25 =	sadd.s32 s19, s24;
	[dreg:$0xa] =	wrdreg s10  }
0xe: {  	s8 =	ssub.s32 $0x2, s18;
	s31 =	sor.u32 $0x3, s21;
	[dreg:$0xb] =	wrdreg s25  }
0xf: {  	s0 =	sadd.s32 s7, s0;
	s23 =	sadd.s32 s12, s11;
	[dreg:$0x11] =	wrdreg s31  }
0x10: {  	s9 =	sshrl.u32 s8, $0x1;
	s28 =	sadd.s32 $0x10, s25;
	[dreg:$0x9] =	wrdreg s23  }
0x11: {  	s0 =	sadd.s32 s26, s0;
	s4 =	sadd.s32 $0x10, s23;
	[dreg:$0xe] =	wrdreg s28  }
0x12: {  	s8 =	ssub.s32 s8, s9;
	s0 =	sadd.s32 $0xA00, s0;
	[dreg:$0xc] =	wrdreg s4  }
0x13: {  	p0 =	sne.s32 s20, $0x0;
	s29 =	smax.u32 s8, $0x1;
	[dreg:$0xf] =	wrdreg s0  }
0x14: {  	s15 =	simm.s32 $0x880;
	[dreg:$0x10] =	wrdreg s29;
	s0 =	sshrl.u32 @!p0 s2, $0x3  }
.Ltmp0:
0x15: {  	s4 =	sadd.s32 $0xF4200, s3;
	[dreg:$0x12] =	wrdreg s0;
	(pc) =	sbr.rel .LBB2_1-.Ltmp0, $4  }
0x16: {  	s6 =	simm.s32 $0x5;
	s0 =	sshrl.u32 @!p0 s10, $0x3;
	[dreg:$0xd] =	wrdreg s4  }
0x17: {  	p1 =	seq.s32 s20, $0x0;
	[dreg:$0x13] =	wrdreg s0;
	s0 =	sshrl.u32 @!p0 s3, $0x3  }
0x18: {  	s21 =	simm.s32 $0xF00;
	[dreg:$0x14] =	wrdreg s0;
	s0 =	sshrl.u32 @!p0 s4, $0x3  }
0x19: {  	s23 =	simm.s32 $0xC00;
	[dreg:$0x15] =	wrdreg s0;
	s0 =	simm.s32 $0x0  }
.LBB2_7:
0x1a: {  	s1 =	rddreg [dreg:$0xf]  }
0x1b: {  	[tilespmem:$0x1000] =	vst v0;
	s0 =	simm.s32 $0x1000;
	s2 =	simm.s32 $0x0;
	s6 =	simm.s32 $0x5  }
0x1c: {  	[hbm4b:s1+s2] =	stream.linear.scatter [tilespmem:s0], [sflag:$0x5], $0x80, $0x38;
	[tilespmem:$0x1F8D0] =	vst v63  }
0x1d: {  	_ =	swait.ge [sflag:s6], $0x80  }
0x1e: {  	s30 =	rddreg [dreg:$0x18]  }
0x1f: {  	s31 =	rddreg [dreg:$0x10];
	s0 =	sadd.s32 $0x1, s30  }
0x20: {  	p2 =	sne.s32 s0, s31  }
.Ltmp1:
0x21: {  	_ = 	snop;
	(pc) =	sbr.rel @!p2 .LBB2_8-.Ltmp1, $3  }
0x22: {  	_ =	sdelay $0x1  }
0x23: {  	[sflag:s6] =	ssyncset.done $0x0  }
0x24: {  	[sflag:s6] =	ssyncadd.s32 $0xFFFFFF80  }
.LBB2_1:
0x25: {  	[dreg:$0x18] =	wrdreg s0  }
0x26: {  	s1 =	rddreg [dreg:$0x7];
	s2 =	simm.s32 $0x0;
	s25 =	simm.s32 $0x400  }
0x27: {  	s0 =	simm.s32 @!p0 $0x1;
	s7 =	simm.s32 @!p0 $0x80;
	s11 =	simm.s32 @!p0 $0x1C01  }
0x28: {  	s17 =	simm.s32 $0x480;
	s8 =	simm.s32 $0xC80;
	s10 =	simm.s32 $0x100  }
0x29: {  	[tilespmem:s2], [sflag:$0x5] =	stream.linear.gather [hbm4b:s1+s2], $0x400, $0x38;
	[tilespmem:$0x1F8D0] =	vst v63  }
0x2a: {  	s18 =	simm.s32 $0x900;
	s9 =	simm.s32 $0x500;
	_ =	swait.ge [sflag:s6], $0x400  }
0x2b: {  	s12 =	simm.s32 $0x180;
	s4 =	simm.s32 $0x980;
	[sflag:s6] =	ssyncset.done $0x0  }
0x2c: {  	s28 =	simm.s32 $0x200;
	s24 =	rddreg [dreg:$0x8];
	[sflag:s6] =	ssyncadd.s32 $0xFFFFFC00  }
0x2d: {  	[tilespmem:s25], [sflag:$0x5] =	stream.linear.gather [hbm4b:s24+s2], $0x400, $0x38;
	[tilespmem:$0x1F8D0] =	vst v63  }
0x2e: {  	s29 =	simm.s32 $0xA00;
	s5 =	simm.s32 $0x600;
	_ =	swait.ge [sflag:s6], $0x400  }
0x2f: {  	s16 =	simm.s32 $0xE00;
	[sflag:s6] =	ssyncset.done $0x0;
	s13 =	rddreg [dreg:$0x9]  }
0x30: {  	s14 =	rddreg [dreg:$0x12];
	[sflag:s6] =	ssyncadd.s32 $0xFFFFFC00;
	s6 =	simm.s32 @!p0 $0x10  }
0x31: {  	[spmem:s14@s6], [sflag:s11] =	dma.strided @!p0 [hbm:s13@s7], $0x1E840, s0, $0x10   }
0x32: {  	s19 =	simm.s32 $0x280;
	s22 =	simm.s32 $0x680;
	s13 =	rddreg [dreg:$0xb]  }
0x33: {  	s3 =	simm.s32 $0xE80;
	s30 =	simm.s32 $0x700;
	s14 =	rddreg [dreg:$0x13]  }
0x34: {  	[spmem:s14], [sflag:s11] =	dma.local @!p0 [hbm:s13], $0x10  }
0x35: {  	s31 =	simm.s32 $0x3;
	s20 =	simm.s32 $0x4;
	s13 =	rddreg [dreg:$0xc]  }
0x36: {  	s1 =	simm.s32 $0xA80;
	s11 =	simm.s32 @!p0 $0x1C02;
	s14 =	rddreg [dreg:$0x14]  }
0x37: {  	[spmem:s14@s6], [sflag:s11] =	dma.strided @!p0 [hbm:s13@s7], $0x1E840, s0, $0x10   }
.Ltmp2:
0x38: {  	s25 =	simm.s32 $0x580;
	s6 =	rddreg [dreg:$0xe];
	(pc) =	sbr.rel .LBB2_2-.Ltmp2, $4  }
0x39: {  	s24 =	simm.s32 $0xB00;
	s14 =	simm.s32 $0x0;
	s7 =	rddreg [dreg:$0x15]  }
0x3a: {  	[spmem:s7], [sflag:s11] =	dma.local @!p0 [hbm:s6], $0x10  }
0x3b: {  	s0 =	simm.s32 $0xD00;
	s7 =	simm.s32 $0x300;
	s26 =	rddreg [dreg:$0x11]  }
0x3c: {  	v0 =	vimm.f32 $0.0e+00;
	s6 =	simm.s32 $0x80;
	[dreg:$0x19] =	wrdreg s26;
	s26 =	simm.s32 $0xD80  }
.LBB2_3:
0x3d: {  	s5 =	rddreg [dreg:$0x19]  }
0x3e: {  	s21 =	rddreg [dreg:$0x17];
	s11 =	sadd.s32 $0xFFFFFFFF, s5  }
0x3f: {  	s13 =	sadd.s32 s6, s21;
	s11 =	sshrl.u32 s11, $0x3  }
0x40: {  	s13 =	sadd.s32 $0x100, s13;
	s14 =	smul.u32 $0x7A1400, s11  }
0x41: {  	s22 =	simm.s32 $0x80;
	s13 =	sand.u32 $0x300, s13  }
0x42: {  	s15 =	rddreg [dreg:$0x0];
	s2 =	sshrl.u32 s2, $0x3;
	s14 =	sor.u32 s13, s14  }
0x43: {  	s20 =	simm.s32 $0x1C01;
	s6 =	simm.s32 $0x1;
	s14 =	sshrl.u32 s14, $0x3  }
0x44: {  	s21 =	simm.s32 $0x10;
	s11 =	sshll.u32 s11, $0xA;
	s14 =	sadd.s32 s15, s14  }
0x45: {  	[spmem:s2@s21], [sflag:s20] =	dma.strided [hbm:s14@s22], $0x1E840, s6, $0x10   }
0x46: {  	s11 =	sor.u32 s13, s11;
	s5 =	rddreg [dreg:$0x16]  }
0x47: {  	s11 =	sshrl.u32 s11, $0x3;
	s15 =	simm.s32 $0x880;
	s22 =	rddreg [dreg:$0xa]  }
0x48: {  	s14 =	simm.s32 $0x80;
	s11 =	sadd.s32 s5, s11;
	s13 =	sshrl.u32 s22, $0x3  }
0x49: {  	[spmem:s13], [sflag:s20] =	dma.local [hbm:s11], $0x10  }
0x4a: {  	s5 =	simm.s32 $0xE00;
	s13 =	simm.s32 $0xE80;
	s11 =	simm.s32 $0x480  }
.LBB2_5:
0x4b: {  	s2 =	simm.s32 $0x2  }
0x4c: {  	_ =	swait.ge [sflag:s2], $0x1E840  }
0x4d: {  	[sflag:s2] =	ssyncset.done $0x0  }
0x4e: {  	[sflag:s2] =	ssyncadd.s32 $0xFFFE17C0  }
0x4f: {  	_ =	swait.ge [sflag:s2], $0x10  }
0x50: {  	[sflag:s2] =	ssyncset.done $0x0  }
0x51: {  	[sflag:s2] =	ssyncadd.s32 $0xFFFFFFF0  }
.LBB2_6:
0x52: {  	v27 =	vmul.f32 v47, v27;
	_ =	sdelay $0x1  }
0x53: {  	v48 =	vmul.f32 v48, v28;
	v0 =	vadd.f32 v27, v0;
	_ =	sdelay $0x1  }
0x54: {  	v49 =	vmul.f32 v49, v29;
	v0 =	vadd.f32 v48, v0;
	_ =	sdelay $0x1  }
0x55: {  	v30 =	vmul.f32 v50, v30;
	v0 =	vadd.f32 v49, v0;
	_ =	sdelay $0x1  }
0x56: {  	v31 =	vmul.f32 v51, v31;
	v0 =	vadd.f32 v30, v0;
	_ =	sdelay $0x1  }
0x57: {  	v32 =	vmul.f32 v52, v32;
	v0 =	vadd.f32 v31, v0;
	_ =	sdelay $0x1  }
0x58: {  	v33 =	vmul.f32 v53, v33;
	v0 =	vadd.f32 v32, v0;
	_ =	sdelay $0x1  }
0x59: {  	v34 =	vmul.f32 v54, v34;
	v0 =	vadd.f32 v33, v0;
	_ =	sdelay $0x1  }
0x5a: {  	v35 =	vmul.f32 v55, v35;
	v0 =	vadd.f32 v34, v0;
	_ =	sdelay $0x1  }
0x5b: {  	v36 =	vmul.f32 v56, v36;
	v0 =	vadd.f32 v35, v0;
	_ =	sdelay $0x1  }
0x5c: {  	v47 =	vmul.f32 v57, v37;
	v0 =	vadd.f32 v36, v0;
	_ =	sdelay $0x1  }
0x5d: {  	v48 =	vmul.f32 v58, v38;
	v0 =	vadd.f32 v47, v0;
	_ =	sdelay $0x1  }
0x5e: {  	v49 =	vmul.f32 v59, v39;
	v0 =	vadd.f32 v48, v0;
	_ =	sdelay $0x1  }
0x5f: {  	v50 =	vmul.f32 v60, v40;
	v0 =	vadd.f32 v49, v0;
	_ =	sdelay $0x1  }
0x60: {  	v51 =	vmul.f32 v61, v41;
	v0 =	vadd.f32 v50, v0;
	_ =	sdelay $0x1  }
0x61: {  	v52 =	vmul.f32 v62, v42;
	v0 =	vadd.f32 v51, v0;
	_ =	sdelay $0x1  }
0x62: {  	v53 =	vmul.f32 v63, v43;
	v0 =	vadd.f32 v52, v0;
	_ =	sdelay $0x1  }
0x63: {  	v1 =	vmul.f32 v1, v44;
	v0 =	vadd.f32 v53, v0;
	_ =	sdelay $0x1  }
0x64: {  	v0 =	vadd.f32 v1, v0;
	v1 =	vmul.f32 v2, v45;
	_ =	sdelay $0x1  }
0x65: {  	v0 =	vadd.f32 v1, v0;
	v1 =	vmul.f32 v46, v25;
	_ =	sdelay $0x1  }
0x66: {  	v0 =	vadd.f32 v1, v0;
	v1 =	vmul.f32 v26, v23;
	_ =	sdelay $0x1  }
0x67: {  	v0 =	vadd.f32 v1, v0;
	v1 =	vmul.f32 v24, v21;
	_ =	sdelay $0x1  }
0x68: {  	v0 =	vadd.f32 v1, v0;
	v1 =	vmul.f32 v22, v19;
	_ =	sdelay $0x1  }
0x69: {  	v0 =	vadd.f32 v1, v0;
	v1 =	vmul.f32 v20, v17;
	_ =	sdelay $0x1  }
0x6a: {  	v0 =	vadd.f32 v1, v0;
	v1 =	vmul.f32 v18, v15;
	_ =	sdelay $0x1  }
0x6b: {  	v0 =	vadd.f32 v1, v0;
	v1 =	vmul.f32 v16, v13;
	_ =	sdelay $0x1  }
0x6c: {  	v0 =	vadd.f32 v1, v0;
	v1 =	vmul.f32 v14, v11;
	_ =	sdelay $0x1  }
0x6d: {  	v0 =	vadd.f32 v1, v0;
	v1 =	vmul.f32 v12, v9;
	_ =	sdelay $0x1  }
0x6e: {  	v0 =	vadd.f32 v1, v0;
	v1 =	vmul.f32 v10, v7;
	_ =	sdelay $0x1  }
0x6f: {  	v0 =	vadd.f32 v1, v0;
	v1 =	vmul.f32 v8, v5  }
0x70: {  	[bflag:$0x0] =	sbarrier.arrive $0xFFFF  }
0x71: {  	v0 =	vadd.f32 v1, v0;
	v1 =	vld [tilespmem:$0x1FBE0]  }
0x72: {  	s2 =	simm.s32 $0x800;
	s6 =	simm.s32 $0x0;
	s20 =	rddreg [dreg:$0x5]  }
0x73: {  	[tilespmem:s2], [sflag:$0x3] =	stream.indirect.gather [spmem:s20], $0x1, s6, s14, $0xb8;
	[tilespmem:$0x1F8D0] =	vst v63  }
0x74: {  	s21 =	simm.s32 $0x400  }
0x75: {  	[tilespmem:s23], [sflag:$0x4] =	stream.indirect.gather [spmem:s20], $0x1, s21, s14, $0xb8;
	[tilespmem:$0x1F8D0] =	vst v63  }
0x76: {  	v1 =	vmul.f32 v6, v1  }
0x77: {  	[tilespmem:s15], [sflag:$0x3] =	stream.indirect.gather [spmem:s20], $0x1, s14, s14, $0xb8;
	[tilespmem:$0x1F8D0] =	vst v63  }
0x78: {  	v0 =	vadd.f32 v1, v0;
	v1 =	vld [tilespmem:$0x1FBF0]  }
0x79: {  	[tilespmem:s17], [sflag:$0x4] =	stream.indirect.gather [spmem:s20], $0x1, s11, s14, $0xb8;
	[tilespmem:$0x1F8D0] =	vst v63  }
0x7a: {  	_ = 	snop  }
0x7b: {  	[tilespmem:s10], [sflag:$0x3] =	stream.indirect.gather [spmem:s20], $0x1, s8, s14, $0xb8;
	[tilespmem:$0x1F8D0] =	vst v63  }
0x7c: {  	_ = 	snop  }
0x7d: {  	[tilespmem:s9], [sflag:$0x4] =	stream.indirect.gather [spmem:s20], $0x1, s18, s14, $0xb8;
	v1 =	vmul.f32 v4, v1;
	[tilespmem:$0x1F8D0] =	vst v63  }
0x7e: {  	v2 =	vld [tilespmem:$0x1FC10]  }
0x7f: {  	[tilespmem:s12], [sflag:$0x3] =	stream.indirect.gather [spmem:s20], $0x1, s0, s14, $0xb8;
	v0 =	vadd.f32 v1, v0;
	v1 =	vld [tilespmem:$0x1FC00]  }
0x80: {  	_ = 	snop  }
0x81: {  	[tilespmem:s25], [sflag:$0x4] =	stream.indirect.gather [spmem:s20], $0x1, s4, s14, $0xb8;
	[tilespmem:$0x1F8D0] =	vst v63  }
0x82: {  	_ = 	snop  }
0x83: {  	[tilespmem:s28], [sflag:$0x3] =	stream.indirect.gather [spmem:s20], $0x1, s26, s14, $0xb8;
	[tilespmem:$0x1F8D0] =	vst v63  }
0x84: {  	v1 =	vmul.f32 v2, v1  }
0x85: {  	[tilespmem:s5], [sflag:$0x4] =	stream.indirect.gather [spmem:s20], $0x1, s29, s14, $0xb8;
	v2 =	vld [tilespmem:$0x1FC30]  }
0x86: {  	v0 =	vadd.f32 v1, v0;
	v1 =	vld [tilespmem:$0x1FC20]  }
0x87: {  	[tilespmem:s19], [sflag:$0x3] =	stream.indirect.gather [spmem:s20], $0x1, s16, s14, $0xb8;
	[tilespmem:$0x1F8D0] =	vst v63  }
0x88: {  	_ = 	snop  }
0x89: {  	[tilespmem:s13], [sflag:$0x4] =	stream.indirect.gather [spmem:s20], $0x1, s1, s14, $0xb8;
	[tilespmem:$0x1F8D0] =	vst v63  }
0x8a: {  	_ = 	snop  }
0x8b: {  	[tilespmem:s7], [sflag:$0x3] =	stream.indirect.gather [spmem:s20], $0x1, s3, s14, $0xb8;
	v1 =	vmul.f32 v2, v1;
	[tilespmem:$0x1F8D0] =	vst v63  }
0x8c: {  	s22 =	simm.s32 $0xF00;
	v2 =	vld [tilespmem:$0x1FC50]  }
0x8d: {  	[tilespmem:s22], [sflag:$0x4] =	stream.indirect.gather [spmem:s20], $0x1, s24, s14, $0xb8;
	v0 =	vadd.f32 v1, v0;
	v1 =	vld [tilespmem:$0x1FC40]  }
0x8e: {  	s23 =	simm.s32 $0x380;
	s24 =	simm.s32 $0xB80  }
0x8f: {  	[tilespmem:s24], [sflag:$0x3] =	stream.indirect.gather [spmem:s20], $0x1, s23, s14, $0xb8;
	[tilespmem:$0x1F8D0] =	vst v63  }
0x90: {  	s25 =	simm.s32 $0x780;
	s26 =	simm.s32 $0xF80  }
0x91: {  	[tilespmem:s26], [sflag:$0x4] =	stream.indirect.gather [spmem:s20], $0x1, s25, s14, $0xb8;
	[tilespmem:$0x1F8D0] =	vst v63  }
0x92: {  	_ =	swait.ge [sflag:s30], $0x80;
	v1 =	vmul.f32 v2, v1  }
0x93: {  	v2 =	vld [tilespmem:$0x1FC70]  }
0x94: {  	v0 =	vadd.f32 v1, v0;
	v1 =	vld [tilespmem:$0x1FC60];
	_ =	sdelay $0x4  }
0x95: {  	v1 =	vmul.f32 v2, v1  }
0x96: {  	v2 =	vld [tilespmem:$0x1FC90]  }
0x97: {  	v0 =	vadd.f32 v1, v0;
	v1 =	vld [tilespmem:$0x1FC80];
	_ =	sdelay $0x2  }
0x98: {  	[sflag:s30] =	ssyncset.done $0x0  }
0x99: {  	[sflag:s30] =	ssyncadd.s32 $0xFFFFFF80  }
0x9a: {  	_ =	swait.ge [sflag:s31], $0x80;
	v1 =	vmul.f32 v2, v1  }
0x9b: {  	v2 =	vld [tilespmem:$0x1FCB0]  }
0x9c: {  	v0 =	vadd.f32 v1, v0;
	v1 =	vld [tilespmem:$0x1FCA0];
	_ =	sdelay $0x2  }
0x9d: {  	[sflag:s31] =	ssyncset.done $0x0  }
0x9e: {  	[sflag:s31] =	ssyncadd.s32 $0xFFFFFF80  }
0x9f: {  	_ =	swait.ge [sflag:s30], $0x80;
	v1 =	vmul.f32 v2, v1  }
0xa0: {  	v2 =	vld [tilespmem:$0x1FCD0]  }
0xa1: {  	v0 =	vadd.f32 v1, v0;
	v1 =	vld [tilespmem:$0x1FCC0];
	_ =	sdelay $0x4  }
0xa2: {  	v1 =	vmul.f32 v2, v1  }
0xa3: {  	v2 =	vld [tilespmem:$0x1FCF0]  }
0xa4: {  	v0 =	vadd.f32 v1, v0;
	v1 =	vld [tilespmem:$0x1FCE0];
	_ =	sdelay $0x2  }
0xa5: {  	[sflag:s30] =	ssyncset.done $0x0  }
0xa6: {  	[sflag:s30] =	ssyncadd.s32 $0xFFFFFF80  }
0xa7: {  	_ =	swait.ge [sflag:s31], $0x80;
	v1 =	vmul.f32 v2, v1  }
0xa8: {  	v2 =	vld [tilespmem:$0x1FD10]  }
0xa9: {  	v0 =	vadd.f32 v1, v0;
	v1 =	vld [tilespmem:$0x1FD00];
	_ =	sdelay $0x2  }
0xaa: {  	[sflag:s31] =	ssyncset.done $0x0  }
0xab: {  	[sflag:s31] =	ssyncadd.s32 $0xFFFFFF80  }
0xac: {  	_ =	swait.ge [sflag:s30], $0x80;
	v1 =	vmul.f32 v2, v1  }
0xad: {  	v2 =	vld [tilespmem:$0x1FD30]  }
0xae: {  	v0 =	vadd.f32 v1, v0;
	v1 =	vld [tilespmem:$0x1FD20];
	_ =	sdelay $0x4  }
0xaf: {  	v1 =	vmul.f32 v2, v1  }
0xb0: {  	v2 =	vld [tilespmem:$0x1FD50]  }
0xb1: {  	v0 =	vadd.f32 v1, v0;
	v1 =	vld [tilespmem:$0x1FD40];
	_ =	sdelay $0x2  }
0xb2: {  	[sflag:s30] =	ssyncset.done $0x0  }
0xb3: {  	[sflag:s30] =	ssyncadd.s32 $0xFFFFFF80  }
0xb4: {  	_ =	swait.ge [sflag:s31], $0x80;
	v1 =	vmul.f32 v2, v1  }
0xb5: {  	v2 =	vld [tilespmem:$0x1FD70]  }
0xb6: {  	v0 =	vadd.f32 v1, v0;
	v1 =	vld [tilespmem:$0x1FD60];
	_ =	sdelay $0x2  }
0xb7: {  	[sflag:s31] =	ssyncset.done $0x0  }
0xb8: {  	[sflag:s31] =	ssyncadd.s32 $0xFFFFFF80  }
0xb9: {  	_ =	swait.ge [sflag:s30], $0x80;
	v1 =	vmul.f32 v2, v1  }
0xba: {  	v2 =	vld [tilespmem:$0x1FD90]  }
0xbb: {  	v0 =	vadd.f32 v1, v0;
	v1 =	vld [tilespmem:$0x1FD80];
	_ =	sdelay $0x4  }
0xbc: {  	v1 =	vmul.f32 v2, v1  }
0xbd: {  	v2 =	vld [tilespmem:$0x1FDB0]  }
0xbe: {  	v0 =	vadd.f32 v1, v0;
	v1 =	vld [tilespmem:$0x1FDA0];
	_ =	sdelay $0x2  }
0xbf: {  	[sflag:s30] =	ssyncset.done $0x0  }
0xc0: {  	[sflag:s30] =	ssyncadd.s32 $0xFFFFFF80  }
0xc1: {  	_ =	swait.ge [sflag:s31], $0x80;
	v1 =	vmul.f32 v2, v1  }
0xc2: {  	v2 =	vld [tilespmem:$0x1FDD0]  }
0xc3: {  	v0 =	vadd.f32 v1, v0;
	v1 =	vld [tilespmem:$0x1FDC0];
	_ =	sdelay $0x2  }
0xc4: {  	[sflag:s31] =	ssyncset.done $0x0  }
0xc5: {  	[sflag:s31] =	ssyncadd.s32 $0xFFFFFF80  }
0xc6: {  	_ =	swait.ge [sflag:s30], $0x80;
	v1 =	vmul.f32 v2, v1  }
0xc7: {  	v2 =	vld [tilespmem:$0x1FDF0]  }
0xc8: {  	v0 =	vadd.f32 v1, v0;
	v1 =	vld [tilespmem:$0x1FDE0];
	_ =	sdelay $0x4  }
0xc9: {  	v1 =	vmul.f32 v2, v1  }
0xca: {  	v2 =	vld [tilespmem:$0x1FE10]  }
0xcb: {  	v0 =	vadd.f32 v1, v0;
	v1 =	vld [tilespmem:$0x1FE00];
	_ =	sdelay $0x2  }
0xcc: {  	[sflag:s30] =	ssyncset.done $0x0  }
0xcd: {  	[sflag:s30] =	ssyncadd.s32 $0xFFFFFF80  }
0xce: {  	_ =	swait.ge [sflag:s31], $0x80;
	v1 =	vmul.f32 v2, v1  }
0xcf: {  	v2 =	vld [tilespmem:$0x1FE30]  }
0xd0: {  	v0 =	vadd.f32 v1, v0;
	v1 =	vld [tilespmem:$0x1FE20];
	_ =	sdelay $0x2  }
0xd1: {  	[sflag:s31] =	ssyncset.done $0x0  }
0xd2: {  	[sflag:s31] =	ssyncadd.s32 $0xFFFFFF80  }
0xd3: {  	_ =	swait.ge [sflag:s30], $0x80;
	v1 =	vmul.f32 v2, v1  }
0xd4: {  	v2 =	vld [tilespmem:$0x1FE50]  }
0xd5: {  	v0 =	vadd.f32 v1, v0;
	v1 =	vld [tilespmem:$0x1FE40];
	_ =	sdelay $0x4  }
0xd6: {  	v1 =	vmul.f32 v2, v1  }
0xd7: {  	v2 =	vld [tilespmem:$0x1FE70]  }
0xd8: {  	v0 =	vadd.f32 v1, v0;
	v1 =	vld [tilespmem:$0x1FE60];
	_ =	sdelay $0x2  }
0xd9: {  	[sflag:s30] =	ssyncset.done $0x0  }
0xda: {  	[sflag:s30] =	ssyncadd.s32 $0xFFFFFF80  }
0xdb: {  	_ =	swait.ge [sflag:s31], $0x80;
	v1 =	vmul.f32 v2, v1  }
0xdc: {  	v2 =	vld [tilespmem:$0x1FE90]  }
0xdd: {  	v0 =	vadd.f32 v1, v0;
	v1 =	vld [tilespmem:$0x1FE80];
	_ =	sdelay $0x2  }
0xde: {  	[sflag:s31] =	ssyncset.done $0x0  }
0xdf: {  	[sflag:s31] =	ssyncadd.s32 $0xFFFFFF80  }
0xe0: {  	_ =	swait.ge [sflag:s30], $0x80;
	v1 =	vmul.f32 v2, v1  }
0xe1: {  	v2 =	vld [tilespmem:$0x1FEB0]  }
0xe2: {  	v0 =	vadd.f32 v1, v0;
	v1 =	vld [tilespmem:$0x1FEA0];
	_ =	sdelay $0x4  }
0xe3: {  	v1 =	vmul.f32 v2, v1  }
0xe4: {  	v2 =	vld [tilespmem:$0x1FED0]  }
0xe5: {  	v0 =	vadd.f32 v1, v0;
	v1 =	vld [tilespmem:$0x1FEC0];
	_ =	sdelay $0x2  }
0xe6: {  	[sflag:s30] =	ssyncset.done $0x0  }
0xe7: {  	[sflag:s30] =	ssyncadd.s32 $0xFFFFFF80  }
0xe8: {  	_ =	swait.ge [sflag:s31], $0x80;
	v1 =	vmul.f32 v2, v1  }
0xe9: {  	v2 =	vld [tilespmem:$0x1FEF0]  }
0xea: {  	v0 =	vadd.f32 v1, v0;
	v1 =	vld [tilespmem:$0x1FEE0];
	_ =	sdelay $0x2  }
0xeb: {  	[sflag:s31] =	ssyncset.done $0x0  }
0xec: {  	[sflag:s31] =	ssyncadd.s32 $0xFFFFFF80  }
0xed: {  	_ =	swait.ge [sflag:s30], $0x80;
	v1 =	vmul.f32 v2, v1  }
0xee: {  	v2 =	vld [tilespmem:$0x1FF10]  }
0xef: {  	v0 =	vadd.f32 v1, v0;
	v1 =	vld [tilespmem:$0x1FF00];
	_ =	sdelay $0x4  }
0xf0: {  	v1 =	vmul.f32 v2, v1  }
0xf1: {  	v2 =	vld [tilespmem:$0x1FF30]  }
0xf2: {  	v0 =	vadd.f32 v1, v0;
	v1 =	vld [tilespmem:$0x1FF20];
	_ =	sdelay $0x2  }
0xf3: {  	[sflag:s30] =	ssyncset.done $0x0  }
0xf4: {  	[sflag:s30] =	ssyncadd.s32 $0xFFFFFF80  }
0xf5: {  	_ =	swait.ge [sflag:s31], $0x80;
	v1 =	vmul.f32 v2, v1  }
0xf6: {  	v2 =	vld [tilespmem:$0x1FF50]  }
0xf7: {  	v0 =	vadd.f32 v1, v0;
	v1 =	vld [tilespmem:$0x1FF40];
	_ =	sdelay $0x4  }
0xf8: {  	v1 =	vmul.f32 v2, v1  }
0xf9: {  	v3 =	vld [tilespmem:$0x1FF70]  }
0xfa: {  	v0 =	vadd.f32 v1, v0;
	v1 =	vld [tilespmem:$0x1FF60];
	_ =	sdelay $0x4  }
0xfb: {  	v1 =	vmul.f32 v3, v1  }
0xfc: {  	v55 =	vld [tilespmem:$0x1FF90]  }
0xfd: {  	v0 =	vadd.f32 v1, v0;
	v1 =	vld [tilespmem:$0x1FF80];
	_ =	sdelay $0x4  }
0xfe: {  	v1 =	vmul.f32 v55, v1  }
0xff: {  	v58 =	vld [tilespmem:$0x1FFB0]  }
0x100: {  	v0 =	vadd.f32 v1, v0;
	v1 =	vld [tilespmem:$0x1FFA0];
	_ =	sdelay $0x3  }
0x101: {  	[sflag:s31] =	ssyncset.done $0x0;
	v61 =	vld [tilespmem:$0x1FFD0]  }
0x102: {  	v16 =	vld [tilespmem:$0x1FFF0];
	[sflag:s31] =	ssyncadd.s32 $0xFFFFFF80;
	v1 =	vmul.f32 v58, v1  }
0x103: {  	v54 =	vld [tilespmem:$0x810]  }
0x104: {  	v0 =	vadd.f32 v1, v0;
	v1 =	vld [tilespmem:$0x1FFC0]  }
0x105: {  	v56 =	vld [tilespmem:$0xC10]  }
0x106: {  	v57 =	vld [tilespmem:$0x820]  }
0x107: {  	v59 =	vld [tilespmem:$0xC20]  }
0x108: {  	v60 =	vld [tilespmem:$0x830]  }
0x109: {  	v62 =	vld [tilespmem:$0xC30];
	v1 =	vmul.f32 v61, v1  }
0x10a: {  	v63 =	vld [tilespmem:$0x840]  }
0x10b: {  	v0 =	vadd.f32 v1, v0;
	v1 =	vld [tilespmem:$0x1FFE0]  }
0x10c: {  	v2 =	vld [tilespmem:$0x800]  }
0x10d: {  	v3 =	vld [tilespmem:$0xC00]  }
0x10e: {  	v17 =	vld [tilespmem:$0xC40]  }
0x10f: {  	v18 =	vld [tilespmem:$0x850]  }
0x110: {  	v19 =	vld [tilespmem:$0xC60];
	v1 =	vmul.f32 v16, v1  }
0x111: {  	v20 =	vld [tilespmem:$0x870]  }
0x112: {  	v21 =	vld [tilespmem:$0xC70];
	v0 =	vadd.f32 v1, v0;
	v1 =	vmul.f32 v3, v2  }
0x113: {  	v22 =	vld [tilespmem:$0x880]  }
0x114: {  	v23 =	vld [tilespmem:$0xC80];
	v0 =	vadd.f32 v1, v0;
	v1 =	vmul.f32 v56, v54  }
0x115: {  	v24 =	vld [tilespmem:$0x890]  }
0x116: {  	v25 =	vld [tilespmem:$0xC90];
	v0 =	vadd.f32 v1, v0;
	v1 =	vmul.f32 v59, v57  }
0x117: {  	v2 =	vld [tilespmem:$0xC50]  }
0x118: {  	v26 =	vld [tilespmem:$0x8A0];
	v0 =	vadd.f32 v1, v0;
	v1 =	vmul.f32 v62, v60  }
0x119: {  	v3 =	vld [tilespmem:$0x860]  }
0x11a: {  	v27 =	vld [tilespmem:$0x8B0];
	v0 =	vadd.f32 v1, v0;
	v1 =	vmul.f32 v17, v63  }
0x11b: {  	v28 =	vld [tilespmem:$0x8C0]  }
0x11c: {  	v29 =	vld [tilespmem:$0xCC0];
	v0 =	vadd.f32 v1, v0;
	v1 =	vmul.f32 v2, v18  }
0x11d: {  	v30 =	vld [tilespmem:$0x8D0]  }
0x11e: {  	v31 =	vld [tilespmem:$0xCD0];
	v0 =	vadd.f32 v1, v0;
	v1 =	vmul.f32 v19, v3  }
0x11f: {  	v32 =	vld [tilespmem:$0x8E0]  }
0x120: {  	v33 =	vld [tilespmem:$0xCE0];
	v0 =	vadd.f32 v1, v0;
	v1 =	vmul.f32 v21, v20  }
0x121: {  	v2 =	vld [tilespmem:$0xCA0]  }
0x122: {  	v34 =	vld [tilespmem:$0x8F0];
	v0 =	vadd.f32 v1, v0;
	v1 =	vmul.f32 v23, v22  }
0x123: {  	v3 =	vld [tilespmem:$0xCB0]  }
0x124: {  	v35 =	vld [tilespmem:$0x900];
	v0 =	vadd.f32 v1, v0;
	v1 =	vmul.f32 v25, v24  }
0x125: {  	v36 =	vld [tilespmem:$0x910]  }
0x126: {  	v37 =	vld [tilespmem:$0xD10];
	v0 =	vadd.f32 v1, v0;
	v1 =	vmul.f32 v2, v26  }
0x127: {  	v38 =	vld [tilespmem:$0x920]  }
0x128: {  	v39 =	vld [tilespmem:$0xD20];
	v0 =	vadd.f32 v1, v0;
	v1 =	vmul.f32 v3, v27  }
0x129: {  	v40 =	vld [tilespmem:$0x930]  }
0x12a: {  	v41 =	vld [tilespmem:$0xD30];
	v0 =	vadd.f32 v1, v0;
	v1 =	vmul.f32 v29, v28  }
0x12b: {  	v2 =	vld [tilespmem:$0xCF0]  }
0x12c: {  	v42 =	vld [tilespmem:$0x940];
	v0 =	vadd.f32 v1, v0;
	v1 =	vmul.f32 v31, v30  }
0x12d: {  	v3 =	vld [tilespmem:$0xD00]  }
0x12e: {  	v43 =	vld [tilespmem:$0x950];
	v0 =	vadd.f32 v1, v0;
	v1 =	vmul.f32 v33, v32  }
0x12f: {  	v44 =	vld [tilespmem:$0x960]  }
0x130: {  	v45 =	vld [tilespmem:$0xD60];
	v0 =	vadd.f32 v1, v0;
	v1 =	vmul.f32 v2, v34  }
0x131: {  	v46 =	vld [tilespmem:$0x970]  }
0x132: {  	v47 =	vld [tilespmem:$0xD70];
	v0 =	vadd.f32 v1, v0;
	v1 =	vmul.f32 v3, v35  }
0x133: {  	v48 =	vld [tilespmem:$0x980]  }
0x134: {  	v49 =	vld [tilespmem:$0xD80];
	v0 =	vadd.f32 v1, v0;
	v1 =	vmul.f32 v37, v36  }
0x135: {  	v2 =	vld [tilespmem:$0xD40]  }
0x136: {  	v50 =	vld [tilespmem:$0x990];
	v0 =	vadd.f32 v1, v0;
	v1 =	vmul.f32 v39, v38  }
0x137: {  	v3 =	vld [tilespmem:$0xD50]  }
0x138: {  	v51 =	vld [tilespmem:$0x9A0];
	v0 =	vadd.f32 v1, v0;
	v1 =	vmul.f32 v41, v40  }
0x139: {  	v52 =	vld [tilespmem:$0x9B0]  }
0x13a: {  	v53 =	vld [tilespmem:$0xDB0];
	v0 =	vadd.f32 v1, v0;
	v1 =	vmul.f32 v2, v42  }
0x13b: {  	v55 =	vld [tilespmem:$0xDC0]  }
0x13c: {  	v58 =	vld [tilespmem:$0x9E0];
	v0 =	vadd.f32 v1, v0;
	v1 =	vmul.f32 v3, v43  }
0x13d: {  	v61 =	vld [tilespmem:$0xE00]  }
0x13e: {  	v16 =	vld [tilespmem:$0xA20];
	v0 =	vadd.f32 v1, v0;
	v1 =	vmul.f32 v45, v44  }
0x13f: {  	v2 =	vld [tilespmem:$0xD90]  }
0x140: {  	v54 =	vld [tilespmem:$0x9C0];
	v0 =	vadd.f32 v1, v0;
	v1 =	vmul.f32 v47, v46  }
0x141: {  	v3 =	vld [tilespmem:$0xDA0]  }
0x142: {  	v56 =	vld [tilespmem:$0x9D0];
	v0 =	vadd.f32 v1, v0;
	v1 =	vmul.f32 v49, v48  }
0x143: {  	v57 =	vld [tilespmem:$0xDD0]  }
0x144: {  	v59 =	vld [tilespmem:$0x9F0];
	v0 =	vadd.f32 v1, v0;
	v1 =	vmul.f32 v2, v50  }
0x145: {  	v60 =	vld [tilespmem:$0xA00]  }
0x146: {  	v62 =	vld [tilespmem:$0xA10];
	v0 =	vadd.f32 v1, v0;
	v1 =	vmul.f32 v3, v51  }
0x147: {  	v63 =	vld [tilespmem:$0xE10]  }
0x148: {  	v17 =	vld [tilespmem:$0xE20];
	v0 =	vadd.f32 v1, v0;
	v1 =	vmul.f32 v53, v52  }
0x149: {  	v2 =	vld [tilespmem:$0xDE0]  }
0x14a: {  	v18 =	vld [tilespmem:$0xA30];
	v0 =	vadd.f32 v1, v0;
	v1 =	vmul.f32 v55, v54  }
0x14b: {  	v3 =	vld [tilespmem:$0xDF0]  }
0x14c: {  	v19 =	vld [tilespmem:$0xA40];
	v0 =	vadd.f32 v1, v0;
	v1 =	vmul.f32 v57, v56  }
0x14d: {  	v20 =	vld [tilespmem:$0xA50]  }
0x14e: {  	v21 =	vld [tilespmem:$0xE50];
	v0 =	vadd.f32 v1, v0;
	v1 =	vmul.f32 v2, v58  }
0x14f: {  	v22 =	vld [tilespmem:$0xA60]  }
0x150: {  	v23 =	vld [tilespmem:$0xE60];
	v0 =	vadd.f32 v1, v0;
	v1 =	vmul.f32 v3, v59  }
0x151: {  	v24 =	vld [tilespmem:$0xA70]  }
0x152: {  	v25 =	vld [tilespmem:$0xE70];
	v0 =	vadd.f32 v1, v0;
	v1 =	vmul.f32 v61, v60  }
0x153: {  	v2 =	vld [tilespmem:$0xE30]  }
0x154: {  	v26 =	vld [tilespmem:$0xA80];
	v0 =	vadd.f32 v1, v0;
	v1 =	vmul.f32 v63, v62  }
0x155: {  	v3 =	vld [tilespmem:$0xE40]  }
0x156: {  	v27 =	vld [tilespmem:$0xA90];
	v0 =	vadd.f32 v1, v0;
	v1 =	vmul.f32 v17, v16  }
0x157: {  	v28 =	vld [tilespmem:$0xAA0]  }
0x158: {  	v29 =	vld [tilespmem:$0xEA0];
	v0 =	vadd.f32 v1, v0;
	v1 =	vmul.f32 v2, v18  }
0x159: {  	v30 =	vld [tilespmem:$0xAB0]  }
0x15a: {  	v31 =	vld [tilespmem:$0xEB0];
	v0 =	vadd.f32 v1, v0;
	v1 =	vmul.f32 v3, v19  }
0x15b: {  	v32 =	vld [tilespmem:$0xAC0]  }
0x15c: {  	v33 =	vld [tilespmem:$0xEC0];
	v0 =	vadd.f32 v1, v0;
	v1 =	vmul.f32 v21, v20  }
0x15d: {  	v2 =	vld [tilespmem:$0xE80]  }
0x15e: {  	v34 =	vld [tilespmem:$0xAD0];
	v0 =	vadd.f32 v1, v0;
	v1 =	vmul.f32 v23, v22  }
0x15f: {  	v3 =	vld [tilespmem:$0xE90]  }
0x160: {  	v35 =	vld [tilespmem:$0xAE0];
	v0 =	vadd.f32 v1, v0;
	v1 =	vmul.f32 v25, v24  }
0x161: {  	v36 =	vld [tilespmem:$0xAF0]  }
0x162: {  	v37 =	vld [tilespmem:$0xEF0];
	v0 =	vadd.f32 v1, v0;
	v1 =	vmul.f32 v2, v26  }
0x163: {  	v38 =	vld [tilespmem:$0xB00]  }
0x164: {  	v39 =	vld [tilespmem:$0xF00];
	v0 =	vadd.f32 v1, v0;
	v1 =	vmul.f32 v3, v27  }
0x165: {  	v40 =	vld [tilespmem:$0xB10]  }
0x166: {  	v41 =	vld [tilespmem:$0xF10];
	v0 =	vadd.f32 v1, v0;
	v1 =	vmul.f32 v29, v28  }
0x167: {  	v2 =	vld [tilespmem:$0xED0]  }
0x168: {  	v42 =	vld [tilespmem:$0xB20];
	v0 =	vadd.f32 v1, v0;
	v1 =	vmul.f32 v31, v30  }
0x169: {  	v3 =	vld [tilespmem:$0xEE0]  }
0x16a: {  	v43 =	vld [tilespmem:$0xB30];
	v0 =	vadd.f32 v1, v0;
	v1 =	vmul.f32 v33, v32  }
0x16b: {  	v44 =	vld [tilespmem:$0xB40]  }
0x16c: {  	v45 =	vld [tilespmem:$0xF40];
	v0 =	vadd.f32 v1, v0;
	v1 =	vmul.f32 v2, v34  }
0x16d: {  	v46 =	vld [tilespmem:$0xB50]  }
0x16e: {  	v47 =	vld [tilespmem:$0xF50];
	v0 =	vadd.f32 v1, v0;
	v1 =	vmul.f32 v3, v35  }
0x16f: {  	v48 =	vld [tilespmem:$0xB60]  }
0x170: {  	v49 =	vld [tilespmem:$0xF60];
	v0 =	vadd.f32 v1, v0;
	v1 =	vmul.f32 v37, v36  }
0x171: {  	v2 =	vld [tilespmem:$0xF20]  }
0x172: {  	v50 =	vld [tilespmem:$0xB70];
	v0 =	vadd.f32 v1, v0;
	v1 =	vmul.f32 v39, v38  }
0x173: {  	v3 =	vld [tilespmem:$0xF30]  }
0x174: {  	v51 =	vld [tilespmem:$0xB80];
	v0 =	vadd.f32 v1, v0;
	v1 =	vmul.f32 v41, v40  }
0x175: {  	v52 =	vld [tilespmem:$0xB90]  }
0x176: {  	v53 =	vld [tilespmem:$0xF90];
	v0 =	vadd.f32 v1, v0;
	v1 =	vmul.f32 v2, v42  }
0x177: {  	v54 =	vld [tilespmem:$0xBA0]  }
0x178: {  	v55 =	vld [tilespmem:$0xFA0];
	v0 =	vadd.f32 v1, v0;
	v1 =	vmul.f32 v3, v43  }
0x179: {  	v56 =	vld [tilespmem:$0xBB0]  }
0x17a: {  	v57 =	vld [tilespmem:$0xFB0];
	v0 =	vadd.f32 v1, v0;
	v1 =	vmul.f32 v45, v44  }
0x17b: {  	v2 =	vld [tilespmem:$0xF70]  }
0x17c: {  	v58 =	vld [tilespmem:$0xBC0];
	v0 =	vadd.f32 v1, v0;
	v1 =	vmul.f32 v47, v46  }
0x17d: {  	s6 =	simm.s32 $0x80;
	s17 =	simm.s32 $0x480;
	v3 =	vld [tilespmem:$0xF80]  }
0x17e: {  	s10 =	simm.s32 $0x100;
	s8 =	simm.s32 $0xC80;
	s2 =	rddreg [dreg:$0x19];
	v59 =	vld [tilespmem:$0xBD0];
	v0 =	vadd.f32 v1, v0;
	v1 =	vmul.f32 v49, v48  }
0x17f: {  	s9 =	simm.s32 $0x500;
	s18 =	simm.s32 $0x900;
	s13 =	rddreg [dreg:$0x17];
	v60 =	vld [tilespmem:$0xBE0]  }
0x180: {  	s12 =	simm.s32 $0x180;
	s0 =	simm.s32 $0xD00;
	s14 =	rddreg [dreg:$0x1a];
	v61 =	vld [tilespmem:$0xFE0];
	v0 =	vadd.f32 v1, v0;
	v1 =	vmul.f32 v2, v50  }
0x181: {  	s4 =	simm.s32 $0x980;
	s11 =	sshrl.u32 @p2 s2, $0x3;
	s13 =	sadd.s32 @p2 s14, s13;
	v62 =	vld [tilespmem:$0xBF0]  }
0x182: {  	s28 =	simm.s32 $0x200;
	s15 =	smul.u32 @p2 $0x7A1400, s11;
	s13 =	sadd.s32 @p2 $0x180, s13;
	v63 =	vld [tilespmem:$0xFF0];
	v0 =	vadd.f32 v1, v0;
	v1 =	vmul.f32 v3, v51  }
0x183: {  	s5 =	simm.s32 $0x600;
	s19 =	simm.s32 @p2 $0x80;
	s13 =	sand.u32 @p2 $0x380, s13;
	v2 =	vld [tilespmem:$0xFC0]  }
0x184: {  	s1 =	simm.s32 @p2 $0x10;
	s15 =	sor.u32 @p2 s13, s15;
	v3 =	vld [tilespmem:$0xFD0];
	[bflag:$0x0] =	sbarrier.arrive $0xFFFF;
	v0 =	vadd.f32 v1, v0;
	v1 =	vmul.f32 v53, v52  }
0x185: {  	s22 =	simm.s32 @p2 $0x1C02;
	s23 =	sshrl.u32 @p2 s15, $0x3;
	s15 =	rddreg [dreg:$0x0]  }
0x186: {  	s11 =	sshll.u32 @p2 s11, $0xA;
	s21 =	sadd.s32 @p2 s15, s23;
	s15 =	rddreg [dreg:$0x5];
	v0 =	vadd.f32 v1, v0;
	v1 =	vmul.f32 v55, v54  }
0x187: {  	s11 =	sor.u32 @p2 s13, s11;
	s23 =	simm.s32 @p2 $0x1;
	s15 =	sshrl.u32 @p2 s15, $0x3  }
0x188: {  	[spmem:s15@s1], [sflag:s22] =	dma.strided @p2 [hbm:s21@s19], $0x1E840, s23, $0x10 ;
	v0 =	vadd.f32 v1, v0;
	v1 =	vmul.f32 v57, v56  }
0x189: {  	s29 =	simm.s32 $0xA00;
	s11 =	sshrl.u32 @p2 s11, $0x3;
	s13 =	rddreg [dreg:$0x16]  }
0x18a: {  	s16 =	simm.s32 $0xE00;
	s11 =	sadd.s32 @p2 s13, s11;
	s13 =	rddreg [dreg:$0xd];
	v0 =	vadd.f32 v1, v0;
	v1 =	vmul.f32 v2, v58  }
0x18b: {  	s14 =	sadd.s32 $0x100, s14;
	s22 =	simm.s32 @p2 $0x1C02;
	s13 =	sshrl.u32 @p2 s13, $0x3  }
0x18c: {  	[spmem:s13], [sflag:s22] =	dma.local @p2 [hbm:s11], $0x10;
	v0 =	vadd.f32 v1, v0;
	v1 =	vmul.f32 v3, v59  }
0x18d: {  	s7 =	simm.s32 $0x300;
	s3 =	simm.s32 $0xE80;
	p2 =	sne.s32 s14, $0x1000  }
.Ltmp3:
0x18e: {  	s24 =	simm.s32 $0xB00;
	s26 =	simm.s32 $0xD80;
	v0 =	vadd.f32 v1, v0;
	v1 =	vmul.f32 v61, v60;
	(pc) =	sbr.rel @!p2 .LBB2_7-.Ltmp3, $4  }
0x18f: {  	s25 =	simm.s32 $0x580;
	s20 =	simm.s32 $0x4;
	s30 =	simm.s32 $0x700  }
0x190: {  	s31 =	simm.s32 $0x3;
	s2 =	sadd.s32 $0x2, s2;
	s19 =	simm.s32 $0x280;
	v0 =	vadd.f32 v1, v0;
	v1 =	vmul.f32 v63, v62  }
0x191: {  	s1 =	simm.s32 $0xA80;
	s21 =	simm.s32 $0xF00;
	s15 =	simm.s32 $0x880  }
0x192: {  	s23 =	simm.s32 $0xC00;
	s22 =	simm.s32 $0x680;
	[dreg:$0x19] =	wrdreg s2;
	v0 =	vadd.f32 v1, v0  }
.LBB2_2:
0x193: {  	s11 =	simm.s32 @!p0 $0x1  }
0x194: {  	_ =	swait.ge @!p0 [sflag:s11], $0x1E840  }
0x195: {  	[sflag:s11] =	ssyncset.done @!p0 $0x0  }
0x196: {  	[sflag:s11] =	ssyncadd.s32 @!p0 $0xFFFE17C0  }
0x197: {  	_ =	swait.ge @!p0 [sflag:s11], $0x10  }
0x198: {  	[sflag:s11] =	ssyncset.done @!p0 $0x0  }
0x199: {  	[sflag:s11] =	ssyncadd.s32 @!p0 $0xFFFFFFF0  }
0x19a: {  	[bflag:$0x0] =	sbarrier.arrive $0xFFFF  }
0x19b: {  	s13 =	simm.s32 $0x800;
	s2 =	simm.s32 $0x0;
	s11 =	rddreg [dreg:$0x4]  }
0x19c: {  	[tilespmem:s13], [sflag:$0x3] =	stream.indirect.gather [spmem:s11], $0x1, s2, s6, $0xb8;
	[tilespmem:$0x1F8D0] =	vst v63  }
0x19d: {  	s2 =	simm.s32 $0x400  }
0x19e: {  	[tilespmem:s23], [sflag:$0x4] =	stream.indirect.gather [spmem:s11], $0x1, s2, s6, $0xb8;
	[tilespmem:$0x1F8D0] =	vst v63  }
0x19f: {  	_ = 	snop  }
0x1a0: {  	[tilespmem:s15], [sflag:$0x3] =	stream.indirect.gather [spmem:s11], $0x1, s6, s6, $0xb8;
	[tilespmem:$0x1F8D0] =	vst v63  }
0x1a1: {  	_ = 	snop  }
0x1a2: {  	[tilespmem:s8], [sflag:$0x4] =	stream.indirect.gather [spmem:s11], $0x1, s17, s6, $0xb8;
	[tilespmem:$0x1F8D0] =	vst v63  }
0x1a3: {  	_ = 	snop  }
0x1a4: {  	[tilespmem:s18], [sflag:$0x3] =	stream.indirect.gather [spmem:s11], $0x1, s10, s6, $0xb8;
	[tilespmem:$0x1F8D0] =	vst v63  }
0x1a5: {  	_ = 	snop  }
0x1a6: {  	[tilespmem:s0], [sflag:$0x4] =	stream.indirect.gather [spmem:s11], $0x1, s9, s6, $0xb8;
	[tilespmem:$0x1F8D0] =	vst v63  }
0x1a7: {  	_ = 	snop  }
0x1a8: {  	[tilespmem:s4], [sflag:$0x3] =	stream.indirect.gather [spmem:s11], $0x1, s12, s6, $0xb8;
	[tilespmem:$0x1F8D0] =	vst v63  }
0x1a9: {  	_ = 	snop  }
0x1aa: {  	[tilespmem:s26], [sflag:$0x4] =	stream.indirect.gather [spmem:s11], $0x1, s25, s6, $0xb8;
	[tilespmem:$0x1F8D0] =	vst v63  }
0x1ab: {  	_ = 	snop  }
0x1ac: {  	[tilespmem:s29], [sflag:$0x3] =	stream.indirect.gather [spmem:s11], $0x1, s28, s6, $0xb8;
	[tilespmem:$0x1F8D0] =	vst v63  }
0x1ad: {  	_ = 	snop  }
0x1ae: {  	[tilespmem:s16], [sflag:$0x4] =	stream.indirect.gather [spmem:s11], $0x1, s5, s6, $0xb8;
	[tilespmem:$0x1F8D0] =	vst v63  }
0x1af: {  	_ = 	snop  }
0x1b0: {  	[tilespmem:s1], [sflag:$0x3] =	stream.indirect.gather [spmem:s11], $0x1, s19, s6, $0xb8;
	[tilespmem:$0x1F8D0] =	vst v63  }
0x1b1: {  	_ = 	snop  }
0x1b2: {  	[tilespmem:s3], [sflag:$0x4] =	stream.indirect.gather [spmem:s11], $0x1, s22, s6, $0xb8;
	[tilespmem:$0x1F8D0] =	vst v63  }
0x1b3: {  	_ = 	snop  }
0x1b4: {  	[tilespmem:s24], [sflag:$0x3] =	stream.indirect.gather [spmem:s11], $0x1, s7, s6, $0xb8;
	[tilespmem:$0x1F8D0] =	vst v63  }
0x1b5: {  	_ = 	snop  }
0x1b6: {  	[tilespmem:s21], [sflag:$0x4] =	stream.indirect.gather [spmem:s11], $0x1, s30, s6, $0xb8;
	[tilespmem:$0x1F8D0] =	vst v63  }
0x1b7: {  	s22 =	simm.s32 $0x380;
	s24 =	simm.s32 $0xB80  }
0x1b8: {  	[tilespmem:s24], [sflag:$0x3] =	stream.indirect.gather [spmem:s11], $0x1, s22, s6, $0xb8;
	[tilespmem:$0x1F8D0] =	vst v63  }
0x1b9: {  	s25 =	simm.s32 $0x780;
	s26 =	simm.s32 $0xF80  }
0x1ba: {  	[tilespmem:s26], [sflag:$0x4] =	stream.indirect.gather [spmem:s11], $0x1, s25, s6, $0xb8;
	[tilespmem:$0x1F8D0] =	vst v63  }
0x1bb: {  	_ =	swait.ge [sflag:s31], $0x80  }
0x1bc: {  	[sflag:s31] =	ssyncset.done $0x0  }
0x1bd: {  	[sflag:s31] =	ssyncadd.s32 $0xFFFFFF80  }
0x1be: {  	_ =	swait.ge [sflag:s20], $0x80  }
0x1bf: {  	[sflag:s20] =	ssyncset.done $0x0  }
0x1c0: {  	[sflag:s20] =	ssyncadd.s32 $0xFFFFFF80  }
0x1c1: {  	_ =	swait.ge [sflag:s31], $0x80  }
0x1c2: {  	[sflag:s31] =	ssyncset.done $0x0  }
0x1c3: {  	[sflag:s31] =	ssyncadd.s32 $0xFFFFFF80  }
0x1c4: {  	_ =	swait.ge [sflag:s20], $0x80  }
0x1c5: {  	[sflag:s20] =	ssyncset.done $0x0  }
0x1c6: {  	[sflag:s20] =	ssyncadd.s32 $0xFFFFFF80  }
0x1c7: {  	_ =	swait.ge [sflag:s31], $0x80  }
0x1c8: {  	[sflag:s31] =	ssyncset.done $0x0  }
0x1c9: {  	[sflag:s31] =	ssyncadd.s32 $0xFFFFFF80  }
0x1ca: {  	_ =	swait.ge [sflag:s20], $0x80  }
0x1cb: {  	[sflag:s20] =	ssyncset.done $0x0  }
0x1cc: {  	[sflag:s20] =	ssyncadd.s32 $0xFFFFFF80  }
0x1cd: {  	_ =	swait.ge [sflag:s31], $0x80  }
0x1ce: {  	[sflag:s31] =	ssyncset.done $0x0  }
0x1cf: {  	[sflag:s31] =	ssyncadd.s32 $0xFFFFFF80  }
0x1d0: {  	_ =	swait.ge [sflag:s20], $0x80  }
0x1d1: {  	[sflag:s20] =	ssyncset.done $0x0  }
0x1d2: {  	[sflag:s20] =	ssyncadd.s32 $0xFFFFFF80  }
0x1d3: {  	_ =	swait.ge [sflag:s31], $0x80  }
0x1d4: {  	[sflag:s31] =	ssyncset.done $0x0  }
0x1d5: {  	[sflag:s31] =	ssyncadd.s32 $0xFFFFFF80  }
0x1d6: {  	_ =	swait.ge [sflag:s20], $0x80  }
0x1d7: {  	[sflag:s20] =	ssyncset.done $0x0  }
0x1d8: {  	[sflag:s20] =	ssyncadd.s32 $0xFFFFFF80  }
0x1d9: {  	_ =	swait.ge [sflag:s31], $0x80  }
0x1da: {  	[sflag:s31] =	ssyncset.done $0x0  }
0x1db: {  	[sflag:s31] =	ssyncadd.s32 $0xFFFFFF80  }
0x1dc: {  	_ =	swait.ge [sflag:s20], $0x80  }
0x1dd: {  	[sflag:s20] =	ssyncset.done $0x0  }
0x1de: {  	[sflag:s20] =	ssyncadd.s32 $0xFFFFFF80  }
0x1df: {  	_ =	swait.ge [sflag:s31], $0x80  }
0x1e0: {  	[sflag:s31] =	ssyncset.done $0x0  }
0x1e1: {  	[sflag:s31] =	ssyncadd.s32 $0xFFFFFF80  }
0x1e2: {  	_ =	swait.ge [sflag:s20], $0x80  }
0x1e3: {  	[sflag:s20] =	ssyncset.done $0x0  }
0x1e4: {  	[sflag:s20] =	ssyncadd.s32 $0xFFFFFF80  }
0x1e5: {  	_ =	swait.ge [sflag:s31], $0x80  }
0x1e6: {  	[sflag:s31] =	ssyncset.done $0x0  }
0x1e7: {  	[sflag:s31] =	ssyncadd.s32 $0xFFFFFF80  }
0x1e8: {  	_ =	swait.ge [sflag:s20], $0x80  }
0x1e9: {  	[sflag:s20] =	ssyncset.done $0x0  }
0x1ea: {  	[sflag:s20] =	ssyncadd.s32 $0xFFFFFF80  }
0x1eb: {  	v3 =	vld [tilespmem:$0x9E0];
	_ =	sdelay $0x4  }
0x1ec: {  	[tilespmem:$0x1FBE0] =	vst v3;
	v3 =	vld [tilespmem:$0x9F0];
	_ =	sdelay $0x4  }
0x1ed: {  	[tilespmem:$0x1FBF0] =	vst v3;
	v3 =	vld [tilespmem:$0xA00];
	_ =	sdelay $0x4  }
0x1ee: {  	[tilespmem:$0x1FC00] =	vst v3;
	v3 =	vld [tilespmem:$0xE00];
	_ =	sdelay $0x4  }
0x1ef: {  	[tilespmem:$0x1FC10] =	vst v3;
	v3 =	vld [tilespmem:$0xA10];
	_ =	sdelay $0x4  }
0x1f0: {  	[tilespmem:$0x1FC20] =	vst v3;
	v3 =	vld [tilespmem:$0xE10];
	_ =	sdelay $0x4  }
0x1f1: {  	[tilespmem:$0x1FC30] =	vst v3;
	v3 =	vld [tilespmem:$0xA20];
	_ =	sdelay $0x4  }
0x1f2: {  	[tilespmem:$0x1FC40] =	vst v3;
	v3 =	vld [tilespmem:$0xE20];
	_ =	sdelay $0x4  }
0x1f3: {  	[tilespmem:$0x1FC50] =	vst v3;
	v3 =	vld [tilespmem:$0xA30];
	_ =	sdelay $0x4  }
0x1f4: {  	[tilespmem:$0x1FC60] =	vst v3;
	v3 =	vld [tilespmem:$0xE30];
	_ =	sdelay $0x4  }
0x1f5: {  	[tilespmem:$0x1FC70] =	vst v3;
	v3 =	vld [tilespmem:$0xA40];
	_ =	sdelay $0x4  }
0x1f6: {  	[tilespmem:$0x1FC80] =	vst v3;
	v3 =	vld [tilespmem:$0xE40];
	_ =	sdelay $0x4  }
0x1f7: {  	[tilespmem:$0x1FC90] =	vst v3;
	v3 =	vld [tilespmem:$0xA50];
	_ =	sdelay $0x4  }
0x1f8: {  	[tilespmem:$0x1FCA0] =	vst v3;
	v3 =	vld [tilespmem:$0xE50];
	_ =	sdelay $0x4  }
0x1f9: {  	[tilespmem:$0x1FCB0] =	vst v3;
	v3 =	vld [tilespmem:$0xA60];
	_ =	sdelay $0x4  }
0x1fa: {  	[tilespmem:$0x1FCC0] =	vst v3;
	v3 =	vld [tilespmem:$0xE60];
	_ =	sdelay $0x4  }
0x1fb: {  	[tilespmem:$0x1FCD0] =	vst v3;
	v3 =	vld [tilespmem:$0xA70];
	_ =	sdelay $0x4  }
0x1fc: {  	[tilespmem:$0x1FCE0] =	vst v3;
	v3 =	vld [tilespmem:$0xE70];
	_ =	sdelay $0x4  }
0x1fd: {  	[tilespmem:$0x1FCF0] =	vst v3;
	v3 =	vld [tilespmem:$0xA80];
	_ =	sdelay $0x4  }
0x1fe: {  	[tilespmem:$0x1FD00] =	vst v3;
	v3 =	vld [tilespmem:$0xE80];
	_ =	sdelay $0x4  }
0x1ff: {  	[tilespmem:$0x1FD10] =	vst v3;
	v3 =	vld [tilespmem:$0xA90];
	_ =	sdelay $0x4  }
0x200: {  	[tilespmem:$0x1FD20] =	vst v3;
	v3 =	vld [tilespmem:$0xE90];
	_ =	sdelay $0x4  }
0x201: {  	[tilespmem:$0x1FD30] =	vst v3;
	v3 =	vld [tilespmem:$0xAA0];
	_ =	sdelay $0x4  }
0x202: {  	[tilespmem:$0x1FD40] =	vst v3;
	v3 =	vld [tilespmem:$0xEA0];
	_ =	sdelay $0x4  }
0x203: {  	[tilespmem:$0x1FD50] =	vst v3;
	v3 =	vld [tilespmem:$0xAB0];
	_ =	sdelay $0x4  }
0x204: {  	[tilespmem:$0x1FD60] =	vst v3;
	v3 =	vld [tilespmem:$0xEB0];
	_ =	sdelay $0x4  }
0x205: {  	[tilespmem:$0x1FD70] =	vst v3;
	v3 =	vld [tilespmem:$0xAC0];
	_ =	sdelay $0x4  }
0x206: {  	[tilespmem:$0x1FD80] =	vst v3;
	v3 =	vld [tilespmem:$0xEC0];
	_ =	sdelay $0x4  }
0x207: {  	[tilespmem:$0x1FD90] =	vst v3;
	v3 =	vld [tilespmem:$0xAD0];
	_ =	sdelay $0x4  }
0x208: {  	[tilespmem:$0x1FDA0] =	vst v3;
	v3 =	vld [tilespmem:$0xED0];
	_ =	sdelay $0x4  }
0x209: {  	[tilespmem:$0x1FDB0] =	vst v3;
	v3 =	vld [tilespmem:$0xAE0];
	_ =	sdelay $0x4  }
0x20a: {  	[tilespmem:$0x1FDC0] =	vst v3;
	v3 =	vld [tilespmem:$0xEE0];
	_ =	sdelay $0x4  }
0x20b: {  	[tilespmem:$0x1FDD0] =	vst v3;
	v3 =	vld [tilespmem:$0xAF0];
	_ =	sdelay $0x4  }
0x20c: {  	[tilespmem:$0x1FDE0] =	vst v3;
	v3 =	vld [tilespmem:$0xEF0];
	_ =	sdelay $0x4  }
0x20d: {  	[tilespmem:$0x1FDF0] =	vst v3;
	v3 =	vld [tilespmem:$0xB00];
	_ =	sdelay $0x4  }
0x20e: {  	[tilespmem:$0x1FE00] =	vst v3;
	v3 =	vld [tilespmem:$0xF00];
	_ =	sdelay $0x4  }
0x20f: {  	[tilespmem:$0x1FE10] =	vst v3;
	v3 =	vld [tilespmem:$0xB10];
	_ =	sdelay $0x4  }
0x210: {  	[tilespmem:$0x1FE20] =	vst v3;
	v3 =	vld [tilespmem:$0xF10];
	_ =	sdelay $0x4  }
0x211: {  	[tilespmem:$0x1FE30] =	vst v3;
	v3 =	vld [tilespmem:$0xB20];
	_ =	sdelay $0x4  }
0x212: {  	[tilespmem:$0x1FE40] =	vst v3;
	v3 =	vld [tilespmem:$0xF20];
	_ =	sdelay $0x4  }
0x213: {  	[tilespmem:$0x1FE50] =	vst v3;
	v3 =	vld [tilespmem:$0xB30];
	_ =	sdelay $0x4  }
0x214: {  	[tilespmem:$0x1FE60] =	vst v3;
	v3 =	vld [tilespmem:$0xF30];
	_ =	sdelay $0x4  }
0x215: {  	[tilespmem:$0x1FE70] =	vst v3;
	v3 =	vld [tilespmem:$0xB40];
	_ =	sdelay $0x4  }
0x216: {  	[tilespmem:$0x1FE80] =	vst v3;
	v3 =	vld [tilespmem:$0xF40];
	_ =	sdelay $0x4  }
0x217: {  	[tilespmem:$0x1FE90] =	vst v3;
	v3 =	vld [tilespmem:$0xB50];
	_ =	sdelay $0x4  }
0x218: {  	[tilespmem:$0x1FEA0] =	vst v3;
	v3 =	vld [tilespmem:$0xF50];
	_ =	sdelay $0x4  }
0x219: {  	[tilespmem:$0x1FEB0] =	vst v3;
	v3 =	vld [tilespmem:$0xB60];
	_ =	sdelay $0x4  }
0x21a: {  	[tilespmem:$0x1FEC0] =	vst v3;
	v3 =	vld [tilespmem:$0xF60];
	_ =	sdelay $0x4  }
0x21b: {  	[tilespmem:$0x1FED0] =	vst v3;
	v3 =	vld [tilespmem:$0xB70];
	_ =	sdelay $0x4  }
0x21c: {  	[tilespmem:$0x1FEE0] =	vst v3;
	v3 =	vld [tilespmem:$0xF70];
	_ =	sdelay $0x4  }
0x21d: {  	[tilespmem:$0x1FEF0] =	vst v3;
	v3 =	vld [tilespmem:$0xB80];
	_ =	sdelay $0x4  }
0x21e: {  	[tilespmem:$0x1FF00] =	vst v3;
	v3 =	vld [tilespmem:$0xF80]  }
0x21f: {  	v27 =	vld [tilespmem:$0x800]  }
0x220: {  	v47 =	vld [tilespmem:$0xC00]  }
0x221: {  	v28 =	vld [tilespmem:$0x810]  }
0x222: {  	v48 =	vld [tilespmem:$0xC10]  }
0x223: {  	[tilespmem:$0x1FF10] =	vst v3;
	v3 =	vld [tilespmem:$0xB90]  }
0x224: {  	v29 =	vld [tilespmem:$0x820]  }
0x225: {  	v49 =	vld [tilespmem:$0xC20]  }
0x226: {  	v30 =	vld [tilespmem:$0x830]  }
0x227: {  	v50 =	vld [tilespmem:$0xC30]  }
0x228: {  	[tilespmem:$0x1FF20] =	vst v3;
	v3 =	vld [tilespmem:$0xF90]  }
0x229: {  	v31 =	vld [tilespmem:$0x840]  }
0x22a: {  	v51 =	vld [tilespmem:$0xC40]  }
0x22b: {  	v32 =	vld [tilespmem:$0x850]  }
0x22c: {  	v52 =	vld [tilespmem:$0xC50]  }
0x22d: {  	[tilespmem:$0x1FF30] =	vst v3;
	v3 =	vld [tilespmem:$0xBA0]  }
0x22e: {  	v33 =	vld [tilespmem:$0x860]  }
0x22f: {  	v53 =	vld [tilespmem:$0xC60]  }
0x230: {  	v34 =	vld [tilespmem:$0x870]  }
0x231: {  	v54 =	vld [tilespmem:$0xC70]  }
0x232: {  	[tilespmem:$0x1FF40] =	vst v3;
	v3 =	vld [tilespmem:$0xFA0]  }
0x233: {  	v35 =	vld [tilespmem:$0x880]  }
0x234: {  	v55 =	vld [tilespmem:$0xC80]  }
0x235: {  	v36 =	vld [tilespmem:$0x890]  }
0x236: {  	v56 =	vld [tilespmem:$0xC90]  }
0x237: {  	[tilespmem:$0x1FF50] =	vst v3;
	v3 =	vld [tilespmem:$0xBB0]  }
0x238: {  	v37 =	vld [tilespmem:$0x8A0]  }
0x239: {  	v57 =	vld [tilespmem:$0xCA0]  }
0x23a: {  	v38 =	vld [tilespmem:$0x8B0]  }
0x23b: {  	v58 =	vld [tilespmem:$0xCB0]  }
0x23c: {  	[tilespmem:$0x1FF60] =	vst v3;
	v3 =	vld [tilespmem:$0xFB0]  }
0x23d: {  	v39 =	vld [tilespmem:$0x8C0]  }
0x23e: {  	v59 =	vld [tilespmem:$0xCC0]  }
0x23f: {  	v40 =	vld [tilespmem:$0x8D0]  }
0x240: {  	v60 =	vld [tilespmem:$0xCD0]  }
0x241: {  	[tilespmem:$0x1FF70] =	vst v3;
	v3 =	vld [tilespmem:$0xBC0]  }
0x242: {  	v41 =	vld [tilespmem:$0x8E0]  }
0x243: {  	v61 =	vld [tilespmem:$0xCE0]  }
0x244: {  	v42 =	vld [tilespmem:$0x8F0]  }
0x245: {  	v62 =	vld [tilespmem:$0xCF0]  }
0x246: {  	[tilespmem:$0x1FF80] =	vst v3;
	v3 =	vld [tilespmem:$0xFC0]  }
0x247: {  	v43 =	vld [tilespmem:$0x900]  }
0x248: {  	v63 =	vld [tilespmem:$0xD00]  }
0x249: {  	v44 =	vld [tilespmem:$0x910]  }
0x24a: {  	v1 =	vld [tilespmem:$0xD10]  }
0x24b: {  	[tilespmem:$0x1FF90] =	vst v3;
	v3 =	vld [tilespmem:$0xBD0]  }
0x24c: {  	v45 =	vld [tilespmem:$0x920]  }
0x24d: {  	v2 =	vld [tilespmem:$0xD20]  }
0x24e: {  	v25 =	vld [tilespmem:$0x930]  }
0x24f: {  	v46 =	vld [tilespmem:$0xD30]  }
0x250: {  	[tilespmem:$0x1FFA0] =	vst v3;
	v3 =	vld [tilespmem:$0xFD0]  }
0x251: {  	v23 =	vld [tilespmem:$0x940]  }
0x252: {  	v26 =	vld [tilespmem:$0xD40]  }
0x253: {  	v21 =	vld [tilespmem:$0x950]  }
0x254: {  	v24 =	vld [tilespmem:$0xD50]  }
0x255: {  	[tilespmem:$0x1FFB0] =	vst v3;
	v3 =	vld [tilespmem:$0xBE0]  }
0x256: {  	v19 =	vld [tilespmem:$0x960]  }
0x257: {  	v22 =	vld [tilespmem:$0xD60]  }
0x258: {  	v17 =	vld [tilespmem:$0x970]  }
0x259: {  	v20 =	vld [tilespmem:$0xD70]  }
0x25a: {  	[tilespmem:$0x1FFC0] =	vst v3;
	v3 =	vld [tilespmem:$0xFE0]  }
0x25b: {  	v15 =	vld [tilespmem:$0x980]  }
0x25c: {  	v18 =	vld [tilespmem:$0xD80]  }
0x25d: {  	v13 =	vld [tilespmem:$0x990]  }
0x25e: {  	v16 =	vld [tilespmem:$0xD90]  }
0x25f: {  	[tilespmem:$0x1FFD0] =	vst v3;
	v3 =	vld [tilespmem:$0xBF0]  }
0x260: {  	p2 =	sne.s32 s14, $0xF00;
	v11 =	vld [tilespmem:$0x9A0]  }
0x261: {  	p2 =	por !p1, !p2;
	v14 =	vld [tilespmem:$0xDA0]  }
0x262: {  	p2 =	por !p2, !p2;
	s13 =	simm.s32 $0xE80;
	s2 =	smov.u32 s11;
	v9 =	vld [tilespmem:$0x9B0]  }
0x263: {  	s17 =	simm.s32 $0xC80;
	s8 =	simm.s32 $0x100;
	s10 =	simm.s32 $0x900;
	v12 =	vld [tilespmem:$0xDB0]  }
0x264: {  	s18 =	simm.s32 $0x500;
	s9 =	simm.s32 $0xD00;
	s0 =	simm.s32 $0x180;
	[tilespmem:$0x1FFE0] =	vst v3;
	v3 =	vld [tilespmem:$0xFF0]  }
0x265: {  	s12 =	simm.s32 $0x980;
	s4 =	simm.s32 $0x580;
	s28 =	simm.s32 $0xA00;
	v7 =	vld [tilespmem:$0x9C0]  }
0x266: {  	s29 =	simm.s32 $0x600;
	s5 =	simm.s32 $0xE00;
	s16 =	simm.s32 $0x280;
	v10 =	vld [tilespmem:$0xDC0]  }
.Ltmp4:
0x267: {  	s19 =	simm.s32 $0xA80;
	s1 =	simm.s32 $0x680;
	v5 =	vld [tilespmem:$0x9D0];
	(pc) =	sbr.rel @p2 .LBB2_3-.Ltmp4, $4  }
0x268: {  	s3 =	simm.s32 $0x300;
	s7 =	simm.s32 $0xB00;
	s30 =	simm.s32 $0x3;
	v8 =	vld [tilespmem:$0xDD0]  }
0x269: {  	s24 =	simm.s32 $0x700;
	s11 =	simm.s32 $0x480;
	s25 =	simm.s32 $0xD80;
	v6 =	vld [tilespmem:$0xDE0];
	[tilespmem:$0x1FFF0] =	vst v3  }
0x26a: {  	s26 =	simm.s32 $0x200;
	s6 =	smov.u32 s14;
	v4 =	vld [tilespmem:$0xDF0];
	[bflag:$0x0] =	sbarrier.arrive $0xFFFF  }
0x26b: {  	s14 =	simm.s32 $0x80;
	s31 =	simm.s32 $0x4;
	[dreg:$0x1a] =	wrdreg s6  }
.Ltmp5:
0x26c: {  	(pc) =	sbr.rel @p0 .LBB2_6-.Ltmp5, $4  }
.Ltmp6:
0x26d: {  	(pc) =	sbr.rel @!p0 .LBB2_5-.Ltmp6, $4  }
0x26e: {  	_ = 	snop  }
0x26f: {  	_ = 	snop  }
0x270: {  	_ = 	snop  }
0x271: {  	_ = 	snop  }
.LBB2_8:
0x272: {  	_ =	sfence.sel $0x180000  }
0x273: {  	[bflag:$0x0] =	sbarrier.arrive $0xFFFF  }
0x274: {  	_ =	strace $0x90000047  }
0x275: {  	[bflag:$0x2] =	sbarrier.arrive $0xFFFF  }
0x276: {  	s0 =	rddreg [dreg:$0x6]  }
0x277: {  	s0 =	sadd.s32 @!p0 $0x100000, s0  }
0x278: {  	[sflag:s0] =	ssyncadd.tile.s32 @!p0 $0x1;
	_ =	shalt  }
.Lfunc_end2:
_tile_overlayer_lowered:
.L_overlay_start_2:
0x279: {  	(tag) =	ssettag $0x2  }
0x27a: {  	s0 =	rddreg [dreg:$0x0];
	s2 =	stileid.u32  }
0x27b: {  	s1 =	rddreg [dreg:$0x1];
	p0 =	sne.s32 s2, $0x0  }
0x27c: {  	s3 =	rddreg [dreg:$0x2];
	[bflag:$0x3] =	sbarrier.arrive $0xFFFF;
	s2 =	simm.s32 @!p0 $0x1C05  }
0x27d: {  	[timem:s3], [sflag:s2] =	dma.local @!p0 [hbm:s0], s1  }
0x27e: {  	s0 =	simm.s32 @!p0 $0x5  }
0x27f: {  	_ =	swait.ge @!p0 [sflag:s0], s1  }
0x280: {  	s1 =	ssub.s32 @!p0 $0x0, s1;
	[sflag:s0] =	ssyncset.done @!p0 $0x0  }
0x281: {  	[sflag:s0] =	ssyncadd.s32 @!p0 s1  }
0x282: {  	[bflag:$0x3] =	sbarrier.arrive $0xFFFF  }
0x283: {  	_ =	shalt  }

</sc_bundles>
